<compile_context>
chip_gen: v7x
topology: tpu7x:2x2x1
jax: 0.10.2.dev20260603
libtpu: 0.0.44.dev20260713+nightly
codegen_flags: <defaults>
</compile_context>

<pallas_src>
import jax
import jax.numpy as jnp
from jax import lax
from jax.experimental import pallas as pl
from jax.experimental.pallas import tpu as pltpu
from jax.experimental.pallas import tpu_sc as plsc

_N = 100000
_E = 3200000
_C = 7
_ROW = 8
_SEMI_LAMBDA = 0.001
_EDGE_LAMBDA = 1.0

_NC = 2
_NS = 16
_NW = _NC * _NS
_EPW = _E // _NW
_B = 800
_NCHUNK = _EPW // _B
_NPAIR = (_NCHUNK - 1) // 2
_SUB = 80
_NSUB = _B // _SUB
_STEPS = _B // 16
_NPT = 3136
_NPAD = _NW * _NPT
_NSTEPS = _NPT // 16
_MROWS = _NPAD // 64

_LN2 = 0.6931471805599453


def _vlog(x):
    bits = lax.bitcast_convert_type(x, jnp.int32)
    e = (bits >> 23) - 127
    m = lax.bitcast_convert_type(
        (bits & jnp.int32(0x007FFFFF)) | jnp.int32(0x3F800000), jnp.float32)
    big = m > jnp.float32(1.41421356)
    m = jnp.where(big, m * jnp.float32(0.5), m)
    e = jnp.where(big, e + 1, e)
    f = m - jnp.float32(1.0)
    z = f * f
    p = jnp.float32(1.4249322787e-1)
    p = p * f + jnp.float32(-1.6668057665e-1)
    p = p * f + jnp.float32(2.0000714765e-1)
    p = p * f + jnp.float32(-2.4999993993e-1)
    p = p * f + jnp.float32(3.3333331174e-1)
    r = f * z * p - jnp.float32(0.5) * z + f
    return r + e.astype(jnp.float32) * jnp.float32(_LN2)


def _body(*refs):
    (pe, edg, pnd, mta, out) = refs[:5]
    (isl00, isl01, isl10, isl11, own0, own1,
     rec00, rec01, rec10, rec11,
     metat, npn, accout,
     semi0, semi1, semg0, semg1) = refs[5:]

    wid = lax.axis_index("s") * _NC + lax.axis_index("c")
    la = lax.iota(jnp.int32, 16)
    cols = [jnp.full((16,), c, jnp.int32) for c in range(_ROW)]
    zero = jnp.zeros((16,), jnp.float32)
    one = jnp.full((16,), 1.0, jnp.float32)

    def meta_of(i):
        w = plsc.load_gather(metat, [i >> 6, (i >> 2) & 15])
        return (w >> ((i & 3) << 3)) & 15

    ebase = wid * _EPW

    def start_fetch(ci, sl0, sl1, ownbuf, sem):
        base = ebase + ci * _B
        pltpu.async_copy(edg.at[0, pl.ds(base, _B)], sl0, sem)
        pltpu.async_copy(edg.at[1, pl.ds(base, _B)], sl1, sem)
        pltpu.async_copy(pe.at[pl.ds(base, _B)], ownbuf, sem)

    def wait_fetch(sl0, sl1, ownbuf, sem):
        pltpu.make_async_copy(edg.at[0, pl.ds(0, _B)], sl0, sem).wait()
        pltpu.make_async_copy(edg.at[0, pl.ds(0, _B)], sl1, sem).wait()
        pltpu.make_async_copy(pe.at[pl.ds(0, _B)], ownbuf, sem).wait()

    def issue_gathers(sl0, sl1, r0buf, r1buf, sem):
        for r in range(_NSUB):
            pltpu.async_copy(
                pe.at[sl0.at[pl.ds(r * _SUB, _SUB)]],
                r0buf.at[pl.ds(r * _SUB, _SUB)], sem)
            pltpu.async_copy(
                pe.at[sl1.at[pl.ds(r * _SUB, _SUB)]],
                r1buf.at[pl.ds(r * _SUB, _SUB)], sem)

    def wait_gathers(r0buf, r1buf, sem):
        pltpu.make_async_copy(pe.at[pl.ds(0, _B)], r0buf, sem).wait()
        pltpu.make_async_copy(pe.at[pl.ds(0, _B)], r1buf, sem).wait()

    def compute(sl0, sl1, own, rec0, rec1, carry):
        def step(t, c2):
            s2, slog, sden, slast = c2
            j = t * 16 + la
            i0 = sl0[pl.ds(t * 16, 16)]
            i1 = sl1[pl.ds(t * 16, 16)]
            acc = jnp.zeros((16,), jnp.float32)
            for c in range(_ROW):
                a = plsc.load_gather(rec0, [j, cols[c]])
                b = plsc.load_gather(rec1, [j, cols[c]])
                d = a - b
                acc = acc + d * d
            mt0 = meta_of(i0)
            mt1 = meta_of(i1)
            g0 = mt0 & 7
            g1 = mt1 & 7
            m0 = mt0 >> 3
            m1 = mt1 >> 3
            plast = plsc.load_gather(own, [j, cols[7]])
            p0 = plsc.load_gather(own, [j, g0])
            p1 = plsc.load_gather(own, [j, g1])
            m0b = m0 == 1
            m1b = m1 == 1
            bothb = (m0 & m1) == 1
            anyi = m0 | m1
            sameb = g0 == g1
            arg1 = jnp.where(sameb, p0, plast)
            arg2 = jnp.where(m0b, plast + p0,
                             jnp.where(m1b, plast + p1, one))
            arg = jnp.where(bothb, arg1, arg2)
            return (s2 + acc, slog + _vlog(arg), sden + anyi,
                    slast + plast)

        return lax.fori_loop(0, _STEPS, step, carry)

    start_fetch(0, isl00, isl01, own0, semi0)

    pltpu.sync_copy(mta, metat)
    nbase = wid * _NPT
    pltpu.sync_copy(pnd.at[pl.ds(nbase, _NPT)], npn)

    def nstep(t, carry):
        nlog, ncnt = carry
        j = t * 16 + la
        mt = meta_of(nbase + j)
        g = mt & 7
        mv = (mt >> 3).astype(jnp.float32)
        pn = plsc.load_gather(npn, [j, g])
        return nlog + mv * _vlog(pn), ncnt + mv

    nlog, ncnt = lax.fori_loop(0, _NSTEPS, nstep, (zero, zero))

    wait_fetch(isl00, isl01, own0, semi0)
    issue_gathers(isl00, isl01, rec00, rec01, semg0)
    start_fetch(1, isl10, isl11, own1, semi1)

    izero = jnp.zeros((16,), jnp.int32)

    def pair(k, carry):
        c0 = 2 * k
        s2, slog, sden, slast = carry
        wait_fetch(isl10, isl11, own1, semi1)
        issue_gathers(isl10, isl11, rec10, rec11, semg1)
        wait_gathers(rec00, rec01, semg0)
        carry = compute(isl00, isl01, own0, rec00, rec01,
                        (s2, slog, sden, slast))
        start_fetch(c0 + 2, isl00, isl01, own0, semi0)
        wait_fetch(isl00, isl01, own0, semi0)
        issue_gathers(isl00, isl01, rec00, rec01, semg0)
        wait_gathers(rec10, rec11, semg1)
        carry = compute(isl10, isl11, own1, rec10, rec11, carry)

        @pl.when(k < _NPAIR - 1)
        def _():
            start_fetch(c0 + 3, isl10, isl11, own1, semi1)
        return carry

    sdeni = izero
    carry = lax.fori_loop(0, _NPAIR, pair, (zero, zero, sdeni, zero))

    wait_gathers(rec00, rec01, semg0)
    s2, slog, sden, slast = compute(isl00, isl01, own0, rec00, rec01, carry)

    accout[0] = s2
    accout[1] = slog
    accout[2] = sden.astype(jnp.float32)
    accout[3] = slast
    accout[4] = nlog
    accout[5] = ncnt
    pltpu.sync_copy(accout, out.at[wid])


_mesh = plsc.VectorSubcoreMesh(
    core_axis_name="c", subcore_axis_name="s", num_cores=_NC,
    num_subcores=_NS)

_sc_call = pl.kernel(
    _body,
    out_type=jax.ShapeDtypeStruct((_NW, 6, 16), jnp.float32),
    mesh=_mesh,
    scratch_types=(
        [pltpu.VMEM((_B,), jnp.int32) for _ in range(4)]
        + [pltpu.VMEM((_B, _ROW), jnp.float32) for _ in range(2)]
        + [pltpu.VMEM((_B, _ROW), jnp.float32) for _ in range(4)]
        + [
            pltpu.VMEM((_MROWS, 16), jnp.int32),
            pltpu.VMEM((_NPT, _ROW), jnp.float32),
            pltpu.VMEM((6, 16), jnp.float32),
        ]
        + [pltpu.SemaphoreType.DMA for _ in range(4)]),
    compiler_params=pltpu.CompilerParams(
        use_tc_tiling_on_sc=False, needs_layout_passes=False),
)


def kernel(poss_node, poss_edge, groundTruth, mask, edges):
    gt32 = groundTruth.astype(jnp.int32)
    meta8 = gt32 + 8 * mask.astype(jnp.int32)
    metaw = jnp.pad(meta8, (0, _NPAD - _N)).reshape(_NPAD // 4, 4)
    metaw = (metaw[:, 0] | (metaw[:, 1] << 8) | (metaw[:, 2] << 16)
             | (metaw[:, 3] << 24)).reshape(_MROWS, 16)
    pnode = jnp.pad(poss_node, ((0, _NPAD - _N), (0, _ROW - _C)),
                    constant_values=1.0)

    parts = _sc_call(poss_edge, edges.T, pnode, metaw)
    s2 = jnp.sum(parts[:, 0, :])
    slog = jnp.sum(parts[:, 1, :])
    den = jnp.sum(parts[:, 2, :])
    slast = jnp.sum(parts[:, 3, :])
    nlog = jnp.sum(parts[:, 4, :])
    ncnt = jnp.sum(parts[:, 5, :])

    loss = -nlog / ncnt
    semi = jnp.float32(_SEMI_LAMBDA) * (jnp.float32(_E) - slast) * s2
    el = -slog * jnp.float32(_EDGE_LAMBDA) / den
    el = el * jnp.float32(_EDGE_LAMBDA) / den
    return loss + semi + el

# --- scband reference (transcript-rebuilt; emitter-appended) ---
"""Pipeline reference for scband-edge-loss-86354612453484 (READ-ONLY COPY).

The authoritative reference and input builder live on the scoring server;
editing this copy changes nothing except your own understanding.
"""

import jax, jax.numpy as jnp
import numpy as np

N = 100000
E = 3200000
C = 7
SEMI_LAMBDA = 0.001
EDGE_LAMBDA = 1.0


def setup_inputs(seed: int = 0) -> dict:
    key = jax.random.key(seed)
    k1, k2, k3, k4, k5 = jax.random.split(key, 5)
    # probabilities kept away from 0 so log() stays finite (faithful to the
    # assumption that these are softmax outputs)
    poss_node = jax.random.uniform(k1, (N, C), jnp.float32, 0.05, 1.0)
    poss_edge = jax.random.uniform(k2, (E, C + 1), jnp.float32, 0.05, 1.0)
    groundTruth = jax.random.randint(k3, (N,), 0, C, dtype=jnp.int32)
    mask = jax.random.randint(k4, (N,), 0, 2, dtype=jnp.int32).astype(bool)
    edges = jax.random.randint(k5, (E, 2), 0, N, dtype=jnp.int32)
    return {
        "poss_node": poss_node,
        "poss_edge": poss_edge,
        "groundTruth": groundTruth,
        "mask": mask,
        "edges": edges,
    }


def reference(poss_node, poss_edge, groundTruth, mask, edges):
    semi_lambda = SEMI_LAMBDA
    edge_lambda = EDGE_LAMBDA

    # --- node NLL loss (F.nll_loss with mean reduction) ---
    n = poss_node.shape[0]
    log_likelihood = jnp.log(poss_node)
    node_ll = log_likelihood[jnp.arange(n), groundTruth]
    loss = -jnp.sum(jnp.where(mask, node_ll, 0.0)) / jnp.sum(mask)

    # --- semi-supervised smoothness loss ---
    intrust = jax.lax.stop_gradient(poss_edge[:, -1])
    if semi_lambda >= 1e-9:
        diff = poss_edge[edges[:, 0]] - poss_edge[edges[:, 1]]
        semi_loss = jnp.sum((1.0 - intrust) * jnp.sum(diff ** 2))
        semi_loss = semi_loss * semi_lambda
    else:
        semi_loss = 0.0

    # --- edge loss ---
    e = edges.shape[0]
    mask0 = mask[edges[:, 0]]
    mask1 = mask[edges[:, 1]]
    label_mask = mask0 | mask1
    both_label = mask0 & mask1
    gt0 = groundTruth[edges[:, 0]]
    gt1 = groundTruth[edges[:, 1]]
    same_label = gt0 == gt1
    diff_label = ~same_label
    single_label = label_mask & (~both_label)
    left_single = single_label & mask0
    right_single = single_label & mask1

    pe_last = poss_edge[:, -1]
    pe_gt0 = poss_edge[jnp.arange(e), gt0]
    pe_gt1 = poss_edge[jnp.arange(e), gt1]

    edge_loss = -jnp.sum(jnp.where(both_label & same_label, jnp.log(pe_gt0), 0.0))
    edge_loss = edge_loss + (-jnp.sum(jnp.where(both_label & diff_label, jnp.log(pe_last), 0.0)))

    term_left = jnp.sum(jnp.where(left_single, jnp.log(pe_last + pe_gt0), 0.0))
    term_right = jnp.sum(jnp.where(right_single, jnp.log(pe_last + pe_gt1), 0.0))
    edge_loss = edge_loss + (-(term_left + term_right))

    denom = jnp.sum(label_mask)
    # NOTE: the original torch code applies the edge_lambda scaling and the
    # normalization TWICE; kept faithfully.
    edge_loss = edge_loss * edge_lambda
    edge_loss = edge_loss / denom
    edge_loss = edge_loss * edge_lambda
    edge_loss = edge_loss / denom

    return loss + semi_loss + edge_loss

if __name__ == "__main__":
    import jax
    _d = setup_inputs()
    print(jax.jit(kernel)(*tuple(_d.values())))

</pallas_src>

<mosaic_0001>
#map = affine_map<(d0, d1) -> (0, 0)>
#map1 = affine_map<(d0, d1) -> (0, 0, 0)>
module attributes {stable_mosaic.version = 14 : i64} {
  func.func @_body(%arg0: i32, %arg1: i32, %arg2: memref<3200000x8xf32, #tpu.memory_space<hbm>>, %arg3: memref<2x3200000xi32, #tpu.memory_space<hbm>>, %arg4: memref<100352x8xf32, #tpu.memory_space<hbm>>, %arg5: memref<1568x16xi32, #tpu.memory_space<hbm>>, %arg6: memref<32x6x16xf32, #tpu.memory_space<hbm>>, %arg7: memref<800xi32, #tpu.memory_space<vmem>>, %arg8: memref<800xi32, #tpu.memory_space<vmem>>, %arg9: memref<800xi32, #tpu.memory_space<vmem>>, %arg10: memref<800xi32, #tpu.memory_space<vmem>>, %arg11: memref<800x8xf32, #tpu.memory_space<vmem>>, %arg12: memref<800x8xf32, #tpu.memory_space<vmem>>, %arg13: memref<800x8xf32, #tpu.memory_space<vmem>>, %arg14: memref<800x8xf32, #tpu.memory_space<vmem>>, %arg15: memref<800x8xf32, #tpu.memory_space<vmem>>, %arg16: memref<800x8xf32, #tpu.memory_space<vmem>>, %arg17: memref<1568x16xi32, #tpu.memory_space<vmem>>, %arg18: memref<3136x8xf32, #tpu.memory_space<vmem>>, %arg19: memref<6x16xf32, #tpu.memory_space<vmem>>, %arg20: memref<!tpu.dma_semaphore, #tpu.memory_space<semaphore_mem>>, %arg21: memref<!tpu.dma_semaphore, #tpu.memory_space<semaphore_mem>>, %arg22: memref<!tpu.dma_semaphore, #tpu.memory_space<semaphore_mem>>, %arg23: memref<!tpu.dma_semaphore, #tpu.memory_space<semaphore_mem>>) attributes {dimension_semantics = [#tpu.dimension_semantics<core_parallel>, #tpu.dimension_semantics<subcore_parallel>], iteration_bounds = array<i64: 2, 16>, scalar_prefetch = 0 : i64, scratch_operands = 17 : i64, tpu.core_type = #tpu.core_type<sc_vector_subcore>, window_params = [{transform_indices = #map}, {transform_indices = #map}, {transform_indices = #map}, {transform_indices = #map}, {transform_indices = #map1}]} {
    %mul3A = arith.constant 2 : i32
    %mul3A_0 = arith.muli %arg1, %mul3A : i32
    %add3A = arith.addi %mul3A_0, %arg0 : i32
    %iota3A = tpu.iota {dimensions = array<i32: 0>} : vector<16xi32>
    %broadcast_in_dim3A = arith.constant 0 : i32
    %broadcast_in_dim3A_1 = vector.broadcast %broadcast_in_dim3A : i32 to vector<16xi32>
    %broadcast_in_dim3A_2 = arith.constant 1 : i32
    %broadcast_in_dim3A_3 = vector.broadcast %broadcast_in_dim3A_2 : i32 to vector<16xi32>
    %broadcast_in_dim3A_4 = arith.constant 2 : i32
    %broadcast_in_dim3A_5 = vector.broadcast %broadcast_in_dim3A_4 : i32 to vector<16xi32>
    %broadcast_in_dim3A_6 = arith.constant 3 : i32
    %broadcast_in_dim3A_7 = vector.broadcast %broadcast_in_dim3A_6 : i32 to vector<16xi32>
    %broadcast_in_dim3A_8 = arith.constant 4 : i32
    %broadcast_in_dim3A_9 = vector.broadcast %broadcast_in_dim3A_8 : i32 to vector<16xi32>
    %broadcast_in_dim3A_10 = arith.constant 5 : i32
    %broadcast_in_dim3A_11 = vector.broadcast %broadcast_in_dim3A_10 : i32 to vector<16xi32>
    %broadcast_in_dim3A_12 = arith.constant 6 : i32
    %broadcast_in_dim3A_13 = vector.broadcast %broadcast_in_dim3A_12 : i32 to vector<16xi32>
    %broadcast_in_dim3A_14 = arith.constant 7 : i32
    %broadcast_in_dim3A_15 = vector.broadcast %broadcast_in_dim3A_14 : i32 to vector<16xi32>
    %broadcast_in_dim3A_16 = arith.constant 0.000000e+00 : f32
    %broadcast_in_dim3A_17 = vector.broadcast %broadcast_in_dim3A_16 : f32 to vector<16xf32>
    %broadcast_in_dim3A_18 = arith.constant 1.000000e+00 : f32
    %broadcast_in_dim3A_19 = vector.broadcast %broadcast_in_dim3A_18 : f32 to vector<16xf32>
    %mul3A_20 = arith.constant 100000 : i32
    %mul3A_21 = arith.muli %add3A, %mul3A_20 : i32
    %add3A_22 = arith.constant 0 : i32
    %add3A_23 = arith.addi %mul3A_21, %add3A_22 : i32
    %dma_start3A = arith.constant 0 : i32
    %dma_start3A_24 = tpu.memref_slice %arg3[%dma_start3A, %add3A_23] : memref<2x3200000xi32, #tpu.memory_space<hbm>> -> memref<1x800xi32, #tpu.memory_space<hbm>>
    %dma_start3A_25 = tpu.memref_squeeze %dma_start3A_24 : memref<1x800xi32, #tpu.memory_space<hbm>> -> memref<800xi32, #tpu.memory_space<hbm>>
    %dma_start3A_26 = tpu.memref_slice %arg3[%dma_start3A, %add3A_23] : memref<2x3200000xi32, #tpu.memory_space<hbm>> -> memref<1x800xi32, #tpu.memory_space<hbm>>
    %dma_start3A_27 = tpu.memref_squeeze %dma_start3A_26 : memref<1x800xi32, #tpu.memory_space<hbm>> -> memref<800xi32, #tpu.memory_space<hbm>>
    tpu.enqueue_dma source(%dma_start3A_27 : memref<800xi32, #tpu.memory_space<hbm>>) target(%arg7 : memref<800xi32, #tpu.memory_space<vmem>>) target_semaphore(%arg20 : memref<!tpu.dma_semaphore, #tpu.memory_space<semaphore_mem>>)
    %dma_start3A_28 = arith.constant 1 : i32
    %dma_start3A_29 = tpu.memref_slice %arg3[%dma_start3A_28, %add3A_23] : memref<2x3200000xi32, #tpu.memory_space<hbm>> -> memref<1x800xi32, #tpu.memory_space<hbm>>
    %dma_start3A_30 = tpu.memref_squeeze %dma_start3A_29 : memref<1x800xi32, #tpu.memory_space<hbm>> -> memref<800xi32, #tpu.memory_space<hbm>>
    %dma_start3A_31 = tpu.memref_slice %arg3[%dma_start3A_28, %add3A_23] : memref<2x3200000xi32, #tpu.memory_space<hbm>> -> memref<1x800xi32, #tpu.memory_space<hbm>>
    %dma_start3A_32 = tpu.memref_squeeze %dma_start3A_31 : memref<1x800xi32, #tpu.memory_space<hbm>> -> memref<800xi32, #tpu.memory_space<hbm>>
    tpu.enqueue_dma source(%dma_start3A_32 : memref<800xi32, #tpu.memory_space<hbm>>) target(%arg8 : memref<800xi32, #tpu.memory_space<vmem>>) target_semaphore(%arg20 : memref<!tpu.dma_semaphore, #tpu.memory_space<semaphore_mem>>)
    %dma_start3A_33 = arith.constant 0 : i32
    %dma_start3A_34 = tpu.memref_slice %arg2[%add3A_23, %dma_start3A_33] : memref<3200000x8xf32, #tpu.memory_space<hbm>> -> memref<800x8xf32, #tpu.memory_space<hbm>>
    %dma_start3A_35 = arith.constant 0 : i32
    %dma_start3A_36 = tpu.memref_slice %arg2[%add3A_23, %dma_start3A_35] : memref<3200000x8xf32, #tpu.memory_space<hbm>> -> memref<800x8xf32, #tpu.memory_space<hbm>>
    tpu.enqueue_dma source(%dma_start3A_36 : memref<800x8xf32, #tpu.memory_space<hbm>>) target(%arg11 : memref<800x8xf32, #tpu.memory_space<vmem>>) target_semaphore(%arg20 : memref<!tpu.dma_semaphore, #tpu.memory_space<semaphore_mem>>)
    "tpu.region"() ({
      %run_scoped3A = tpu.sem_alloc : memref<!tpu.dma_semaphore, #tpu.memory_space<semaphore_mem>>
      tpu.enqueue_dma source(%arg5 : memref<1568x16xi32, #tpu.memory_space<hbm>>) target(%arg17 : memref<1568x16xi32, #tpu.memory_space<vmem>>) target_semaphore(%run_scoped3A : memref<!tpu.dma_semaphore, #tpu.memory_space<semaphore_mem>>)
      tpu.wait_dma2 semaphore(%run_scoped3A : memref<!tpu.dma_semaphore, #tpu.memory_space<semaphore_mem>>) src(%arg5 : memref<1568x16xi32, #tpu.memory_space<hbm>>) dst(%arg17 : memref<1568x16xi32, #tpu.memory_space<vmem>>)
      tpu.yield
    }) : () -> ()
    %mul3A_37 = arith.constant 3136 : i32
    %mul3A_38 = arith.muli %add3A, %mul3A_37 : i32
    "tpu.region"() ({
      %run_scoped3A = tpu.sem_alloc : memref<!tpu.dma_semaphore, #tpu.memory_space<semaphore_mem>>
      %dma_start3A_288 = arith.constant 0 : i32
      %dma_start3A_289 = tpu.memref_slice %arg4[%mul3A_38, %dma_start3A_288] : memref<100352x8xf32, #tpu.memory_space<hbm>> -> memref<3136x8xf32, #tpu.memory_space<hbm>>
      %dma_start3A_290 = arith.constant 0 : i32
      %dma_start3A_291 = tpu.memref_slice %arg4[%mul3A_38, %dma_start3A_290] : memref<100352x8xf32, #tpu.memory_space<hbm>> -> memref<3136x8xf32, #tpu.memory_space<hbm>>
      tpu.enqueue_dma source(%dma_start3A_291 : memref<3136x8xf32, #tpu.memory_space<hbm>>) target(%arg18 : memref<3136x8xf32, #tpu.memory_space<vmem>>) target_semaphore(%run_scoped3A : memref<!tpu.dma_semaphore, #tpu.memory_space<semaphore_mem>>)
      %dma_wait3A_292 = arith.constant 0 : i32
      %dma_wait3A_293 = tpu.memref_slice %arg4[%mul3A_38, %dma_wait3A_292] : memref<100352x8xf32, #tpu.memory_space<hbm>> -> memref<3136x8xf32, #tpu.memory_space<hbm>>
      %dma_wait3A_294 = arith.constant 0 : i32
      %dma_wait3A_295 = tpu.memref_slice %arg4[%mul3A_38, %dma_wait3A_294] : memref<100352x8xf32, #tpu.memory_space<hbm>> -> memref<3136x8xf32, #tpu.memory_space<hbm>>
      tpu.wait_dma2 semaphore(%run_scoped3A : memref<!tpu.dma_semaphore, #tpu.memory_space<semaphore_mem>>) src(%dma_wait3A_295 : memref<3136x8xf32, #tpu.memory_space<hbm>>) dst(%arg18 : memref<3136x8xf32, #tpu.memory_space<vmem>>)
      tpu.yield
    }) : () -> ()
    %scan3A = arith.constant 0 : i32
    %scan3A_39 = arith.constant 196 : i32
    %scan3A_40 = arith.addi %scan3A, %scan3A_39 : i32
    %scan3A_41 = arith.constant 1 : i32
    %scan3A_42:2 = scf.for %scan3A_288 = %scan3A to %scan3A_40 step %scan3A_41 iter_args(%scan3A_289 = %broadcast_in_dim3A_17, %scan3A_290 = %broadcast_in_dim3A_17) -> (vector<16xf32>, vector<16xf32>)  : i32 {
      %mul3A_291 = arith.constant 16 : i32
      %mul3A_292 = arith.muli %scan3A_288, %mul3A_291 : i32
      %add3A_293 = vector.broadcast %mul3A_292 : i32 to vector<16xi32>
      %add3A_294 = arith.addi %add3A_293, %iota3A : vector<16xi32>
      %add3A_295 = vector.broadcast %mul3A_38 : i32 to vector<16xi32>
      %add3A_296 = arith.addi %add3A_295, %add3A_294 : vector<16xi32>
      %shift_right_arithmetic3A = arith.constant 6 : i32
      %shift_right_arithmetic3A_297 = vector.broadcast %shift_right_arithmetic3A : i32 to vector<16xi32>
      %shift_right_arithmetic3A_298 = arith.shrsi %add3A_296, %shift_right_arithmetic3A_297 : vector<16xi32>
      %shift_right_arithmetic3A_299 = arith.constant 2 : i32
      %shift_right_arithmetic3A_300 = vector.broadcast %shift_right_arithmetic3A_299 : i32 to vector<16xi32>
      %shift_right_arithmetic3A_301 = arith.shrsi %add3A_296, %shift_right_arithmetic3A_300 : vector<16xi32>
      %and3A = arith.constant 15 : i32
      %and3A_302 = vector.broadcast %and3A : i32 to vector<16xi32>
      %and3A_303 = arith.andi %shift_right_arithmetic3A_301, %and3A_302 : vector<16xi32>
      %gather3A = tpu.vector_load_idx %arg17[%shift_right_arithmetic3A_298, %and3A_303] : memref<1568x16xi32, #tpu.memory_space<vmem>>[vector<16xi32>, vector<16xi32>], vector<16xi32>,
      %and3A_304 = arith.constant 3 : i32
      %and3A_305 = vector.broadcast %and3A_304 : i32 to vector<16xi32>
      %and3A_306 = arith.andi %add3A_296, %and3A_305 : vector<16xi32>
      %shift_left3A = arith.constant 3 : i32
      %shift_left3A_307 = vector.broadcast %shift_left3A : i32 to vector<16xi32>
      %shift_left3A_308 = arith.shli %and3A_306, %shift_left3A_307 : vector<16xi32>
      %shift_right_arithmetic3A_309 = arith.shrsi %gather3A, %shift_left3A_308 : vector<16xi32>
      %and3A_310 = arith.constant 15 : i32
      %and3A_311 = vector.broadcast %and3A_310 : i32 to vector<16xi32>
      %and3A_312 = arith.andi %shift_right_arithmetic3A_309, %and3A_311 : vector<16xi32>
      %and3A_313 = arith.constant 7 : i32
      %and3A_314 = vector.broadcast %and3A_313 : i32 to vector<16xi32>
      %and3A_315 = arith.andi %and3A_312, %and3A_314 : vector<16xi32>
      %shift_right_arithmetic3A_316 = arith.constant 3 : i32
      %shift_right_arithmetic3A_317 = vector.broadcast %shift_right_arithmetic3A_316 : i32 to vector<16xi32>
      %shift_right_arithmetic3A_318 = arith.shrsi %and3A_312, %shift_right_arithmetic3A_317 : vector<16xi32>
      %convert_element_type3A_319 = arith.sitofp %shift_right_arithmetic3A_318 : vector<16xi32> to vector<16xf32>
      %gather3A_320 = tpu.vector_load_idx %arg18[%add3A_294, %and3A_315] : memref<3136x8xf32, #tpu.memory_space<vmem>>[vector<16xi32>, vector<16xi32>], vector<16xf32>,
      %bitcast_convert_type3A = tpu.bitcast %gather3A_320 : vector<16xf32> -> vector<16xi32>
      %shift_right_arithmetic3A_321 = arith.constant 23 : i32
      %shift_right_arithmetic3A_322 = vector.broadcast %shift_right_arithmetic3A_321 : i32 to vector<16xi32>
      %shift_right_arithmetic3A_323 = arith.shrsi %bitcast_convert_type3A, %shift_right_arithmetic3A_322 : vector<16xi32>
      %sub3A = arith.constant 127 : i32
      %sub3A_324 = vector.broadcast %sub3A : i32 to vector<16xi32>
      %sub3A_325 = arith.subi %shift_right_arithmetic3A_323, %sub3A_324 : vector<16xi32>
      %and3A_326 = arith.constant 8388607 : i32
      %and3A_327 = vector.broadcast %and3A_326 : i32 to vector<16xi32>
      %and3A_328 = arith.andi %bitcast_convert_type3A, %and3A_327 : vector<16xi32>
      %or3A = arith.constant 1065353216 : i32
      %or3A_329 = vector.broadcast %or3A : i32 to vector<16xi32>
      %or3A_330 = arith.ori %and3A_328, %or3A_329 : vector<16xi32>
      %bitcast_convert_type3A_331 = tpu.bitcast %or3A_330 : vector<16xi32> -> vector<16xf32>
      %gt3A = arith.constant 1.41421354 : f32
      %gt3A_332 = vector.broadcast %gt3A : f32 to vector<16xf32>
      %gt3A_333 = arith.cmpf ogt, %bitcast_convert_type3A_331, %gt3A_332 : vector<16xf32>
      %mul3A_334 = arith.constant 5.000000e-01 : f32
      %mul3A_335 = vector.broadcast %mul3A_334 : f32 to vector<16xf32>
      %mul3A_336 = arith.mulf %bitcast_convert_type3A_331, %mul3A_335 : vector<16xf32>
      %select_n3A = arith.select %gt3A_333, %mul3A_336, %bitcast_convert_type3A_331 : vector<16xi1>, vector<16xf32>
      %add3A_337 = arith.constant 1 : i32
      %add3A_338 = vector.broadcast %add3A_337 : i32 to vector<16xi32>
      %add3A_339 = arith.addi %sub3A_325, %add3A_338 : vector<16xi32>
      %select_n3A_340 = arith.select %gt3A_333, %add3A_339, %sub3A_325 : vector<16xi1>, vector<16xi32>
      %sub3A_341 = arith.constant 1.000000e+00 : f32
      %sub3A_342 = vector.broadcast %sub3A_341 : f32 to vector<16xf32>
      %sub3A_343 = arith.subf %select_n3A, %sub3A_342 : vector<16xf32>
      %mul3A_344 = arith.mulf %sub3A_343, %sub3A_343 : vector<16xf32>
      %mul3A_345 = arith.constant 0.142493233 : f32
      %mul3A_346 = vector.broadcast %mul3A_345 : f32 to vector<16xf32>
      %mul3A_347 = arith.mulf %mul3A_346, %sub3A_343 : vector<16xf32>
      %add3A_348 = arith.constant -0.166680574 : f32
      %add3A_349 = vector.broadcast %add3A_348 : f32 to vector<16xf32>
      %add3A_350 = arith.addf %mul3A_347, %add3A_349 : vector<16xf32>
      %mul3A_351 = arith.mulf %add3A_350, %sub3A_343 : vector<16xf32>
      %add3A_352 = arith.constant 0.200007141 : f32
      %add3A_353 = vector.broadcast %add3A_352 : f32 to vector<16xf32>
      %add3A_354 = arith.addf %mul3A_351, %add3A_353 : vector<16xf32>
      %mul3A_355 = arith.mulf %add3A_354, %sub3A_343 : vector<16xf32>
      %add3A_356 = arith.constant -0.24999994 : f32
      %add3A_357 = vector.broadcast %add3A_356 : f32 to vector<16xf32>
      %add3A_358 = arith.addf %mul3A_355, %add3A_357 : vector<16xf32>
      %mul3A_359 = arith.mulf %add3A_358, %sub3A_343 : vector<16xf32>
      %add3A_360 = arith.constant 0.333333313 : f32
      %add3A_361 = vector.broadcast %add3A_360 : f32 to vector<16xf32>
      %add3A_362 = arith.addf %mul3A_359, %add3A_361 : vector<16xf32>
      %mul3A_363 = arith.mulf %sub3A_343, %mul3A_344 : vector<16xf32>
      %mul3A_364 = arith.mulf %mul3A_363, %add3A_362 : vector<16xf32>
      %mul3A_365 = arith.constant 5.000000e-01 : f32
      %mul3A_366 = vector.broadcast %mul3A_365 : f32 to vector<16xf32>
      %mul3A_367 = arith.mulf %mul3A_366, %mul3A_344 : vector<16xf32>
      %sub3A_368 = arith.subf %mul3A_364, %mul3A_367 : vector<16xf32>
      %add3A_369 = arith.addf %sub3A_368, %sub3A_343 : vector<16xf32>
      %convert_element_type3A_370 = arith.sitofp %select_n3A_340 : vector<16xi32> to vector<16xf32>
      %mul3A_371 = arith.constant 0.693147182 : f32
      %mul3A_372 = vector.broadcast %mul3A_371 : f32 to vector<16xf32>
      %mul3A_373 = arith.mulf %convert_element_type3A_370, %mul3A_372 : vector<16xf32>
      %add3A_374 = arith.addf %add3A_369, %mul3A_373 : vector<16xf32>
      %mul3A_375 = arith.mulf %convert_element_type3A_319, %add3A_374 : vector<16xf32>
      %add3A_376 = arith.addf %scan3A_289, %mul3A_375 : vector<16xf32>
      %add3A_377 = arith.addf %scan3A_290, %convert_element_type3A_319 : vector<16xf32>
      scf.yield %add3A_376, %add3A_377 : vector<16xf32>, vector<16xf32>
    }
    %scan3A_43 = arith.constant 196 : i32
    %dma_wait3A = arith.constant 0 : i32
    %dma_wait3A_44 = arith.constant 0 : i32
    %dma_wait3A_45 = tpu.memref_slice %arg3[%dma_wait3A, %dma_wait3A_44] : memref<2x3200000xi32, #tpu.memory_space<hbm>> -> memref<1x800xi32, #tpu.memory_space<hbm>>
    %dma_wait3A_46 = tpu.memref_squeeze %dma_wait3A_45 : memref<1x800xi32, #tpu.memory_space<hbm>> -> memref<800xi32, #tpu.memory_space<hbm>>
    %dma_wait3A_47 = arith.constant 0 : i32
    %dma_wait3A_48 = tpu.memref_slice %arg3[%dma_wait3A, %dma_wait3A_47] : memref<2x3200000xi32, #tpu.memory_space<hbm>> -> memref<1x800xi32, #tpu.memory_space<hbm>>
    %dma_wait3A_49 = tpu.memref_squeeze %dma_wait3A_48 : memref<1x800xi32, #tpu.memory_space<hbm>> -> memref<800xi32, #tpu.memory_space<hbm>>
    tpu.wait_dma2 semaphore(%arg20 : memref<!tpu.dma_semaphore, #tpu.memory_space<semaphore_mem>>) src(%dma_wait3A_49 : memref<800xi32, #tpu.memory_space<hbm>>) dst(%arg7 : memref<800xi32, #tpu.memory_space<vmem>>)
    %dma_wait3A_50 = arith.constant 0 : i32
    %dma_wait3A_51 = arith.constant 0 : i32
    %dma_wait3A_52 = tpu.memref_slice %arg3[%dma_wait3A_50, %dma_wait3A_51] : memref<2x3200000xi32, #tpu.memory_space<hbm>> -> memref<1x800xi32, #tpu.memory_space<hbm>>
    %dma_wait3A_53 = tpu.memref_squeeze %dma_wait3A_52 : memref<1x800xi32, #tpu.memory_space<hbm>> -> memref<800xi32, #tpu.memory_space<hbm>>
    %dma_wait3A_54 = arith.constant 0 : i32
    %dma_wait3A_55 = tpu.memref_slice %arg3[%dma_wait3A_50, %dma_wait3A_54] : memref<2x3200000xi32, #tpu.memory_space<hbm>> -> memref<1x800xi32, #tpu.memory_space<hbm>>
    %dma_wait3A_56 = tpu.memref_squeeze %dma_wait3A_55 : memref<1x800xi32, #tpu.memory_space<hbm>> -> memref<800xi32, #tpu.memory_space<hbm>>
    tpu.wait_dma2 semaphore(%arg20 : memref<!tpu.dma_semaphore, #tpu.memory_space<semaphore_mem>>) src(%dma_wait3A_56 : memref<800xi32, #tpu.memory_space<hbm>>) dst(%arg8 : memref<800xi32, #tpu.memory_space<vmem>>)
    %dma_wait3A_57 = arith.constant 0 : i32
    %dma_wait3A_58 = arith.constant 0 : i32
    %dma_wait3A_59 = tpu.memref_slice %arg2[%dma_wait3A_57, %dma_wait3A_58] : memref<3200000x8xf32, #tpu.memory_space<hbm>> -> memref<800x8xf32, #tpu.memory_space<hbm>>
    %dma_wait3A_60 = arith.constant 0 : i32
    %dma_wait3A_61 = arith.constant 0 : i32
    %dma_wait3A_62 = tpu.memref_slice %arg2[%dma_wait3A_60, %dma_wait3A_61] : memref<3200000x8xf32, #tpu.memory_space<hbm>> -> memref<800x8xf32, #tpu.memory_space<hbm>>
    tpu.wait_dma2 semaphore(%arg20 : memref<!tpu.dma_semaphore, #tpu.memory_space<semaphore_mem>>) src(%dma_wait3A_62 : memref<800x8xf32, #tpu.memory_space<hbm>>) dst(%arg11 : memref<800x8xf32, #tpu.memory_space<vmem>>)
    %dma_start3A_63 = arith.constant 0 : i32
    %dma_start3A_64 = arith.constant 0 : i32
    %dma_start3A_65 = tpu.memref_slice %arg13[%dma_start3A_63, %dma_start3A_64] : memref<800x8xf32, #tpu.memory_space<vmem>> -> memref<80x8xf32, #tpu.memory_space<vmem>>
    %dma_start3A_66 = arith.constant 0 : i32
    %dma_start3A_67 = tpu.memref_slice %arg7[%dma_start3A_66] : memref<800xi32, #tpu.memory_space<vmem>> -> memref<80xi32, #tpu.memory_space<vmem>>
    %dma_start3A_68 = arith.constant 0 : i32
    %dma_start3A_69 = arith.constant 0 : i32
    %dma_start3A_70 = tpu.memref_slice %arg2[%dma_start3A_68, %dma_start3A_69] : memref<3200000x8xf32, #tpu.memory_space<hbm>> -> memref<3200000x8xf32, #tpu.memory_space<hbm>>
    tpu.enqueue_indirect_dma source(%dma_start3A_70 : memref<3200000x8xf32, #tpu.memory_space<hbm>>) target(%dma_start3A_65 : memref<80x8xf32, #tpu.memory_space<vmem>>) offsets(%dma_start3A_67 : memref<80xi32, #tpu.memory_space<vmem>>) semaphore(%arg22 : memref<!tpu.dma_semaphore, #tpu.memory_space<semaphore_mem>>)
    %dma_start3A_71 = arith.constant 0 : i32
    %dma_start3A_72 = arith.constant 0 : i32
    %dma_start3A_73 = tpu.memref_slice %arg14[%dma_start3A_71, %dma_start3A_72] : memref<800x8xf32, #tpu.memory_space<vmem>> -> memref<80x8xf32, #tpu.memory_space<vmem>>
    %dma_start3A_74 = arith.constant 0 : i32
    %dma_start3A_75 = tpu.memref_slice %arg8[%dma_start3A_74] : memref<800xi32, #tpu.memory_space<vmem>> -> memref<80xi32, #tpu.memory_space<vmem>>
    %dma_start3A_76 = arith.constant 0 : i32
    %dma_start3A_77 = arith.constant 0 : i32
    %dma_start3A_78 = tpu.memref_slice %arg2[%dma_start3A_76, %dma_start3A_77] : memref<3200000x8xf32, #tpu.memory_space<hbm>> -> memref<3200000x8xf32, #tpu.memory_space<hbm>>
    tpu.enqueue_indirect_dma source(%dma_start3A_78 : memref<3200000x8xf32, #tpu.memory_space<hbm>>) target(%dma_start3A_73 : memref<80x8xf32, #tpu.memory_space<vmem>>) offsets(%dma_start3A_75 : memref<80xi32, #tpu.memory_space<vmem>>) semaphore(%arg22 : memref<!tpu.dma_semaphore, #tpu.memory_space<semaphore_mem>>)
    %dma_start3A_79 = arith.constant 80 : i32
    %dma_start3A_80 = arith.constant 0 : i32
    %dma_start3A_81 = tpu.memref_slice %arg13[%dma_start3A_79, %dma_start3A_80] : memref<800x8xf32, #tpu.memory_space<vmem>> -> memref<80x8xf32, #tpu.memory_space<vmem>>
    %dma_start3A_82 = arith.constant 80 : i32
    %dma_start3A_83 = tpu.memref_slice %arg7[%dma_start3A_82] : memref<800xi32, #tpu.memory_space<vmem>> -> memref<80xi32, #tpu.memory_space<vmem>>
    %dma_start3A_84 = arith.constant 0 : i32
    %dma_start3A_85 = arith.constant 0 : i32
    %dma_start3A_86 = tpu.memref_slice %arg2[%dma_start3A_84, %dma_start3A_85] : memref<3200000x8xf32, #tpu.memory_space<hbm>> -> memref<3200000x8xf32, #tpu.memory_space<hbm>>
    tpu.enqueue_indirect_dma source(%dma_start3A_86 : memref<3200000x8xf32, #tpu.memory_space<hbm>>) target(%dma_start3A_81 : memref<80x8xf32, #tpu.memory_space<vmem>>) offsets(%dma_start3A_83 : memref<80xi32, #tpu.memory_space<vmem>>) semaphore(%arg22 : memref<!tpu.dma_semaphore, #tpu.memory_space<semaphore_mem>>)
    %dma_start3A_87 = arith.constant 80 : i32
    %dma_start3A_88 = arith.constant 0 : i32
    %dma_start3A_89 = tpu.memref_slice %arg14[%dma_start3A_87, %dma_start3A_88] : memref<800x8xf32, #tpu.memory_space<vmem>> -> memref<80x8xf32, #tpu.memory_space<vmem>>
    %dma_start3A_90 = arith.constant 80 : i32
    %dma_start3A_91 = tpu.memref_slice %arg8[%dma_start3A_90] : memref<800xi32, #tpu.memory_space<vmem>> -> memref<80xi32, #tpu.memory_space<vmem>>
    %dma_start3A_92 = arith.constant 0 : i32
    %dma_start3A_93 = arith.constant 0 : i32
    %dma_start3A_94 = tpu.memref_slice %arg2[%dma_start3A_92, %dma_start3A_93] : memref<3200000x8xf32, #tpu.memory_space<hbm>> -> memref<3200000x8xf32, #tpu.memory_space<hbm>>
    tpu.enqueue_indirect_dma source(%dma_start3A_94 : memref<3200000x8xf32, #tpu.memory_space<hbm>>) target(%dma_start3A_89 : memref<80x8xf32, #tpu.memory_space<vmem>>) offsets(%dma_start3A_91 : memref<80xi32, #tpu.memory_space<vmem>>) semaphore(%arg22 : memref<!tpu.dma_semaphore, #tpu.memory_space<semaphore_mem>>)
    %dma_start3A_95 = arith.constant 160 : i32
    %dma_start3A_96 = arith.constant 0 : i32
    %dma_start3A_97 = tpu.memref_slice %arg13[%dma_start3A_95, %dma_start3A_96] : memref<800x8xf32, #tpu.memory_space<vmem>> -> memref<80x8xf32, #tpu.memory_space<vmem>>
    %dma_start3A_98 = arith.constant 160 : i32
    %dma_start3A_99 = tpu.memref_slice %arg7[%dma_start3A_98] : memref<800xi32, #tpu.memory_space<vmem>> -> memref<80xi32, #tpu.memory_space<vmem>>
    %dma_start3A_100 = arith.constant 0 : i32
    %dma_start3A_101 = arith.constant 0 : i32
    %dma_start3A_102 = tpu.memref_slice %arg2[%dma_start3A_100, %dma_start3A_101] : memref<3200000x8xf32, #tpu.memory_space<hbm>> -> memref<3200000x8xf32, #tpu.memory_space<hbm>>
    tpu.enqueue_indirect_dma source(%dma_start3A_102 : memref<3200000x8xf32, #tpu.memory_space<hbm>>) target(%dma_start3A_97 : memref<80x8xf32, #tpu.memory_space<vmem>>) offsets(%dma_start3A_99 : memref<80xi32, #tpu.memory_space<vmem>>) semaphore(%arg22 : memref<!tpu.dma_semaphore, #tpu.memory_space<semaphore_mem>>)
    %dma_start3A_103 = arith.constant 160 : i32
    %dma_start3A_104 = arith.constant 0 : i32
    %dma_start3A_105 = tpu.memref_slice %arg14[%dma_start3A_103, %dma_start3A_104] : memref<800x8xf32, #tpu.memory_space<vmem>> -> memref<80x8xf32, #tpu.memory_space<vmem>>
    %dma_start3A_106 = arith.constant 160 : i32
    %dma_start3A_107 = tpu.memref_slice %arg8[%dma_start3A_106] : memref<800xi32, #tpu.memory_space<vmem>> -> memref<80xi32, #tpu.memory_space<vmem>>
    %dma_start3A_108 = arith.constant 0 : i32
    %dma_start3A_109 = arith.constant 0 : i32
    %dma_start3A_110 = tpu.memref_slice %arg2[%dma_start3A_108, %dma_start3A_109] : memref<3200000x8xf32, #tpu.memory_space<hbm>> -> memref<3200000x8xf32, #tpu.memory_space<hbm>>
    tpu.enqueue_indirect_dma source(%dma_start3A_110 : memref<3200000x8xf32, #tpu.memory_space<hbm>>) target(%dma_start3A_105 : memref<80x8xf32, #tpu.memory_space<vmem>>) offsets(%dma_start3A_107 : memref<80xi32, #tpu.memory_space<vmem>>) semaphore(%arg22 : memref<!tpu.dma_semaphore, #tpu.memory_space<semaphore_mem>>)
    %dma_start3A_111 = arith.constant 240 : i32
    %dma_start3A_112 = arith.constant 0 : i32
    %dma_start3A_113 = tpu.memref_slice %arg13[%dma_start3A_111, %dma_start3A_112] : memref<800x8xf32, #tpu.memory_space<vmem>> -> memref<80x8xf32, #tpu.memory_space<vmem>>
    %dma_start3A_114 = arith.constant 240 : i32
    %dma_start3A_115 = tpu.memref_slice %arg7[%dma_start3A_114] : memref<800xi32, #tpu.memory_space<vmem>> -> memref<80xi32, #tpu.memory_space<vmem>>
    %dma_start3A_116 = arith.constant 0 : i32
    %dma_start3A_117 = arith.constant 0 : i32
    %dma_start3A_118 = tpu.memref_slice %arg2[%dma_start3A_116, %dma_start3A_117] : memref<3200000x8xf32, #tpu.memory_space<hbm>> -> memref<3200000x8xf32, #tpu.memory_space<hbm>>
    tpu.enqueue_indirect_dma source(%dma_start3A_118 : memref<3200000x8xf32, #tpu.memory_space<hbm>>) target(%dma_start3A_113 : memref<80x8xf32, #tpu.memory_space<vmem>>) offsets(%dma_start3A_115 : memref<80xi32, #tpu.memory_space<vmem>>) semaphore(%arg22 : memref<!tpu.dma_semaphore, #tpu.memory_space<semaphore_mem>>)
    %dma_start3A_119 = arith.constant 240 : i32
    %dma_start3A_120 = arith.constant 0 : i32
    %dma_start3A_121 = tpu.memref_slice %arg14[%dma_start3A_119, %dma_start3A_120] : memref<800x8xf32, #tpu.memory_space<vmem>> -> memref<80x8xf32, #tpu.memory_space<vmem>>
    %dma_start3A_122 = arith.constant 240 : i32
    %dma_start3A_123 = tpu.memref_slice %arg8[%dma_start3A_122] : memref<800xi32, #tpu.memory_space<vmem>> -> memref<80xi32, #tpu.memory_space<vmem>>
    %dma_start3A_124 = arith.constant 0 : i32
    %dma_start3A_125 = arith.constant 0 : i32
    %dma_start3A_126 = tpu.memref_slice %arg2[%dma_start3A_124, %dma_start3A_125] : memref<3200000x8xf32, #tpu.memory_space<hbm>> -> memref<3200000x8xf32, #tpu.memory_space<hbm>>
    tpu.enqueue_indirect_dma source(%dma_start3A_126 : memref<3200000x8xf32, #tpu.memory_space<hbm>>) target(%dma_start3A_121 : memref<80x8xf32, #tpu.memory_space<vmem>>) offsets(%dma_start3A_123 : memref<80xi32, #tpu.memory_space<vmem>>) semaphore(%arg22 : memref<!tpu.dma_semaphore, #tpu.memory_space<semaphore_mem>>)
    %dma_start3A_127 = arith.constant 320 : i32
    %dma_start3A_128 = arith.constant 0 : i32
    %dma_start3A_129 = tpu.memref_slice %arg13[%dma_start3A_127, %dma_start3A_128] : memref<800x8xf32, #tpu.memory_space<vmem>> -> memref<80x8xf32, #tpu.memory_space<vmem>>
    %dma_start3A_130 = arith.constant 320 : i32
    %dma_start3A_131 = tpu.memref_slice %arg7[%dma_start3A_130] : memref<800xi32, #tpu.memory_space<vmem>> -> memref<80xi32, #tpu.memory_space<vmem>>
    %dma_start3A_132 = arith.constant 0 : i32
    %dma_start3A_133 = arith.constant 0 : i32
    %dma_start3A_134 = tpu.memref_slice %arg2[%dma_start3A_132, %dma_start3A_133] : memref<3200000x8xf32, #tpu.memory_space<hbm>> -> memref<3200000x8xf32, #tpu.memory_space<hbm>>
    tpu.enqueue_indirect_dma source(%dma_start3A_134 : memref<3200000x8xf32, #tpu.memory_space<hbm>>) target(%dma_start3A_129 : memref<80x8xf32, #tpu.memory_space<vmem>>) offsets(%dma_start3A_131 : memref<80xi32, #tpu.memory_space<vmem>>) semaphore(%arg22 : memref<!tpu.dma_semaphore, #tpu.memory_space<semaphore_mem>>)
    %dma_start3A_135 = arith.constant 320 : i32
    %dma_start3A_136 = arith.constant 0 : i32
    %dma_start3A_137 = tpu.memref_slice %arg14[%dma_start3A_135, %dma_start3A_136] : memref<800x8xf32, #tpu.memory_space<vmem>> -> memref<80x8xf32, #tpu.memory_space<vmem>>
    %dma_start3A_138 = arith.constant 320 : i32
    %dma_start3A_139 = tpu.memref_slice %arg8[%dma_start3A_138] : memref<800xi32, #tpu.memory_space<vmem>> -> memref<80xi32, #tpu.memory_space<vmem>>
    %dma_start3A_140 = arith.constant 0 : i32
    %dma_start3A_141 = arith.constant 0 : i32
    %dma_start3A_142 = tpu.memref_slice %arg2[%dma_start3A_140, %dma_start3A_141] : memref<3200000x8xf32, #tpu.memory_space<hbm>> -> memref<3200000x8xf32, #tpu.memory_space<hbm>>
    tpu.enqueue_indirect_dma source(%dma_start3A_142 : memref<3200000x8xf32, #tpu.memory_space<hbm>>) target(%dma_start3A_137 : memref<80x8xf32, #tpu.memory_space<vmem>>) offsets(%dma_start3A_139 : memref<80xi32, #tpu.memory_space<vmem>>) semaphore(%arg22 : memref<!tpu.dma_semaphore, #tpu.memory_space<semaphore_mem>>)
    %dma_start3A_143 = arith.constant 400 : i32
    %dma_start3A_144 = arith.constant 0 : i32
    %dma_start3A_145 = tpu.memref_slice %arg13[%dma_start3A_143, %dma_start3A_144] : memref<800x8xf32, #tpu.memory_space<vmem>> -> memref<80x8xf32, #tpu.memory_space<vmem>>
    %dma_start3A_146 = arith.constant 400 : i32
    %dma_start3A_147 = tpu.memref_slice %arg7[%dma_start3A_146] : memref<800xi32, #tpu.memory_space<vmem>> -> memref<80xi32, #tpu.memory_space<vmem>>
    %dma_start3A_148 = arith.constant 0 : i32
    %dma_start3A_149 = arith.constant 0 : i32
    %dma_start3A_150 = tpu.memref_slice %arg2[%dma_start3A_148, %dma_start3A_149] : memref<3200000x8xf32, #tpu.memory_space<hbm>> -> memref<3200000x8xf32, #tpu.memory_space<hbm>>
    tpu.enqueue_indirect_dma source(%dma_start3A_150 : memref<3200000x8xf32, #tpu.memory_space<hbm>>) target(%dma_start3A_145 : memref<80x8xf32, #tpu.memory_space<vmem>>) offsets(%dma_start3A_147 : memref<80xi32, #tpu.memory_space<vmem>>) semaphore(%arg22 : memref<!tpu.dma_semaphore, #tpu.memory_space<semaphore_mem>>)
    %dma_start3A_151 = arith.constant 400 : i32
    %dma_start3A_152 = arith.constant 0 : i32
    %dma_start3A_153 = tpu.memref_slice %arg14[%dma_start3A_151, %dma_start3A_152] : memref<800x8xf32, #tpu.memory_space<vmem>> -> memref<80x8xf32, #tpu.memory_space<vmem>>
    %dma_start3A_154 = arith.constant 400 : i32
    %dma_start3A_155 = tpu.memref_slice %arg8[%dma_start3A_154] : memref<800xi32, #tpu.memory_space<vmem>> -> memref<80xi32, #tpu.memory_space<vmem>>
    %dma_start3A_156 = arith.constant 0 : i32
    %dma_start3A_157 = arith.constant 0 : i32
    %dma_start3A_158 = tpu.memref_slice %arg2[%dma_start3A_156, %dma_start3A_157] : memref<3200000x8xf32, #tpu.memory_space<hbm>> -> memref<3200000x8xf32, #tpu.memory_space<hbm>>
    tpu.enqueue_indirect_dma source(%dma_start3A_158 : memref<3200000x8xf32, #tpu.memory_space<hbm>>) target(%dma_start3A_153 : memref<80x8xf32, #tpu.memory_space<vmem>>) offsets(%dma_start3A_155 : memref<80xi32, #tpu.memory_space<vmem>>) semaphore(%arg22 : memref<!tpu.dma_semaphore, #tpu.memory_space<semaphore_mem>>)
    %dma_start3A_159 = arith.constant 480 : i32
    %dma_start3A_160 = arith.constant 0 : i32
    %dma_start3A_161 = tpu.memref_slice %arg13[%dma_start3A_159, %dma_start3A_160] : memref<800x8xf32, #tpu.memory_space<vmem>> -> memref<80x8xf32, #tpu.memory_space<vmem>>
    %dma_start3A_162 = arith.constant 480 : i32
    %dma_start3A_163 = tpu.memref_slice %arg7[%dma_start3A_162] : memref<800xi32, #tpu.memory_space<vmem>> -> memref<80xi32, #tpu.memory_space<vmem>>
    %dma_start3A_164 = arith.constant 0 : i32
    %dma_start3A_165 = arith.constant 0 : i32
    %dma_start3A_166 = tpu.memref_slice %arg2[%dma_start3A_164, %dma_start3A_165] : memref<3200000x8xf32, #tpu.memory_space<hbm>> -> memref<3200000x8xf32, #tpu.memory_space<hbm>>
    tpu.enqueue_indirect_dma source(%dma_start3A_166 : memref<3200000x8xf32, #tpu.memory_space<hbm>>) target(%dma_start3A_161 : memref<80x8xf32, #tpu.memory_space<vmem>>) offsets(%dma_start3A_163 : memref<80xi32, #tpu.memory_space<vmem>>) semaphore(%arg22 : memref<!tpu.dma_semaphore, #tpu.memory_space<semaphore_mem>>)
    %dma_start3A_167 = arith.constant 480 : i32
    %dma_start3A_168 = arith.constant 0 : i32
    %dma_start3A_169 = tpu.memref_slice %arg14[%dma_start3A_167, %dma_start3A_168] : memref<800x8xf32, #tpu.memory_space<vmem>> -> memref<80x8xf32, #tpu.memory_space<vmem>>
    %dma_start3A_170 = arith.constant 480 : i32
    %dma_start3A_171 = tpu.memref_slice %arg8[%dma_start3A_170] : memref<800xi32, #tpu.memory_space<vmem>> -> memref<80xi32, #tpu.memory_space<vmem>>
    %dma_start3A_172 = arith.constant 0 : i32
    %dma_start3A_173 = arith.constant 0 : i32
    %dma_start3A_174 = tpu.memref_slice %arg2[%dma_start3A_172, %dma_start3A_173] : memref<3200000x8xf32, #tpu.memory_space<hbm>> -> memref<3200000x8xf32, #tpu.memory_space<hbm>>
    tpu.enqueue_indirect_dma source(%dma_start3A_174 : memref<3200000x8xf32, #tpu.memory_space<hbm>>) target(%dma_start3A_169 : memref<80x8xf32, #tpu.memory_space<vmem>>) offsets(%dma_start3A_171 : memref<80xi32, #tpu.memory_space<vmem>>) semaphore(%arg22 : memref<!tpu.dma_semaphore, #tpu.memory_space<semaphore_mem>>)
    %dma_start3A_175 = arith.constant 560 : i32
    %dma_start3A_176 = arith.constant 0 : i32
    %dma_start3A_177 = tpu.memref_slice %arg13[%dma_start3A_175, %dma_start3A_176] : memref<800x8xf32, #tpu.memory_space<vmem>> -> memref<80x8xf32, #tpu.memory_space<vmem>>
    %dma_start3A_178 = arith.constant 560 : i32
    %dma_start3A_179 = tpu.memref_slice %arg7[%dma_start3A_178] : memref<800xi32, #tpu.memory_space<vmem>> -> memref<80xi32, #tpu.memory_space<vmem>>
    %dma_start3A_180 = arith.constant 0 : i32
    %dma_start3A_181 = arith.constant 0 : i32
    %dma_start3A_182 = tpu.memref_slice %arg2[%dma_start3A_180, %dma_start3A_181] : memref<3200000x8xf32, #tpu.memory_space<hbm>> -> memref<3200000x8xf32, #tpu.memory_space<hbm>>
    tpu.enqueue_indirect_dma source(%dma_start3A_182 : memref<3200000x8xf32, #tpu.memory_space<hbm>>) target(%dma_start3A_177 : memref<80x8xf32, #tpu.memory_space<vmem>>) offsets(%dma_start3A_179 : memref<80xi32, #tpu.memory_space<vmem>>) semaphore(%arg22 : memref<!tpu.dma_semaphore, #tpu.memory_space<semaphore_mem>>)
    %dma_start3A_183 = arith.constant 560 : i32
    %dma_start3A_184 = arith.constant 0 : i32
    %dma_start3A_185 = tpu.memref_slice %arg14[%dma_start3A_183, %dma_start3A_184] : memref<800x8xf32, #tpu.memory_space<vmem>> -> memref<80x8xf32, #tpu.memory_space<vmem>>
    %dma_start3A_186 = arith.constant 560 : i32
    %dma_start3A_187 = tpu.memref_slice %arg8[%dma_start3A_186] : memref<800xi32, #tpu.memory_space<vmem>> -> memref<80xi32, #tpu.memory_space<vmem>>
    %dma_start3A_188 = arith.constant 0 : i32
    %dma_start3A_189 = arith.constant 0 : i32
    %dma_start3A_190 = tpu.memref_slice %arg2[%dma_start3A_188, %dma_start3A_189] : memref<3200000x8xf32, #tpu.memory_space<hbm>> -> memref<3200000x8xf32, #tpu.memory_space<hbm>>
    tpu.enqueue_indirect_dma source(%dma_start3A_190 : memref<3200000x8xf32, #tpu.memory_space<hbm>>) target(%dma_start3A_185 : memref<80x8xf32, #tpu.memory_space<vmem>>) offsets(%dma_start3A_187 : memref<80xi32, #tpu.memory_space<vmem>>) semaphore(%arg22 : memref<!tpu.dma_semaphore, #tpu.memory_space<semaphore_mem>>)
    %dma_start3A_191 = arith.constant 640 : i32
    %dma_start3A_192 = arith.constant 0 : i32
    %dma_start3A_193 = tpu.memref_slice %arg13[%dma_start3A_191, %dma_start3A_192] : memref<800x8xf32, #tpu.memory_space<vmem>> -> memref<80x8xf32, #tpu.memory_space<vmem>>
    %dma_start3A_194 = arith.constant 640 : i32
    %dma_start3A_195 = tpu.memref_slice %arg7[%dma_start3A_194] : memref<800xi32, #tpu.memory_space<vmem>> -> memref<80xi32, #tpu.memory_space<vmem>>
    %dma_start3A_196 = arith.constant 0 : i32
    %dma_start3A_197 = arith.constant 0 : i32
    %dma_start3A_198 = tpu.memref_slice %arg2[%dma_start3A_196, %dma_start3A_197] : memref<3200000x8xf32, #tpu.memory_space<hbm>> -> memref<3200000x8xf32, #tpu.memory_space<hbm>>
    tpu.enqueue_indirect_dma source(%dma_start3A_198 : memref<3200000x8xf32, #tpu.memory_space<hbm>>) target(%dma_start3A_193 : memref<80x8xf32, #tpu.memory_space<vmem>>) offsets(%dma_start3A_195 : memref<80xi32, #tpu.memory_space<vmem>>) semaphore(%arg22 : memref<!tpu.dma_semaphore, #tpu.memory_space<semaphore_mem>>)
    %dma_start3A_199 = arith.constant 640 : i32
    %dma_start3A_200 = arith.constant 0 : i32
    %dma_start3A_201 = tpu.memref_slice %arg14[%dma_start3A_199, %dma_start3A_200] : memref<800x8xf32, #tpu.memory_space<vmem>> -> memref<80x8xf32, #tpu.memory_space<vmem>>
    %dma_start3A_202 = arith.constant 640 : i32
    %dma_start3A_203 = tpu.memref_slice %arg8[%dma_start3A_202] : memref<800xi32, #tpu.memory_space<vmem>> -> memref<80xi32, #tpu.memory_space<vmem>>
    %dma_start3A_204 = arith.constant 0 : i32
    %dma_start3A_205 = arith.constant 0 : i32
    %dma_start3A_206 = tpu.memref_slice %arg2[%dma_start3A_204, %dma_start3A_205] : memref<3200000x8xf32, #tpu.memory_space<hbm>> -> memref<3200000x8xf32, #tpu.memory_space<hbm>>
    tpu.enqueue_indirect_dma source(%dma_start3A_206 : memref<3200000x8xf32, #tpu.memory_space<hbm>>) target(%dma_start3A_201 : memref<80x8xf32, #tpu.memory_space<vmem>>) offsets(%dma_start3A_203 : memref<80xi32, #tpu.memory_space<vmem>>) semaphore(%arg22 : memref<!tpu.dma_semaphore, #tpu.memory_space<semaphore_mem>>)
    %dma_start3A_207 = arith.constant 720 : i32
    %dma_start3A_208 = arith.constant 0 : i32
    %dma_start3A_209 = tpu.memref_slice %arg13[%dma_start3A_207, %dma_start3A_208] : memref<800x8xf32, #tpu.memory_space<vmem>> -> memref<80x8xf32, #tpu.memory_space<vmem>>
    %dma_start3A_210 = arith.constant 720 : i32
    %dma_start3A_211 = tpu.memref_slice %arg7[%dma_start3A_210] : memref<800xi32, #tpu.memory_space<vmem>> -> memref<80xi32, #tpu.memory_space<vmem>>
    %dma_start3A_212 = arith.constant 0 : i32
    %dma_start3A_213 = arith.constant 0 : i32
    %dma_start3A_214 = tpu.memref_slice %arg2[%dma_start3A_212, %dma_start3A_213] : memref<3200000x8xf32, #tpu.memory_space<hbm>> -> memref<3200000x8xf32, #tpu.memory_space<hbm>>
    tpu.enqueue_indirect_dma source(%dma_start3A_214 : memref<3200000x8xf32, #tpu.memory_space<hbm>>) target(%dma_start3A_209 : memref<80x8xf32, #tpu.memory_space<vmem>>) offsets(%dma_start3A_211 : memref<80xi32, #tpu.memory_space<vmem>>) semaphore(%arg22 : memref<!tpu.dma_semaphore, #tpu.memory_space<semaphore_mem>>)
    %dma_start3A_215 = arith.constant 720 : i32
    %dma_start3A_216 = arith.constant 0 : i32
    %dma_start3A_217 = tpu.memref_slice %arg14[%dma_start3A_215, %dma_start3A_216] : memref<800x8xf32, #tpu.memory_space<vmem>> -> memref<80x8xf32, #tpu.memory_space<vmem>>
    %dma_start3A_218 = arith.constant 720 : i32
    %dma_start3A_219 = tpu.memref_slice %arg8[%dma_start3A_218] : memref<800xi32, #tpu.memory_space<vmem>> -> memref<80xi32, #tpu.memory_space<vmem>>
    %dma_start3A_220 = arith.constant 0 : i32
    %dma_start3A_221 = arith.constant 0 : i32
    %dma_start3A_222 = tpu.memref_slice %arg2[%dma_start3A_220, %dma_start3A_221] : memref<3200000x8xf32, #tpu.memory_space<hbm>> -> memref<3200000x8xf32, #tpu.memory_space<hbm>>
    tpu.enqueue_indirect_dma source(%dma_start3A_222 : memref<3200000x8xf32, #tpu.memory_space<hbm>>) target(%dma_start3A_217 : memref<80x8xf32, #tpu.memory_space<vmem>>) offsets(%dma_start3A_219 : memref<80xi32, #tpu.memory_space<vmem>>) semaphore(%arg22 : memref<!tpu.dma_semaphore, #tpu.memory_space<semaphore_mem>>)
    %add3A_223 = arith.constant 800 : i32
    %add3A_224 = arith.addi %mul3A_21, %add3A_223 : i32
    %dma_start3A_225 = arith.constant 0 : i32
    %dma_start3A_226 = tpu.memref_slice %arg3[%dma_start3A_225, %add3A_224] : memref<2x3200000xi32, #tpu.memory_space<hbm>> -> memref<1x800xi32, #tpu.memory_space<hbm>>
    %dma_start3A_227 = tpu.memref_squeeze %dma_start3A_226 : memref<1x800xi32, #tpu.memory_space<hbm>> -> memref<800xi32, #tpu.memory_space<hbm>>
    %dma_start3A_228 = tpu.memref_slice %arg3[%dma_start3A_225, %add3A_224] : memref<2x3200000xi32, #tpu.memory_space<hbm>> -> memref<1x800xi32, #tpu.memory_space<hbm>>
    %dma_start3A_229 = tpu.memref_squeeze %dma_start3A_228 : memref<1x800xi32, #tpu.memory_space<hbm>> -> memref<800xi32, #tpu.memory_space<hbm>>
    tpu.enqueue_dma source(%dma_start3A_229 : memref<800xi32, #tpu.memory_space<hbm>>) target(%arg9 : memref<800xi32, #tpu.memory_space<vmem>>) target_semaphore(%arg21 : memref<!tpu.dma_semaphore, #tpu.memory_space<semaphore_mem>>)
    %dma_start3A_230 = arith.constant 1 : i32
    %dma_start3A_231 = tpu.memref_slice %arg3[%dma_start3A_230, %add3A_224] : memref<2x3200000xi32, #tpu.memory_space<hbm>> -> memref<1x800xi32, #tpu.memory_space<hbm>>
    %dma_start3A_232 = tpu.memref_squeeze %dma_start3A_231 : memref<1x800xi32, #tpu.memory_space<hbm>> -> memref<800xi32, #tpu.memory_space<hbm>>
    %dma_start3A_233 = tpu.memref_slice %arg3[%dma_start3A_230, %add3A_224] : memref<2x3200000xi32, #tpu.memory_space<hbm>> -> memref<1x800xi32, #tpu.memory_space<hbm>>
    %dma_start3A_234 = tpu.memref_squeeze %dma_start3A_233 : memref<1x800xi32, #tpu.memory_space<hbm>> -> memref<800xi32, #tpu.memory_space<hbm>>
    tpu.enqueue_dma source(%dma_start3A_234 : memref<800xi32, #tpu.memory_space<hbm>>) target(%arg10 : memref<800xi32, #tpu.memory_space<vmem>>) target_semaphore(%arg21 : memref<!tpu.dma_semaphore, #tpu.memory_space<semaphore_mem>>)
    %dma_start3A_235 = arith.constant 0 : i32
    %dma_start3A_236 = tpu.memref_slice %arg2[%add3A_224, %dma_start3A_235] : memref<3200000x8xf32, #tpu.memory_space<hbm>> -> memref<800x8xf32, #tpu.memory_space<hbm>>
    %dma_start3A_237 = arith.constant 0 : i32
    %dma_start3A_238 = tpu.memref_slice %arg2[%add3A_224, %dma_start3A_237] : memref<3200000x8xf32, #tpu.memory_space<hbm>> -> memref<800x8xf32, #tpu.memory_space<hbm>>
    tpu.enqueue_dma source(%dma_start3A_238 : memref<800x8xf32, #tpu.memory_space<hbm>>) target(%arg12 : memref<800x8xf32, #tpu.memory_space<vmem>>) target_semaphore(%arg21 : memref<!tpu.dma_semaphore, #tpu.memory_space<semaphore_mem>>)
    %broadcast_in_dim3A_239 = arith.constant 0 : i32
    %broadcast_in_dim3A_240 = vector.broadcast %broadcast_in_dim3A_239 : i32 to vector<16xi32>
    %scan3A_241 = arith.constant 0 : i32
    %scan3A_242 = arith.constant 62 : i32
    %scan3A_243 = arith.addi %scan3A_241, %scan3A_242 : i32
    %scan3A_244 = arith.constant 1 : i32
    %scan3A_245:4 = scf.for %scan3A_288 = %scan3A_241 to %scan3A_243 step %scan3A_244 iter_args(%scan3A_289 = %broadcast_in_dim3A_17, %scan3A_290 = %broadcast_in_dim3A_17, %scan3A_291 = %broadcast_in_dim3A_240, %scan3A_292 = %broadcast_in_dim3A_17) -> (vector<16xf32>, vector<16xf32>, vector<16xi32>, vector<16xf32>)  : i32 {
      %mul3A_293 = arith.constant 2 : i32
      %mul3A_294 = arith.muli %mul3A_293, %scan3A_288 : i32
      %dma_wait3A_295 = arith.constant 0 : i32
      %dma_wait3A_296 = arith.constant 0 : i32
      %dma_wait3A_297 = tpu.memref_slice %arg3[%dma_wait3A_295, %dma_wait3A_296] : memref<2x3200000xi32, #tpu.memory_space<hbm>> -> memref<1x800xi32, #tpu.memory_space<hbm>>
      %dma_wait3A_298 = tpu.memref_squeeze %dma_wait3A_297 : memref<1x800xi32, #tpu.memory_space<hbm>> -> memref<800xi32, #tpu.memory_space<hbm>>
      %dma_wait3A_299 = arith.constant 0 : i32
      %dma_wait3A_300 = tpu.memref_slice %arg3[%dma_wait3A_295, %dma_wait3A_299] : memref<2x3200000xi32, #tpu.memory_space<hbm>> -> memref<1x800xi32, #tpu.memory_space<hbm>>
      %dma_wait3A_301 = tpu.memref_squeeze %dma_wait3A_300 : memref<1x800xi32, #tpu.memory_space<hbm>> -> memref<800xi32, #tpu.memory_space<hbm>>
      tpu.wait_dma2 semaphore(%arg21 : memref<!tpu.dma_semaphore, #tpu.memory_space<semaphore_mem>>) src(%dma_wait3A_301 : memref<800xi32, #tpu.memory_space<hbm>>) dst(%arg9 : memref<800xi32, #tpu.memory_space<vmem>>)
      %dma_wait3A_302 = arith.constant 0 : i32
      %dma_wait3A_303 = arith.constant 0 : i32
      %dma_wait3A_304 = tpu.memref_slice %arg3[%dma_wait3A_302, %dma_wait3A_303] : memref<2x3200000xi32, #tpu.memory_space<hbm>> -> memref<1x800xi32, #tpu.memory_space<hbm>>
      %dma_wait3A_305 = tpu.memref_squeeze %dma_wait3A_304 : memref<1x800xi32, #tpu.memory_space<hbm>> -> memref<800xi32, #tpu.memory_space<hbm>>
      %dma_wait3A_306 = arith.constant 0 : i32
      %dma_wait3A_307 = tpu.memref_slice %arg3[%dma_wait3A_302, %dma_wait3A_306] : memref<2x3200000xi32, #tpu.memory_space<hbm>> -> memref<1x800xi32, #tpu.memory_space<hbm>>
      %dma_wait3A_308 = tpu.memref_squeeze %dma_wait3A_307 : memref<1x800xi32, #tpu.memory_space<hbm>> -> memref<800xi32, #tpu.memory_space<hbm>>
      tpu.wait_dma2 semaphore(%arg21 : memref<!tpu.dma_semaphore, #tpu.memory_space<semaphore_mem>>) src(%dma_wait3A_308 : memref<800xi32, #tpu.memory_space<hbm>>) dst(%arg10 : memref<800xi32, #tpu.memory_space<vmem>>)
      %dma_wait3A_309 = arith.constant 0 : i32
      %dma_wait3A_310 = arith.constant 0 : i32
      %dma_wait3A_311 = tpu.memref_slice %arg2[%dma_wait3A_309, %dma_wait3A_310] : memref<3200000x8xf32, #tpu.memory_space<hbm>> -> memref<800x8xf32, #tpu.memory_space<hbm>>
      %dma_wait3A_312 = arith.constant 0 : i32
      %dma_wait3A_313 = arith.constant 0 : i32
      %dma_wait3A_314 = tpu.memref_slice %arg2[%dma_wait3A_312, %dma_wait3A_313] : memref<3200000x8xf32, #tpu.memory_space<hbm>> -> memref<800x8xf32, #tpu.memory_space<hbm>>
      tpu.wait_dma2 semaphore(%arg21 : memref<!tpu.dma_semaphore, #tpu.memory_space<semaphore_mem>>) src(%dma_wait3A_314 : memref<800x8xf32, #tpu.memory_space<hbm>>) dst(%arg12 : memref<800x8xf32, #tpu.memory_space<vmem>>)
      %dma_start3A_315 = arith.constant 0 : i32
      %dma_start3A_316 = arith.constant 0 : i32
      %dma_start3A_317 = tpu.memref_slice %arg15[%dma_start3A_315, %dma_start3A_316] : memref<800x8xf32, #tpu.memory_space<vmem>> -> memref<80x8xf32, #tpu.memory_space<vmem>>
      %dma_start3A_318 = arith.constant 0 : i32
      %dma_start3A_319 = tpu.memref_slice %arg9[%dma_start3A_318] : memref<800xi32, #tpu.memory_space<vmem>> -> memref<80xi32, #tpu.memory_space<vmem>>
      %dma_start3A_320 = arith.constant 0 : i32
      %dma_start3A_321 = arith.constant 0 : i32
      %dma_start3A_322 = tpu.memref_slice %arg2[%dma_start3A_320, %dma_start3A_321] : memref<3200000x8xf32, #tpu.memory_space<hbm>> -> memref<3200000x8xf32, #tpu.memory_space<hbm>>
      tpu.enqueue_indirect_dma source(%dma_start3A_322 : memref<3200000x8xf32, #tpu.memory_space<hbm>>) target(%dma_start3A_317 : memref<80x8xf32, #tpu.memory_space<vmem>>) offsets(%dma_start3A_319 : memref<80xi32, #tpu.memory_space<vmem>>) semaphore(%arg23 : memref<!tpu.dma_semaphore, #tpu.memory_space<semaphore_mem>>)
      %dma_start3A_323 = arith.constant 0 : i32
      %dma_start3A_324 = arith.constant 0 : i32
      %dma_start3A_325 = tpu.memref_slice %arg16[%dma_start3A_323, %dma_start3A_324] : memref<800x8xf32, #tpu.memory_space<vmem>> -> memref<80x8xf32, #tpu.memory_space<vmem>>
      %dma_start3A_326 = arith.constant 0 : i32
      %dma_start3A_327 = tpu.memref_slice %arg10[%dma_start3A_326] : memref<800xi32, #tpu.memory_space<vmem>> -> memref<80xi32, #tpu.memory_space<vmem>>
      %dma_start3A_328 = arith.constant 0 : i32
      %dma_start3A_329 = arith.constant 0 : i32
      %dma_start3A_330 = tpu.memref_slice %arg2[%dma_start3A_328, %dma_start3A_329] : memref<3200000x8xf32, #tpu.memory_space<hbm>> -> memref<3200000x8xf32, #tpu.memory_space<hbm>>
      tpu.enqueue_indirect_dma source(%dma_start3A_330 : memref<3200000x8xf32, #tpu.memory_space<hbm>>) target(%dma_start3A_325 : memref<80x8xf32, #tpu.memory_space<vmem>>) offsets(%dma_start3A_327 : memref<80xi32, #tpu.memory_space<vmem>>) semaphore(%arg23 : memref<!tpu.dma_semaphore, #tpu.memory_space<semaphore_mem>>)
      %dma_start3A_331 = arith.constant 80 : i32
      %dma_start3A_332 = arith.constant 0 : i32
      %dma_start3A_333 = tpu.memref_slice %arg15[%dma_start3A_331, %dma_start3A_332] : memref<800x8xf32, #tpu.memory_space<vmem>> -> memref<80x8xf32, #tpu.memory_space<vmem>>
      %dma_start3A_334 = arith.constant 80 : i32
      %dma_start3A_335 = tpu.memref_slice %arg9[%dma_start3A_334] : memref<800xi32, #tpu.memory_space<vmem>> -> memref<80xi32, #tpu.memory_space<vmem>>
      %dma_start3A_336 = arith.constant 0 : i32
      %dma_start3A_337 = arith.constant 0 : i32
      %dma_start3A_338 = tpu.memref_slice %arg2[%dma_start3A_336, %dma_start3A_337] : memref<3200000x8xf32, #tpu.memory_space<hbm>> -> memref<3200000x8xf32, #tpu.memory_space<hbm>>
      tpu.enqueue_indirect_dma source(%dma_start3A_338 : memref<3200000x8xf32, #tpu.memory_space<hbm>>) target(%dma_start3A_333 : memref<80x8xf32, #tpu.memory_space<vmem>>) offsets(%dma_start3A_335 : memref<80xi32, #tpu.memory_space<vmem>>) semaphore(%arg23 : memref<!tpu.dma_semaphore, #tpu.memory_space<semaphore_mem>>)
      %dma_start3A_339 = arith.constant 80 : i32
      %dma_start3A_340 = arith.constant 0 : i32
      %dma_start3A_341 = tpu.memref_slice %arg16[%dma_start3A_339, %dma_start3A_340] : memref<800x8xf32, #tpu.memory_space<vmem>> -> memref<80x8xf32, #tpu.memory_space<vmem>>
      %dma_start3A_342 = arith.constant 80 : i32
      %dma_start3A_343 = tpu.memref_slice %arg10[%dma_start3A_342] : memref<800xi32, #tpu.memory_space<vmem>> -> memref<80xi32, #tpu.memory_space<vmem>>
      %dma_start3A_344 = arith.constant 0 : i32
      %dma_start3A_345 = arith.constant 0 : i32
      %dma_start3A_346 = tpu.memref_slice %arg2[%dma_start3A_344, %dma_start3A_345] : memref<3200000x8xf32, #tpu.memory_space<hbm>> -> memref<3200000x8xf32, #tpu.memory_space<hbm>>
      tpu.enqueue_indirect_dma source(%dma_start3A_346 : memref<3200000x8xf32, #tpu.memory_space<hbm>>) target(%dma_start3A_341 : memref<80x8xf32, #tpu.memory_space<vmem>>) offsets(%dma_start3A_343 : memref<80xi32, #tpu.memory_space<vmem>>) semaphore(%arg23 : memref<!tpu.dma_semaphore, #tpu.memory_space<semaphore_mem>>)
      %dma_start3A_347 = arith.constant 160 : i32
      %dma_start3A_348 = arith.constant 0 : i32
      %dma_start3A_349 = tpu.memref_slice %arg15[%dma_start3A_347, %dma_start3A_348] : memref<800x8xf32, #tpu.memory_space<vmem>> -> memref<80x8xf32, #tpu.memory_space<vmem>>
      %dma_start3A_350 = arith.constant 160 : i32
      %dma_start3A_351 = tpu.memref_slice %arg9[%dma_start3A_350] : memref<800xi32, #tpu.memory_space<vmem>> -> memref<80xi32, #tpu.memory_space<vmem>>
      %dma_start3A_352 = arith.constant 0 : i32
      %dma_start3A_353 = arith.constant 0 : i32
      %dma_start3A_354 = tpu.memref_slice %arg2[%dma_start3A_352, %dma_start3A_353] : memref<3200000x8xf32, #tpu.memory_space<hbm>> -> memref<3200000x8xf32, #tpu.memory_space<hbm>>
      tpu.enqueue_indirect_dma source(%dma_start3A_354 : memref<3200000x8xf32, #tpu.memory_space<hbm>>) target(%dma_start3A_349 : memref<80x8xf32, #tpu.memory_space<vmem>>) offsets(%dma_start3A_351 : memref<80xi32, #tpu.memory_space<vmem>>) semaphore(%arg23 : memref<!tpu.dma_semaphore, #tpu.memory_space<semaphore_mem>>)
      %dma_start3A_355 = arith.constant 160 : i32
      %dma_start3A_356 = arith.constant 0 : i32
      %dma_start3A_357 = tpu.memref_slice %arg16[%dma_start3A_355, %dma_start3A_356] : memref<800x8xf32, #tpu.memory_space<vmem>> -> memref<80x8xf32, #tpu.memory_space<vmem>>
      %dma_start3A_358 = arith.constant 160 : i32
      %dma_start3A_359 = tpu.memref_slice %arg10[%dma_start3A_358] : memref<800xi32, #tpu.memory_space<vmem>> -> memref<80xi32, #tpu.memory_space<vmem>>
      %dma_start3A_360 = arith.constant 0 : i32
      %dma_start3A_361 = arith.constant 0 : i32
      %dma_start3A_362 = tpu.memref_slice %arg2[%dma_start3A_360, %dma_start3A_361] : memref<3200000x8xf32, #tpu.memory_space<hbm>> -> memref<3200000x8xf32, #tpu.memory_space<hbm>>
      tpu.enqueue_indirect_dma source(%dma_start3A_362 : memref<3200000x8xf32, #tpu.memory_space<hbm>>) target(%dma_start3A_357 : memref<80x8xf32, #tpu.memory_space<vmem>>) offsets(%dma_start3A_359 : memref<80xi32, #tpu.memory_space<vmem>>) semaphore(%arg23 : memref<!tpu.dma_semaphore, #tpu.memory_space<semaphore_mem>>)
      %dma_start3A_363 = arith.constant 240 : i32
      %dma_start3A_364 = arith.constant 0 : i32
      %dma_start3A_365 = tpu.memref_slice %arg15[%dma_start3A_363, %dma_start3A_364] : memref<800x8xf32, #tpu.memory_space<vmem>> -> memref<80x8xf32, #tpu.memory_space<vmem>>
      %dma_start3A_366 = arith.constant 240 : i32
      %dma_start3A_367 = tpu.memref_slice %arg9[%dma_start3A_366] : memref<800xi32, #tpu.memory_space<vmem>> -> memref<80xi32, #tpu.memory_space<vmem>>
      %dma_start3A_368 = arith.constant 0 : i32
      %dma_start3A_369 = arith.constant 0 : i32
      %dma_start3A_370 = tpu.memref_slice %arg2[%dma_start3A_368, %dma_start3A_369] : memref<3200000x8xf32, #tpu.memory_space<hbm>> -> memref<3200000x8xf32, #tpu.memory_space<hbm>>
      tpu.enqueue_indirect_dma source(%dma_start3A_370 : memref<3200000x8xf32, #tpu.memory_space<hbm>>) target(%dma_start3A_365 : memref<80x8xf32, #tpu.memory_space<vmem>>) offsets(%dma_start3A_367 : memref<80xi32, #tpu.memory_space<vmem>>) semaphore(%arg23 : memref<!tpu.dma_semaphore, #tpu.memory_space<semaphore_mem>>)
      %dma_start3A_371 = arith.constant 240 : i32
      %dma_start3A_372 = arith.constant 0 : i32
      %dma_start3A_373 = tpu.memref_slice %arg16[%dma_start3A_371, %dma_start3A_372] : memref<800x8xf32, #tpu.memory_space<vmem>> -> memref<80x8xf32, #tpu.memory_space<vmem>>
      %dma_start3A_374 = arith.constant 240 : i32
      %dma_start3A_375 = tpu.memref_slice %arg10[%dma_start3A_374] : memref<800xi32, #tpu.memory_space<vmem>> -> memref<80xi32, #tpu.memory_space<vmem>>
      %dma_start3A_376 = arith.constant 0 : i32
      %dma_start3A_377 = arith.constant 0 : i32
      %dma_start3A_378 = tpu.memref_slice %arg2[%dma_start3A_376, %dma_start3A_377] : memref<3200000x8xf32, #tpu.memory_space<hbm>> -> memref<3200000x8xf32, #tpu.memory_space<hbm>>
      tpu.enqueue_indirect_dma source(%dma_start3A_378 : memref<3200000x8xf32, #tpu.memory_space<hbm>>) target(%dma_start3A_373 : memref<80x8xf32, #tpu.memory_space<vmem>>) offsets(%dma_start3A_375 : memref<80xi32, #tpu.memory_space<vmem>>) semaphore(%arg23 : memref<!tpu.dma_semaphore, #tpu.memory_space<semaphore_mem>>)
      %dma_start3A_379 = arith.constant 320 : i32
      %dma_start3A_380 = arith.constant 0 : i32
      %dma_start3A_381 = tpu.memref_slice %arg15[%dma_start3A_379, %dma_start3A_380] : memref<800x8xf32, #tpu.memory_space<vmem>> -> memref<80x8xf32, #tpu.memory_space<vmem>>
      %dma_start3A_382 = arith.constant 320 : i32
      %dma_start3A_383 = tpu.memref_slice %arg9[%dma_start3A_382] : memref<800xi32, #tpu.memory_space<vmem>> -> memref<80xi32, #tpu.memory_space<vmem>>
      %dma_start3A_384 = arith.constant 0 : i32
      %dma_start3A_385 = arith.constant 0 : i32
      %dma_start3A_386 = tpu.memref_slice %arg2[%dma_start3A_384, %dma_start3A_385] : memref<3200000x8xf32, #tpu.memory_space<hbm>> -> memref<3200000x8xf32, #tpu.memory_space<hbm>>
      tpu.enqueue_indirect_dma source(%dma_start3A_386 : memref<3200000x8xf32, #tpu.memory_space<hbm>>) target(%dma_start3A_381 : memref<80x8xf32, #tpu.memory_space<vmem>>) offsets(%dma_start3A_383 : memref<80xi32, #tpu.memory_space<vmem>>) semaphore(%arg23 : memref<!tpu.dma_semaphore, #tpu.memory_space<semaphore_mem>>)
      %dma_start3A_387 = arith.constant 320 : i32
      %dma_start3A_388 = arith.constant 0 : i32
      %dma_start3A_389 = tpu.memref_slice %arg16[%dma_start3A_387, %dma_start3A_388] : memref<800x8xf32, #tpu.memory_space<vmem>> -> memref<80x8xf32, #tpu.memory_space<vmem>>
      %dma_start3A_390 = arith.constant 320 : i32
      %dma_start3A_391 = tpu.memref_slice %arg10[%dma_start3A_390] : memref<800xi32, #tpu.memory_space<vmem>> -> memref<80xi32, #tpu.memory_space<vmem>>
      %dma_start3A_392 = arith.constant 0 : i32
      %dma_start3A_393 = arith.constant 0 : i32
      %dma_start3A_394 = tpu.memref_slice %arg2[%dma_start3A_392, %dma_start3A_393] : memref<3200000x8xf32, #tpu.memory_space<hbm>> -> memref<3200000x8xf32, #tpu.memory_space<hbm>>
      tpu.enqueue_indirect_dma source(%dma_start3A_394 : memref<3200000x8xf32, #tpu.memory_space<hbm>>) target(%dma_start3A_389 : memref<80x8xf32, #tpu.memory_space<vmem>>) offsets(%dma_start3A_391 : memref<80xi32, #tpu.memory_space<vmem>>) semaphore(%arg23 : memref<!tpu.dma_semaphore, #tpu.memory_space<semaphore_mem>>)
      %dma_start3A_395 = arith.constant 400 : i32
      %dma_start3A_396 = arith.constant 0 : i32
      %dma_start3A_397 = tpu.memref_slice %arg15[%dma_start3A_395, %dma_start3A_396] : memref<800x8xf32, #tpu.memory_space<vmem>> -> memref<80x8xf32, #tpu.memory_space<vmem>>
      %dma_start3A_398 = arith.constant 400 : i32
      %dma_start3A_399 = tpu.memref_slice %arg9[%dma_start3A_398] : memref<800xi32, #tpu.memory_space<vmem>> -> memref<80xi32, #tpu.memory_space<vmem>>
      %dma_start3A_400 = arith.constant 0 : i32
      %dma_start3A_401 = arith.constant 0 : i32
      %dma_start3A_402 = tpu.memref_slice %arg2[%dma_start3A_400, %dma_start3A_401] : memref<3200000x8xf32, #tpu.memory_space<hbm>> -> memref<3200000x8xf32, #tpu.memory_space<hbm>>
      tpu.enqueue_indirect_dma source(%dma_start3A_402 : memref<3200000x8xf32, #tpu.memory_space<hbm>>) target(%dma_start3A_397 : memref<80x8xf32, #tpu.memory_space<vmem>>) offsets(%dma_start3A_399 : memref<80xi32, #tpu.memory_space<vmem>>) semaphore(%arg23 : memref<!tpu.dma_semaphore, #tpu.memory_space<semaphore_mem>>)
      %dma_start3A_403 = arith.constant 400 : i32
      %dma_start3A_404 = arith.constant 0 : i32
      %dma_start3A_405 = tpu.memref_slice %arg16[%dma_start3A_403, %dma_start3A_404] : memref<800x8xf32, #tpu.memory_space<vmem>> -> memref<80x8xf32, #tpu.memory_space<vmem>>
      %dma_start3A_406 = arith.constant 400 : i32
      %dma_start3A_407 = tpu.memref_slice %arg10[%dma_start3A_406] : memref<800xi32, #tpu.memory_space<vmem>> -> memref<80xi32, #tpu.memory_space<vmem>>
      %dma_start3A_408 = arith.constant 0 : i32
      %dma_start3A_409 = arith.constant 0 : i32
      %dma_start3A_410 = tpu.memref_slice %arg2[%dma_start3A_408, %dma_start3A_409] : memref<3200000x8xf32, #tpu.memory_space<hbm>> -> memref<3200000x8xf32, #tpu.memory_space<hbm>>
      tpu.enqueue_indirect_dma source(%dma_start3A_410 : memref<3200000x8xf32, #tpu.memory_space<hbm>>) target(%dma_start3A_405 : memref<80x8xf32, #tpu.memory_space<vmem>>) offsets(%dma_start3A_407 : memref<80xi32, #tpu.memory_space<vmem>>) semaphore(%arg23 : memref<!tpu.dma_semaphore, #tpu.memory_space<semaphore_mem>>)
      %dma_start3A_411 = arith.constant 480 : i32
      %dma_start3A_412 = arith.constant 0 : i32
      %dma_start3A_413 = tpu.memref_slice %arg15[%dma_start3A_411, %dma_start3A_412] : memref<800x8xf32, #tpu.memory_space<vmem>> -> memref<80x8xf32, #tpu.memory_space<vmem>>
      %dma_start3A_414 = arith.constant 480 : i32
      %dma_start3A_415 = tpu.memref_slice %arg9[%dma_start3A_414] : memref<800xi32, #tpu.memory_space<vmem>> -> memref<80xi32, #tpu.memory_space<vmem>>
      %dma_start3A_416 = arith.constant 0 : i32
      %dma_start3A_417 = arith.constant 0 : i32
      %dma_start3A_418 = tpu.memref_slice %arg2[%dma_start3A_416, %dma_start3A_417] : memref<3200000x8xf32, #tpu.memory_space<hbm>> -> memref<3200000x8xf32, #tpu.memory_space<hbm>>
      tpu.enqueue_indirect_dma source(%dma_start3A_418 : memref<3200000x8xf32, #tpu.memory_space<hbm>>) target(%dma_start3A_413 : memref<80x8xf32, #tpu.memory_space<vmem>>) offsets(%dma_start3A_415 : memref<80xi32, #tpu.memory_space<vmem>>) semaphore(%arg23 : memref<!tpu.dma_semaphore, #tpu.memory_space<semaphore_mem>>)
      %dma_start3A_419 = arith.constant 480 : i32
      %dma_start3A_420 = arith.constant 0 : i32
      %dma_start3A_421 = tpu.memref_slice %arg16[%dma_start3A_419, %dma_start3A_420] : memref<800x8xf32, #tpu.memory_space<vmem>> -> memref<80x8xf32, #tpu.memory_space<vmem>>
      %dma_start3A_422 = arith.constant 480 : i32
      %dma_start3A_423 = tpu.memref_slice %arg10[%dma_start3A_422] : memref<800xi32, #tpu.memory_space<vmem>> -> memref<80xi32, #tpu.memory_space<vmem>>
      %dma_start3A_424 = arith.constant 0 : i32
      %dma_start3A_425 = arith.constant 0 : i32
      %dma_start3A_426 = tpu.memref_slice %arg2[%dma_start3A_424, %dma_start3A_425] : memref<3200000x8xf32, #tpu.memory_space<hbm>> -> memref<3200000x8xf32, #tpu.memory_space<hbm>>
      tpu.enqueue_indirect_dma source(%dma_start3A_426 : memref<3200000x8xf32, #tpu.memory_space<hbm>>) target(%dma_start3A_421 : memref<80x8xf32, #tpu.memory_space<vmem>>) offsets(%dma_start3A_423 : memref<80xi32, #tpu.memory_space<vmem>>) semaphore(%arg23 : memref<!tpu.dma_semaphore, #tpu.memory_space<semaphore_mem>>)
      %dma_start3A_427 = arith.constant 560 : i32
      %dma_start3A_428 = arith.constant 0 : i32
      %dma_start3A_429 = tpu.memref_slice %arg15[%dma_start3A_427, %dma_start3A_428] : memref<800x8xf32, #tpu.memory_space<vmem>> -> memref<80x8xf32, #tpu.memory_space<vmem>>
      %dma_start3A_430 = arith.constant 560 : i32
      %dma_start3A_431 = tpu.memref_slice %arg9[%dma_start3A_430] : memref<800xi32, #tpu.memory_space<vmem>> -> memref<80xi32, #tpu.memory_space<vmem>>
      %dma_start3A_432 = arith.constant 0 : i32
      %dma_start3A_433 = arith.constant 0 : i32
      %dma_start3A_434 = tpu.memref_slice %arg2[%dma_start3A_432, %dma_start3A_433] : memref<3200000x8xf32, #tpu.memory_space<hbm>> -> memref<3200000x8xf32, #tpu.memory_space<hbm>>
      tpu.enqueue_indirect_dma source(%dma_start3A_434 : memref<3200000x8xf32, #tpu.memory_space<hbm>>) target(%dma_start3A_429 : memref<80x8xf32, #tpu.memory_space<vmem>>) offsets(%dma_start3A_431 : memref<80xi32, #tpu.memory_space<vmem>>) semaphore(%arg23 : memref<!tpu.dma_semaphore, #tpu.memory_space<semaphore_mem>>)
      %dma_start3A_435 = arith.constant 560 : i32
      %dma_start3A_436 = arith.constant 0 : i32
      %dma_start3A_437 = tpu.memref_slice %arg16[%dma_start3A_435, %dma_start3A_436] : memref<800x8xf32, #tpu.memory_space<vmem>> -> memref<80x8xf32, #tpu.memory_space<vmem>>
      %dma_start3A_438 = arith.constant 560 : i32
      %dma_start3A_439 = tpu.memref_slice %arg10[%dma_start3A_438] : memref<800xi32, #tpu.memory_space<vmem>> -> memref<80xi32, #tpu.memory_space<vmem>>
      %dma_start3A_440 = arith.constant 0 : i32
      %dma_start3A_441 = arith.constant 0 : i32
      %dma_start3A_442 = tpu.memref_slice %arg2[%dma_start3A_440, %dma_start3A_441] : memref<3200000x8xf32, #tpu.memory_space<hbm>> -> memref<3200000x8xf32, #tpu.memory_space<hbm>>
      tpu.enqueue_indirect_dma source(%dma_start3A_442 : memref<3200000x8xf32, #tpu.memory_space<hbm>>) target(%dma_start3A_437 : memref<80x8xf32, #tpu.memory_space<vmem>>) offsets(%dma_start3A_439 : memref<80xi32, #tpu.memory_space<vmem>>) semaphore(%arg23 : memref<!tpu.dma_semaphore, #tpu.memory_space<semaphore_mem>>)
      %dma_start3A_443 = arith.constant 640 : i32
      %dma_start3A_444 = arith.constant 0 : i32
      %dma_start3A_445 = tpu.memref_slice %arg15[%dma_start3A_443, %dma_start3A_444] : memref<800x8xf32, #tpu.memory_space<vmem>> -> memref<80x8xf32, #tpu.memory_space<vmem>>
      %dma_start3A_446 = arith.constant 640 : i32
      %dma_start3A_447 = tpu.memref_slice %arg9[%dma_start3A_446] : memref<800xi32, #tpu.memory_space<vmem>> -> memref<80xi32, #tpu.memory_space<vmem>>
      %dma_start3A_448 = arith.constant 0 : i32
      %dma_start3A_449 = arith.constant 0 : i32
      %dma_start3A_450 = tpu.memref_slice %arg2[%dma_start3A_448, %dma_start3A_449] : memref<3200000x8xf32, #tpu.memory_space<hbm>> -> memref<3200000x8xf32, #tpu.memory_space<hbm>>
      tpu.enqueue_indirect_dma source(%dma_start3A_450 : memref<3200000x8xf32, #tpu.memory_space<hbm>>) target(%dma_start3A_445 : memref<80x8xf32, #tpu.memory_space<vmem>>) offsets(%dma_start3A_447 : memref<80xi32, #tpu.memory_space<vmem>>) semaphore(%arg23 : memref<!tpu.dma_semaphore, #tpu.memory_space<semaphore_mem>>)
      %dma_start3A_451 = arith.constant 640 : i32
      %dma_start3A_452 = arith.constant 0 : i32
      %dma_start3A_453 = tpu.memref_slice %arg16[%dma_start3A_451, %dma_start3A_452] : memref<800x8xf32, #tpu.memory_space<vmem>> -> memref<80x8xf32, #tpu.memory_space<vmem>>
      %dma_start3A_454 = arith.constant 640 : i32
      %dma_start3A_455 = tpu.memref_slice %arg10[%dma_start3A_454] : memref<800xi32, #tpu.memory_space<vmem>> -> memref<80xi32, #tpu.memory_space<vmem>>
      %dma_start3A_456 = arith.constant 0 : i32
      %dma_start3A_457 = arith.constant 0 : i32
      %dma_start3A_458 = tpu.memref_slice %arg2[%dma_start3A_456, %dma_start3A_457] : memref<3200000x8xf32, #tpu.memory_space<hbm>> -> memref<3200000x8xf32, #tpu.memory_space<hbm>>
      tpu.enqueue_indirect_dma source(%dma_start3A_458 : memref<3200000x8xf32, #tpu.memory_space<hbm>>) target(%dma_start3A_453 : memref<80x8xf32, #tpu.memory_space<vmem>>) offsets(%dma_start3A_455 : memref<80xi32, #tpu.memory_space<vmem>>) semaphore(%arg23 : memref<!tpu.dma_semaphore, #tpu.memory_space<semaphore_mem>>)
      %dma_start3A_459 = arith.constant 720 : i32
      %dma_start3A_460 = arith.constant 0 : i32
      %dma_start3A_461 = tpu.memref_slice %arg15[%dma_start3A_459, %dma_start3A_460] : memref<800x8xf32, #tpu.memory_space<vmem>> -> memref<80x8xf32, #tpu.memory_space<vmem>>
      %dma_start3A_462 = arith.constant 720 : i32
      %dma_start3A_463 = tpu.memref_slice %arg9[%dma_start3A_462] : memref<800xi32, #tpu.memory_space<vmem>> -> memref<80xi32, #tpu.memory_space<vmem>>
      %dma_start3A_464 = arith.constant 0 : i32
      %dma_start3A_465 = arith.constant 0 : i32
      %dma_start3A_466 = tpu.memref_slice %arg2[%dma_start3A_464, %dma_start3A_465] : memref<3200000x8xf32, #tpu.memory_space<hbm>> -> memref<3200000x8xf32, #tpu.memory_space<hbm>>
      tpu.enqueue_indirect_dma source(%dma_start3A_466 : memref<3200000x8xf32, #tpu.memory_space<hbm>>) target(%dma_start3A_461 : memref<80x8xf32, #tpu.memory_space<vmem>>) offsets(%dma_start3A_463 : memref<80xi32, #tpu.memory_space<vmem>>) semaphore(%arg23 : memref<!tpu.dma_semaphore, #tpu.memory_space<semaphore_mem>>)
      %dma_start3A_467 = arith.constant 720 : i32
      %dma_start3A_468 = arith.constant 0 : i32
      %dma_start3A_469 = tpu.memref_slice %arg16[%dma_start3A_467, %dma_start3A_468] : memref<800x8xf32, #tpu.memory_space<vmem>> -> memref<80x8xf32, #tpu.memory_space<vmem>>
      %dma_start3A_470 = arith.constant 720 : i32
      %dma_start3A_471 = tpu.memref_slice %arg10[%dma_start3A_470] : memref<800xi32, #tpu.memory_space<vmem>> -> memref<80xi32, #tpu.memory_space<vmem>>
      %dma_start3A_472 = arith.constant 0 : i32
      %dma_start3A_473 = arith.constant 0 : i32
      %dma_start3A_474 = tpu.memref_slice %arg2[%dma_start3A_472, %dma_start3A_473] : memref<3200000x8xf32, #tpu.memory_space<hbm>> -> memref<3200000x8xf32, #tpu.memory_space<hbm>>
      tpu.enqueue_indirect_dma source(%dma_start3A_474 : memref<3200000x8xf32, #tpu.memory_space<hbm>>) target(%dma_start3A_469 : memref<80x8xf32, #tpu.memory_space<vmem>>) offsets(%dma_start3A_471 : memref<80xi32, #tpu.memory_space<vmem>>) semaphore(%arg23 : memref<!tpu.dma_semaphore, #tpu.memory_space<semaphore_mem>>)
      %dma_wait3A_475 = arith.constant 0 : i32
      %dma_wait3A_476 = arith.constant 0 : i32
      %dma_wait3A_477 = tpu.memref_slice %arg2[%dma_wait3A_475, %dma_wait3A_476] : memref<3200000x8xf32, #tpu.memory_space<hbm>> -> memref<800x8xf32, #tpu.memory_space<hbm>>
      %dma_wait3A_478 = arith.constant 0 : i32
      %dma_wait3A_479 = arith.constant 0 : i32
      %dma_wait3A_480 = tpu.memref_slice %arg2[%dma_wait3A_478, %dma_wait3A_479] : memref<3200000x8xf32, #tpu.memory_space<hbm>> -> memref<800x8xf32, #tpu.memory_space<hbm>>
      tpu.wait_dma2 semaphore(%arg22 : memref<!tpu.dma_semaphore, #tpu.memory_space<semaphore_mem>>) src(%dma_wait3A_480 : memref<800x8xf32, #tpu.memory_space<hbm>>) dst(%arg13 : memref<800x8xf32, #tpu.memory_space<vmem>>)
      %dma_wait3A_481 = arith.constant 0 : i32
      %dma_wait3A_482 = arith.constant 0 : i32
      %dma_wait3A_483 = tpu.memref_slice %arg2[%dma_wait3A_481, %dma_wait3A_482] : memref<3200000x8xf32, #tpu.memory_space<hbm>> -> memref<800x8xf32, #tpu.memory_space<hbm>>
      %dma_wait3A_484 = arith.constant 0 : i32
      %dma_wait3A_485 = arith.constant 0 : i32
      %dma_wait3A_486 = tpu.memref_slice %arg2[%dma_wait3A_484, %dma_wait3A_485] : memref<3200000x8xf32, #tpu.memory_space<hbm>> -> memref<800x8xf32, #tpu.memory_space<hbm>>
      tpu.wait_dma2 semaphore(%arg22 : memref<!tpu.dma_semaphore, #tpu.memory_space<semaphore_mem>>) src(%dma_wait3A_486 : memref<800x8xf32, #tpu.memory_space<hbm>>) dst(%arg14 : memref<800x8xf32, #tpu.memory_space<vmem>>)
      %scan3A_487 = arith.constant 0 : i32
      %scan3A_488 = arith.constant 50 : i32
      %scan3A_489 = arith.addi %scan3A_487, %scan3A_488 : i32
      %scan3A_490 = arith.constant 1 : i32
      %scan3A_491:4 = scf.for %scan3A_713 = %scan3A_487 to %scan3A_489 step %scan3A_490 iter_args(%scan3A_714 = %scan3A_289, %scan3A_715 = %scan3A_290, %scan3A_716 = %scan3A_291, %scan3A_717 = %scan3A_292) -> (vector<16xf32>, vector<16xf32>, vector<16xi32>, vector<16xf32>)  : i32 {
        %mul3A_718 = arith.constant 16 : i32
        %mul3A_719 = arith.muli %scan3A_713, %mul3A_718 : i32
        %add3A_720 = vector.broadcast %mul3A_719 : i32 to vector<16xi32>
        %add3A_721 = arith.addi %add3A_720, %iota3A : vector<16xi32>
        %mul3A_722 = arith.constant 16 : i32
        %mul3A_723 = arith.muli %scan3A_713, %mul3A_722 : i32
        %get3A = arith.index_cast %mul3A_723 : i32 to index
        %get3A_724 = tpu.vector_load %arg7[%get3A] {strides = array<i32>} : memref<800xi32, #tpu.memory_space<vmem>>, vector<16xi32>,
        %mul3A_725 = arith.constant 16 : i32
        %mul3A_726 = arith.muli %scan3A_713, %mul3A_725 : i32
        %get3A_727 = arith.index_cast %mul3A_726 : i32 to index
        %get3A_728 = tpu.vector_load %arg8[%get3A_727] {strides = array<i32>} : memref<800xi32, #tpu.memory_space<vmem>>, vector<16xi32>,
        %broadcast_in_dim3A_729 = arith.constant 0.000000e+00 : f32
        %broadcast_in_dim3A_730 = vector.broadcast %broadcast_in_dim3A_729 : f32 to vector<16xf32>
        %gather3A = tpu.vector_load_idx %arg13[%add3A_721, %broadcast_in_dim3A_1] : memref<800x8xf32, #tpu.memory_space<vmem>>[vector<16xi32>, vector<16xi32>], vector<16xf32>,
        %gather3A_731 = tpu.vector_load_idx %arg14[%add3A_721, %broadcast_in_dim3A_1] : memref<800x8xf32, #tpu.memory_space<vmem>>[vector<16xi32>, vector<16xi32>], vector<16xf32>,
        %sub3A = arith.subf %gather3A, %gather3A_731 : vector<16xf32>
        %mul3A_732 = arith.mulf %sub3A, %sub3A : vector<16xf32>
        %add3A_733 = arith.addf %broadcast_in_dim3A_730, %mul3A_732 : vector<16xf32>
        %gather3A_734 = tpu.vector_load_idx %arg13[%add3A_721, %broadcast_in_dim3A_3] : memref<800x8xf32, #tpu.memory_space<vmem>>[vector<16xi32>, vector<16xi32>], vector<16xf32>,
        %gather3A_735 = tpu.vector_load_idx %arg14[%add3A_721, %broadcast_in_dim3A_3] : memref<800x8xf32, #tpu.memory_space<vmem>>[vector<16xi32>, vector<16xi32>], vector<16xf32>,
        %sub3A_736 = arith.subf %gather3A_734, %gather3A_735 : vector<16xf32>
        %mul3A_737 = arith.mulf %sub3A_736, %sub3A_736 : vector<16xf32>
        %add3A_738 = arith.addf %add3A_733, %mul3A_737 : vector<16xf32>
        %gather3A_739 = tpu.vector_load_idx %arg13[%add3A_721, %broadcast_in_dim3A_5] : memref<800x8xf32, #tpu.memory_space<vmem>>[vector<16xi32>, vector<16xi32>], vector<16xf32>,
        %gather3A_740 = tpu.vector_load_idx %arg14[%add3A_721, %broadcast_in_dim3A_5] : memref<800x8xf32, #tpu.memory_space<vmem>>[vector<16xi32>, vector<16xi32>], vector<16xf32>,
        %sub3A_741 = arith.subf %gather3A_739, %gather3A_740 : vector<16xf32>
        %mul3A_742 = arith.mulf %sub3A_741, %sub3A_741 : vector<16xf32>
        %add3A_743 = arith.addf %add3A_738, %mul3A_742 : vector<16xf32>
        %gather3A_744 = tpu.vector_load_idx %arg13[%add3A_721, %broadcast_in_dim3A_7] : memref<800x8xf32, #tpu.memory_space<vmem>>[vector<16xi32>, vector<16xi32>], vector<16xf32>,
        %gather3A_745 = tpu.vector_load_idx %arg14[%add3A_721, %broadcast_in_dim3A_7] : memref<800x8xf32, #tpu.memory_space<vmem>>[vector<16xi32>, vector<16xi32>], vector<16xf32>,
        %sub3A_746 = arith.subf %gather3A_744, %gather3A_745 : vector<16xf32>
        %mul3A_747 = arith.mulf %sub3A_746, %sub3A_746 : vector<16xf32>
        %add3A_748 = arith.addf %add3A_743, %mul3A_747 : vector<16xf32>
        %gather3A_749 = tpu.vector_load_idx %arg13[%add3A_721, %broadcast_in_dim3A_9] : memref<800x8xf32, #tpu.memory_space<vmem>>[vector<16xi32>, vector<16xi32>], vector<16xf32>,
        %gather3A_750 = tpu.vector_load_idx %arg14[%add3A_721, %broadcast_in_dim3A_9] : memref<800x8xf32, #tpu.memory_space<vmem>>[vector<16xi32>, vector<16xi32>], vector<16xf32>,
        %sub3A_751 = arith.subf %gather3A_749, %gather3A_750 : vector<16xf32>
        %mul3A_752 = arith.mulf %sub3A_751, %sub3A_751 : vector<16xf32>
        %add3A_753 = arith.addf %add3A_748, %mul3A_752 : vector<16xf32>
        %gather3A_754 = tpu.vector_load_idx %arg13[%add3A_721, %broadcast_in_dim3A_11] : memref<800x8xf32, #tpu.memory_space<vmem>>[vector<16xi32>, vector<16xi32>], vector<16xf32>,
        %gather3A_755 = tpu.vector_load_idx %arg14[%add3A_721, %broadcast_in_dim3A_11] : memref<800x8xf32, #tpu.memory_space<vmem>>[vector<16xi32>, vector<16xi32>], vector<16xf32>,
        %sub3A_756 = arith.subf %gather3A_754, %gather3A_755 : vector<16xf32>
        %mul3A_757 = arith.mulf %sub3A_756, %sub3A_756 : vector<16xf32>
        %add3A_758 = arith.addf %add3A_753, %mul3A_757 : vector<16xf32>
        %gather3A_759 = tpu.vector_load_idx %arg13[%add3A_721, %broadcast_in_dim3A_13] : memref<800x8xf32, #tpu.memory_space<vmem>>[vector<16xi32>, vector<16xi32>], vector<16xf32>,
        %gather3A_760 = tpu.vector_load_idx %arg14[%add3A_721, %broadcast_in_dim3A_13] : memref<800x8xf32, #tpu.memory_space<vmem>>[vector<16xi32>, vector<16xi32>], vector<16xf32>,
        %sub3A_761 = arith.subf %gather3A_759, %gather3A_760 : vector<16xf32>
        %mul3A_762 = arith.mulf %sub3A_761, %sub3A_761 : vector<16xf32>
        %add3A_763 = arith.addf %add3A_758, %mul3A_762 : vector<16xf32>
        %gather3A_764 = tpu.vector_load_idx %arg13[%add3A_721, %broadcast_in_dim3A_15] : memref<800x8xf32, #tpu.memory_space<vmem>>[vector<16xi32>, vector<16xi32>], vector<16xf32>,
        %gather3A_765 = tpu.vector_load_idx %arg14[%add3A_721, %broadcast_in_dim3A_15] : memref<800x8xf32, #tpu.memory_space<vmem>>[vector<16xi32>, vector<16xi32>], vector<16xf32>,
        %sub3A_766 = arith.subf %gather3A_764, %gather3A_765 : vector<16xf32>
        %mul3A_767 = arith.mulf %sub3A_766, %sub3A_766 : vector<16xf32>
        %add3A_768 = arith.addf %add3A_763, %mul3A_767 : vector<16xf32>
        %shift_right_arithmetic3A = arith.constant 6 : i32
        %shift_right_arithmetic3A_769 = vector.broadcast %shift_right_arithmetic3A : i32 to vector<16xi32>
        %shift_right_arithmetic3A_770 = arith.shrsi %get3A_724, %shift_right_arithmetic3A_769 : vector<16xi32>
        %shift_right_arithmetic3A_771 = arith.constant 2 : i32
        %shift_right_arithmetic3A_772 = vector.broadcast %shift_right_arithmetic3A_771 : i32 to vector<16xi32>
        %shift_right_arithmetic3A_773 = arith.shrsi %get3A_724, %shift_right_arithmetic3A_772 : vector<16xi32>
        %and3A = arith.constant 15 : i32
        %and3A_774 = vector.broadcast %and3A : i32 to vector<16xi32>
        %and3A_775 = arith.andi %shift_right_arithmetic3A_773, %and3A_774 : vector<16xi32>
        %gather3A_776 = tpu.vector_load_idx %arg17[%shift_right_arithmetic3A_770, %and3A_775] : memref<1568x16xi32, #tpu.memory_space<vmem>>[vector<16xi32>, vector<16xi32>], vector<16xi32>,
        %and3A_777 = arith.constant 3 : i32
        %and3A_778 = vector.broadcast %and3A_777 : i32 to vector<16xi32>
        %and3A_779 = arith.andi %get3A_724, %and3A_778 : vector<16xi32>
        %shift_left3A = arith.constant 3 : i32
        %shift_left3A_780 = vector.broadcast %shift_left3A : i32 to vector<16xi32>
        %shift_left3A_781 = arith.shli %and3A_779, %shift_left3A_780 : vector<16xi32>
        %shift_right_arithmetic3A_782 = arith.shrsi %gather3A_776, %shift_left3A_781 : vector<16xi32>
        %and3A_783 = arith.constant 15 : i32
        %and3A_784 = vector.broadcast %and3A_783 : i32 to vector<16xi32>
        %and3A_785 = arith.andi %shift_right_arithmetic3A_782, %and3A_784 : vector<16xi32>
        %shift_right_arithmetic3A_786 = arith.constant 6 : i32
        %shift_right_arithmetic3A_787 = vector.broadcast %shift_right_arithmetic3A_786 : i32 to vector<16xi32>
        %shift_right_arithmetic3A_788 = arith.shrsi %get3A_728, %shift_right_arithmetic3A_787 : vector<16xi32>
        %shift_right_arithmetic3A_789 = arith.constant 2 : i32
        %shift_right_arithmetic3A_790 = vector.broadcast %shift_right_arithmetic3A_789 : i32 to vector<16xi32>
        %shift_right_arithmetic3A_791 = arith.shrsi %get3A_728, %shift_right_arithmetic3A_790 : vector<16xi32>
        %and3A_792 = arith.constant 15 : i32
        %and3A_793 = vector.broadcast %and3A_792 : i32 to vector<16xi32>
        %and3A_794 = arith.andi %shift_right_arithmetic3A_791, %and3A_793 : vector<16xi32>
        %gather3A_795 = tpu.vector_load_idx %arg17[%shift_right_arithmetic3A_788, %and3A_794] : memref<1568x16xi32, #tpu.memory_space<vmem>>[vector<16xi32>, vector<16xi32>], vector<16xi32>,
        %and3A_796 = arith.constant 3 : i32
        %and3A_797 = vector.broadcast %and3A_796 : i32 to vector<16xi32>
        %and3A_798 = arith.andi %get3A_728, %and3A_797 : vector<16xi32>
        %shift_left3A_799 = arith.constant 3 : i32
        %shift_left3A_800 = vector.broadcast %shift_left3A_799 : i32 to vector<16xi32>
        %shift_left3A_801 = arith.shli %and3A_798, %shift_left3A_800 : vector<16xi32>
        %shift_right_arithmetic3A_802 = arith.shrsi %gather3A_795, %shift_left3A_801 : vector<16xi32>
        %and3A_803 = arith.constant 15 : i32
        %and3A_804 = vector.broadcast %and3A_803 : i32 to vector<16xi32>
        %and3A_805 = arith.andi %shift_right_arithmetic3A_802, %and3A_804 : vector<16xi32>
        %and3A_806 = arith.constant 7 : i32
        %and3A_807 = vector.broadcast %and3A_806 : i32 to vector<16xi32>
        %and3A_808 = arith.andi %and3A_785, %and3A_807 : vector<16xi32>
        %and3A_809 = arith.constant 7 : i32
        %and3A_810 = vector.broadcast %and3A_809 : i32 to vector<16xi32>
        %and3A_811 = arith.andi %and3A_805, %and3A_810 : vector<16xi32>
        %shift_right_arithmetic3A_812 = arith.constant 3 : i32
        %shift_right_arithmetic3A_813 = vector.broadcast %shift_right_arithmetic3A_812 : i32 to vector<16xi32>
        %shift_right_arithmetic3A_814 = arith.shrsi %and3A_785, %shift_right_arithmetic3A_813 : vector<16xi32>
        %shift_right_arithmetic3A_815 = arith.constant 3 : i32
        %shift_right_arithmetic3A_816 = vector.broadcast %shift_right_arithmetic3A_815 : i32 to vector<16xi32>
        %shift_right_arithmetic3A_817 = arith.shrsi %and3A_805, %shift_right_arithmetic3A_816 : vector<16xi32>
        %gather3A_818 = tpu.vector_load_idx %arg11[%add3A_721, %broadcast_in_dim3A_15] : memref<800x8xf32, #tpu.memory_space<vmem>>[vector<16xi32>, vector<16xi32>], vector<16xf32>,
        %gather3A_819 = tpu.vector_load_idx %arg11[%add3A_721, %and3A_808] : memref<800x8xf32, #tpu.memory_space<vmem>>[vector<16xi32>, vector<16xi32>], vector<16xf32>,
        %gather3A_820 = tpu.vector_load_idx %arg11[%add3A_721, %and3A_811] : memref<800x8xf32, #tpu.memory_space<vmem>>[vector<16xi32>, vector<16xi32>], vector<16xf32>,
        %eq3A = arith.constant 1 : i32
        %eq3A_821 = vector.broadcast %eq3A : i32 to vector<16xi32>
        %eq3A_822 = arith.cmpi eq, %shift_right_arithmetic3A_814, %eq3A_821 : vector<16xi32>
        %eq3A_823 = arith.constant 1 : i32
        %eq3A_824 = vector.broadcast %eq3A_823 : i32 to vector<16xi32>
        %eq3A_825 = arith.cmpi eq, %shift_right_arithmetic3A_817, %eq3A_824 : vector<16xi32>
        %and3A_826 = arith.andi %shift_right_arithmetic3A_814, %shift_right_arithmetic3A_817 : vector<16xi32>
        %eq3A_827 = arith.constant 1 : i32
        %eq3A_828 = vector.broadcast %eq3A_827 : i32 to vector<16xi32>
        %eq3A_829 = arith.cmpi eq, %and3A_826, %eq3A_828 : vector<16xi32>
        %or3A = arith.ori %shift_right_arithmetic3A_814, %shift_right_arithmetic3A_817 : vector<16xi32>
        %eq3A_830 = arith.cmpi eq, %and3A_808, %and3A_811 : vector<16xi32>
        %select_n3A = arith.select %eq3A_830, %gather3A_819, %gather3A_818 : vector<16xi1>, vector<16xf32>
        %add3A_831 = arith.addf %gather3A_818, %gather3A_819 : vector<16xf32>
        %add3A_832 = arith.addf %gather3A_818, %gather3A_820 : vector<16xf32>
        %select_n3A_833 = arith.select %eq3A_825, %add3A_832, %broadcast_in_dim3A_19 : vector<16xi1>, vector<16xf32>
        %select_n3A_834 = arith.select %eq3A_822, %add3A_831, %select_n3A_833 : vector<16xi1>, vector<16xf32>
        %select_n3A_835 = arith.select %eq3A_829, %select_n3A, %select_n3A_834 : vector<16xi1>, vector<16xf32>
        %add3A_836 = arith.addf %scan3A_714, %add3A_768 : vector<16xf32>
        %bitcast_convert_type3A = tpu.bitcast %select_n3A_835 : vector<16xf32> -> vector<16xi32>
        %shift_right_arithmetic3A_837 = arith.constant 23 : i32
        %shift_right_arithmetic3A_838 = vector.broadcast %shift_right_arithmetic3A_837 : i32 to vector<16xi32>
        %shift_right_arithmetic3A_839 = arith.shrsi %bitcast_convert_type3A, %shift_right_arithmetic3A_838 : vector<16xi32>
        %sub3A_840 = arith.constant 127 : i32
        %sub3A_841 = vector.broadcast %sub3A_840 : i32 to vector<16xi32>
        %sub3A_842 = arith.subi %shift_right_arithmetic3A_839, %sub3A_841 : vector<16xi32>
        %and3A_843 = arith.constant 8388607 : i32
        %and3A_844 = vector.broadcast %and3A_843 : i32 to vector<16xi32>
        %and3A_845 = arith.andi %bitcast_convert_type3A, %and3A_844 : vector<16xi32>
        %or3A_846 = arith.constant 1065353216 : i32
        %or3A_847 = vector.broadcast %or3A_846 : i32 to vector<16xi32>
        %or3A_848 = arith.ori %and3A_845, %or3A_847 : vector<16xi32>
        %bitcast_convert_type3A_849 = tpu.bitcast %or3A_848 : vector<16xi32> -> vector<16xf32>
        %gt3A = arith.constant 1.41421354 : f32
        %gt3A_850 = vector.broadcast %gt3A : f32 to vector<16xf32>
        %gt3A_851 = arith.cmpf ogt, %bitcast_convert_type3A_849, %gt3A_850 : vector<16xf32>
        %mul3A_852 = arith.constant 5.000000e-01 : f32
        %mul3A_853 = vector.broadcast %mul3A_852 : f32 to vector<16xf32>
        %mul3A_854 = arith.mulf %bitcast_convert_type3A_849, %mul3A_853 : vector<16xf32>
        %select_n3A_855 = arith.select %gt3A_851, %mul3A_854, %bitcast_convert_type3A_849 : vector<16xi1>, vector<16xf32>
        %add3A_856 = arith.constant 1 : i32
        %add3A_857 = vector.broadcast %add3A_856 : i32 to vector<16xi32>
        %add3A_858 = arith.addi %sub3A_842, %add3A_857 : vector<16xi32>
        %select_n3A_859 = arith.select %gt3A_851, %add3A_858, %sub3A_842 : vector<16xi1>, vector<16xi32>
        %sub3A_860 = arith.constant 1.000000e+00 : f32
        %sub3A_861 = vector.broadcast %sub3A_860 : f32 to vector<16xf32>
        %sub3A_862 = arith.subf %select_n3A_855, %sub3A_861 : vector<16xf32>
        %mul3A_863 = arith.mulf %sub3A_862, %sub3A_862 : vector<16xf32>
        %mul3A_864 = arith.constant 0.142493233 : f32
        %mul3A_865 = vector.broadcast %mul3A_864 : f32 to vector<16xf32>
        %mul3A_866 = arith.mulf %mul3A_865, %sub3A_862 : vector<16xf32>
        %add3A_867 = arith.constant -0.166680574 : f32
        %add3A_868 = vector.broadcast %add3A_867 : f32 to vector<16xf32>
        %add3A_869 = arith.addf %mul3A_866, %add3A_868 : vector<16xf32>
        %mul3A_870 = arith.mulf %add3A_869, %sub3A_862 : vector<16xf32>
        %add3A_871 = arith.constant 0.200007141 : f32
        %add3A_872 = vector.broadcast %add3A_871 : f32 to vector<16xf32>
        %add3A_873 = arith.addf %mul3A_870, %add3A_872 : vector<16xf32>
        %mul3A_874 = arith.mulf %add3A_873, %sub3A_862 : vector<16xf32>
        %add3A_875 = arith.constant -0.24999994 : f32
        %add3A_876 = vector.broadcast %add3A_875 : f32 to vector<16xf32>
        %add3A_877 = arith.addf %mul3A_874, %add3A_876 : vector<16xf32>
        %mul3A_878 = arith.mulf %add3A_877, %sub3A_862 : vector<16xf32>
        %add3A_879 = arith.constant 0.333333313 : f32
        %add3A_880 = vector.broadcast %add3A_879 : f32 to vector<16xf32>
        %add3A_881 = arith.addf %mul3A_878, %add3A_880 : vector<16xf32>
        %mul3A_882 = arith.mulf %sub3A_862, %mul3A_863 : vector<16xf32>
        %mul3A_883 = arith.mulf %mul3A_882, %add3A_881 : vector<16xf32>
        %mul3A_884 = arith.constant 5.000000e-01 : f32
        %mul3A_885 = vector.broadcast %mul3A_884 : f32 to vector<16xf32>
        %mul3A_886 = arith.mulf %mul3A_885, %mul3A_863 : vector<16xf32>
        %sub3A_887 = arith.subf %mul3A_883, %mul3A_886 : vector<16xf32>
        %add3A_888 = arith.addf %sub3A_887, %sub3A_862 : vector<16xf32>
        %convert_element_type3A_889 = arith.sitofp %select_n3A_859 : vector<16xi32> to vector<16xf32>
        %mul3A_890 = arith.constant 0.693147182 : f32
        %mul3A_891 = vector.broadcast %mul3A_890 : f32 to vector<16xf32>
        %mul3A_892 = arith.mulf %convert_element_type3A_889, %mul3A_891 : vector<16xf32>
        %add3A_893 = arith.addf %add3A_888, %mul3A_892 : vector<16xf32>
        %add3A_894 = arith.addf %scan3A_715, %add3A_893 : vector<16xf32>
        %add3A_895 = arith.addi %scan3A_716, %or3A : vector<16xi32>
        %add3A_896 = arith.addf %scan3A_717, %gather3A_818 : vector<16xf32>
        scf.yield %add3A_836, %add3A_894, %add3A_895, %add3A_896 : vector<16xf32>, vector<16xf32>, vector<16xi32>, vector<16xf32>
      }
      %scan3A_492 = arith.constant 50 : i32
      %add3A_493 = arith.constant 2 : i32
      %add3A_494 = arith.addi %mul3A_294, %add3A_493 : i32
      %mul3A_495 = arith.constant 800 : i32
      %mul3A_496 = arith.muli %add3A_494, %mul3A_495 : i32
      %add3A_497 = arith.addi %mul3A_21, %mul3A_496 : i32
      %dma_start3A_498 = arith.constant 0 : i32
      %dma_start3A_499 = tpu.memref_slice %arg3[%dma_start3A_498, %add3A_497] : memref<2x3200000xi32, #tpu.memory_space<hbm>> -> memref<1x800xi32, #tpu.memory_space<hbm>>
      %dma_start3A_500 = tpu.memref_squeeze %dma_start3A_499 : memref<1x800xi32, #tpu.memory_space<hbm>> -> memref<800xi32, #tpu.memory_space<hbm>>
      %dma_start3A_501 = tpu.memref_slice %arg3[%dma_start3A_498, %add3A_497] : memref<2x3200000xi32, #tpu.memory_space<hbm>> -> memref<1x800xi32, #tpu.memory_space<hbm>>
      %dma_start3A_502 = tpu.memref_squeeze %dma_start3A_501 : memref<1x800xi32, #tpu.memory_space<hbm>> -> memref<800xi32, #tpu.memory_space<hbm>>
      tpu.enqueue_dma source(%dma_start3A_502 : memref<800xi32, #tpu.memory_space<hbm>>) target(%arg7 : memref<800xi32, #tpu.memory_space<vmem>>) target_semaphore(%arg20 : memref<!tpu.dma_semaphore, #tpu.memory_space<semaphore_mem>>)
      %dma_start3A_503 = arith.constant 1 : i32
      %dma_start3A_504 = tpu.memref_slice %arg3[%dma_start3A_503, %add3A_497] : memref<2x3200000xi32, #tpu.memory_space<hbm>> -> memref<1x800xi32, #tpu.memory_space<hbm>>
      %dma_start3A_505 = tpu.memref_squeeze %dma_start3A_504 : memref<1x800xi32, #tpu.memory_space<hbm>> -> memref<800xi32, #tpu.memory_space<hbm>>
      %dma_start3A_506 = tpu.memref_slice %arg3[%dma_start3A_503, %add3A_497] : memref<2x3200000xi32, #tpu.memory_space<hbm>> -> memref<1x800xi32, #tpu.memory_space<hbm>>
      %dma_start3A_507 = tpu.memref_squeeze %dma_start3A_506 : memref<1x800xi32, #tpu.memory_space<hbm>> -> memref<800xi32, #tpu.memory_space<hbm>>
      tpu.enqueue_dma source(%dma_start3A_507 : memref<800xi32, #tpu.memory_space<hbm>>) target(%arg8 : memref<800xi32, #tpu.memory_space<vmem>>) target_semaphore(%arg20 : memref<!tpu.dma_semaphore, #tpu.memory_space<semaphore_mem>>)
      %dma_start3A_508 = arith.constant 0 : i32
      %dma_start3A_509 = tpu.memref_slice %arg2[%add3A_497, %dma_start3A_508] : memref<3200000x8xf32, #tpu.memory_space<hbm>> -> memref<800x8xf32, #tpu.memory_space<hbm>>
      %dma_start3A_510 = arith.constant 0 : i32
      %dma_start3A_511 = tpu.memref_slice %arg2[%add3A_497, %dma_start3A_510] : memref<3200000x8xf32, #tpu.memory_space<hbm>> -> memref<800x8xf32, #tpu.memory_space<hbm>>
      tpu.enqueue_dma source(%dma_start3A_511 : memref<800x8xf32, #tpu.memory_space<hbm>>) target(%arg11 : memref<800x8xf32, #tpu.memory_space<vmem>>) target_semaphore(%arg20 : memref<!tpu.dma_semaphore, #tpu.memory_space<semaphore_mem>>)
      %dma_wait3A_512 = arith.constant 0 : i32
      %dma_wait3A_513 = arith.constant 0 : i32
      %dma_wait3A_514 = tpu.memref_slice %arg3[%dma_wait3A_512, %dma_wait3A_513] : memref<2x3200000xi32, #tpu.memory_space<hbm>> -> memref<1x800xi32, #tpu.memory_space<hbm>>
      %dma_wait3A_515 = tpu.memref_squeeze %dma_wait3A_514 : memref<1x800xi32, #tpu.memory_space<hbm>> -> memref<800xi32, #tpu.memory_space<hbm>>
      %dma_wait3A_516 = arith.constant 0 : i32
      %dma_wait3A_517 = tpu.memref_slice %arg3[%dma_wait3A_512, %dma_wait3A_516] : memref<2x3200000xi32, #tpu.memory_space<hbm>> -> memref<1x800xi32, #tpu.memory_space<hbm>>
      %dma_wait3A_518 = tpu.memref_squeeze %dma_wait3A_517 : memref<1x800xi32, #tpu.memory_space<hbm>> -> memref<800xi32, #tpu.memory_space<hbm>>
      tpu.wait_dma2 semaphore(%arg20 : memref<!tpu.dma_semaphore, #tpu.memory_space<semaphore_mem>>) src(%dma_wait3A_518 : memref<800xi32, #tpu.memory_space<hbm>>) dst(%arg7 : memref<800xi32, #tpu.memory_space<vmem>>)
      %dma_wait3A_519 = arith.constant 0 : i32
      %dma_wait3A_520 = arith.constant 0 : i32
      %dma_wait3A_521 = tpu.memref_slice %arg3[%dma_wait3A_519, %dma_wait3A_520] : memref<2x3200000xi32, #tpu.memory_space<hbm>> -> memref<1x800xi32, #tpu.memory_space<hbm>>
      %dma_wait3A_522 = tpu.memref_squeeze %dma_wait3A_521 : memref<1x800xi32, #tpu.memory_space<hbm>> -> memref<800xi32, #tpu.memory_space<hbm>>
      %dma_wait3A_523 = arith.constant 0 : i32
      %dma_wait3A_524 = tpu.memref_slice %arg3[%dma_wait3A_519, %dma_wait3A_523] : memref<2x3200000xi32, #tpu.memory_space<hbm>> -> memref<1x800xi32, #tpu.memory_space<hbm>>
      %dma_wait3A_525 = tpu.memref_squeeze %dma_wait3A_524 : memref<1x800xi32, #tpu.memory_space<hbm>> -> memref<800xi32, #tpu.memory_space<hbm>>
      tpu.wait_dma2 semaphore(%arg20 : memref<!tpu.dma_semaphore, #tpu.memory_space<semaphore_mem>>) src(%dma_wait3A_525 : memref<800xi32, #tpu.memory_space<hbm>>) dst(%arg8 : memref<800xi32, #tpu.memory_space<vmem>>)
      %dma_wait3A_526 = arith.constant 0 : i32
      %dma_wait3A_527 = arith.constant 0 : i32
      %dma_wait3A_528 = tpu.memref_slice %arg2[%dma_wait3A_526, %dma_wait3A_527] : memref<3200000x8xf32, #tpu.memory_space<hbm>> -> memref<800x8xf32, #tpu.memory_space<hbm>>
      %dma_wait3A_529 = arith.constant 0 : i32
      %dma_wait3A_530 = arith.constant 0 : i32
      %dma_wait3A_531 = tpu.memref_slice %arg2[%dma_wait3A_529, %dma_wait3A_530] : memref<3200000x8xf32, #tpu.memory_space<hbm>> -> memref<800x8xf32, #tpu.memory_space<hbm>>
      tpu.wait_dma2 semaphore(%arg20 : memref<!tpu.dma_semaphore, #tpu.memory_space<semaphore_mem>>) src(%dma_wait3A_531 : memref<800x8xf32, #tpu.memory_space<hbm>>) dst(%arg11 : memref<800x8xf32, #tpu.memory_space<vmem>>)
      %dma_start3A_532 = arith.constant 0 : i32
      %dma_start3A_533 = arith.constant 0 : i32
      %dma_start3A_534 = tpu.memref_slice %arg13[%dma_start3A_532, %dma_start3A_533] : memref<800x8xf32, #tpu.memory_space<vmem>> -> memref<80x8xf32, #tpu.memory_space<vmem>>
      %dma_start3A_535 = arith.constant 0 : i32
      %dma_start3A_536 = tpu.memref_slice %arg7[%dma_start3A_535] : memref<800xi32, #tpu.memory_space<vmem>> -> memref<80xi32, #tpu.memory_space<vmem>>
      %dma_start3A_537 = arith.constant 0 : i32
      %dma_start3A_538 = arith.constant 0 : i32
      %dma_start3A_539 = tpu.memref_slice %arg2[%dma_start3A_537, %dma_start3A_538] : memref<3200000x8xf32, #tpu.memory_space<hbm>> -> memref<3200000x8xf32, #tpu.memory_space<hbm>>
      tpu.enqueue_indirect_dma source(%dma_start3A_539 : memref<3200000x8xf32, #tpu.memory_space<hbm>>) target(%dma_start3A_534 : memref<80x8xf32, #tpu.memory_space<vmem>>) offsets(%dma_start3A_536 : memref<80xi32, #tpu.memory_space<vmem>>) semaphore(%arg22 : memref<!tpu.dma_semaphore, #tpu.memory_space<semaphore_mem>>)
      %dma_start3A_540 = arith.constant 0 : i32
      %dma_start3A_541 = arith.constant 0 : i32
      %dma_start3A_542 = tpu.memref_slice %arg14[%dma_start3A_540, %dma_start3A_541] : memref<800x8xf32, #tpu.memory_space<vmem>> -> memref<80x8xf32, #tpu.memory_space<vmem>>
      %dma_start3A_543 = arith.constant 0 : i32
      %dma_start3A_544 = tpu.memref_slice %arg8[%dma_start3A_543] : memref<800xi32, #tpu.memory_space<vmem>> -> memref<80xi32, #tpu.memory_space<vmem>>
      %dma_start3A_545 = arith.constant 0 : i32
      %dma_start3A_546 = arith.constant 0 : i32
      %dma_start3A_547 = tpu.memref_slice %arg2[%dma_start3A_545, %dma_start3A_546] : memref<3200000x8xf32, #tpu.memory_space<hbm>> -> memref<3200000x8xf32, #tpu.memory_space<hbm>>
      tpu.enqueue_indirect_dma source(%dma_start3A_547 : memref<3200000x8xf32, #tpu.memory_space<hbm>>) target(%dma_start3A_542 : memref<80x8xf32, #tpu.memory_space<vmem>>) offsets(%dma_start3A_544 : memref<80xi32, #tpu.memory_space<vmem>>) semaphore(%arg22 : memref<!tpu.dma_semaphore, #tpu.memory_space<semaphore_mem>>)
      %dma_start3A_548 = arith.constant 80 : i32
      %dma_start3A_549 = arith.constant 0 : i32
      %dma_start3A_550 = tpu.memref_slice %arg13[%dma_start3A_548, %dma_start3A_549] : memref<800x8xf32, #tpu.memory_space<vmem>> -> memref<80x8xf32, #tpu.memory_space<vmem>>
      %dma_start3A_551 = arith.constant 80 : i32
      %dma_start3A_552 = tpu.memref_slice %arg7[%dma_start3A_551] : memref<800xi32, #tpu.memory_space<vmem>> -> memref<80xi32, #tpu.memory_space<vmem>>
      %dma_start3A_553 = arith.constant 0 : i32
      %dma_start3A_554 = arith.constant 0 : i32
      %dma_start3A_555 = tpu.memref_slice %arg2[%dma_start3A_553, %dma_start3A_554] : memref<3200000x8xf32, #tpu.memory_space<hbm>> -> memref<3200000x8xf32, #tpu.memory_space<hbm>>
      tpu.enqueue_indirect_dma source(%dma_start3A_555 : memref<3200000x8xf32, #tpu.memory_space<hbm>>) target(%dma_start3A_550 : memref<80x8xf32, #tpu.memory_space<vmem>>) offsets(%dma_start3A_552 : memref<80xi32, #tpu.memory_space<vmem>>) semaphore(%arg22 : memref<!tpu.dma_semaphore, #tpu.memory_space<semaphore_mem>>)
      %dma_start3A_556 = arith.constant 80 : i32
      %dma_start3A_557 = arith.constant 0 : i32
      %dma_start3A_558 = tpu.memref_slice %arg14[%dma_start3A_556, %dma_start3A_557] : memref<800x8xf32, #tpu.memory_space<vmem>> -> memref<80x8xf32, #tpu.memory_space<vmem>>
      %dma_start3A_559 = arith.constant 80 : i32
      %dma_start3A_560 = tpu.memref_slice %arg8[%dma_start3A_559] : memref<800xi32, #tpu.memory_space<vmem>> -> memref<80xi32, #tpu.memory_space<vmem>>
      %dma_start3A_561 = arith.constant 0 : i32
      %dma_start3A_562 = arith.constant 0 : i32
      %dma_start3A_563 = tpu.memref_slice %arg2[%dma_start3A_561, %dma_start3A_562] : memref<3200000x8xf32, #tpu.memory_space<hbm>> -> memref<3200000x8xf32, #tpu.memory_space<hbm>>
      tpu.enqueue_indirect_dma source(%dma_start3A_563 : memref<3200000x8xf32, #tpu.memory_space<hbm>>) target(%dma_start3A_558 : memref<80x8xf32, #tpu.memory_space<vmem>>) offsets(%dma_start3A_560 : memref<80xi32, #tpu.memory_space<vmem>>) semaphore(%arg22 : memref<!tpu.dma_semaphore, #tpu.memory_space<semaphore_mem>>)
      %dma_start3A_564 = arith.constant 160 : i32
      %dma_start3A_565 = arith.constant 0 : i32
      %dma_start3A_566 = tpu.memref_slice %arg13[%dma_start3A_564, %dma_start3A_565] : memref<800x8xf32, #tpu.memory_space<vmem>> -> memref<80x8xf32, #tpu.memory_space<vmem>>
      %dma_start3A_567 = arith.constant 160 : i32
      %dma_start3A_568 = tpu.memref_slice %arg7[%dma_start3A_567] : memref<800xi32, #tpu.memory_space<vmem>> -> memref<80xi32, #tpu.memory_space<vmem>>
      %dma_start3A_569 = arith.constant 0 : i32
      %dma_start3A_570 = arith.constant 0 : i32
      %dma_start3A_571 = tpu.memref_slice %arg2[%dma_start3A_569, %dma_start3A_570] : memref<3200000x8xf32, #tpu.memory_space<hbm>> -> memref<3200000x8xf32, #tpu.memory_space<hbm>>
      tpu.enqueue_indirect_dma source(%dma_start3A_571 : memref<3200000x8xf32, #tpu.memory_space<hbm>>) target(%dma_start3A_566 : memref<80x8xf32, #tpu.memory_space<vmem>>) offsets(%dma_start3A_568 : memref<80xi32, #tpu.memory_space<vmem>>) semaphore(%arg22 : memref<!tpu.dma_semaphore, #tpu.memory_space<semaphore_mem>>)
      %dma_start3A_572 = arith.constant 160 : i32
      %dma_start3A_573 = arith.constant 0 : i32
      %dma_start3A_574 = tpu.memref_slice %arg14[%dma_start3A_572, %dma_start3A_573] : memref<800x8xf32, #tpu.memory_space<vmem>> -> memref<80x8xf32, #tpu.memory_space<vmem>>
      %dma_start3A_575 = arith.constant 160 : i32
      %dma_start3A_576 = tpu.memref_slice %arg8[%dma_start3A_575] : memref<800xi32, #tpu.memory_space<vmem>> -> memref<80xi32, #tpu.memory_space<vmem>>
      %dma_start3A_577 = arith.constant 0 : i32
      %dma_start3A_578 = arith.constant 0 : i32
      %dma_start3A_579 = tpu.memref_slice %arg2[%dma_start3A_577, %dma_start3A_578] : memref<3200000x8xf32, #tpu.memory_space<hbm>> -> memref<3200000x8xf32, #tpu.memory_space<hbm>>
      tpu.enqueue_indirect_dma source(%dma_start3A_579 : memref<3200000x8xf32, #tpu.memory_space<hbm>>) target(%dma_start3A_574 : memref<80x8xf32, #tpu.memory_space<vmem>>) offsets(%dma_start3A_576 : memref<80xi32, #tpu.memory_space<vmem>>) semaphore(%arg22 : memref<!tpu.dma_semaphore, #tpu.memory_space<semaphore_mem>>)
      %dma_start3A_580 = arith.constant 240 : i32
      %dma_start3A_581 = arith.constant 0 : i32
      %dma_start3A_582 = tpu.memref_slice %arg13[%dma_start3A_580, %dma_start3A_581] : memref<800x8xf32, #tpu.memory_space<vmem>> -> memref<80x8xf32, #tpu.memory_space<vmem>>
      %dma_start3A_583 = arith.constant 240 : i32
      %dma_start3A_584 = tpu.memref_slice %arg7[%dma_start3A_583] : memref<800xi32, #tpu.memory_space<vmem>> -> memref<80xi32, #tpu.memory_space<vmem>>
      %dma_start3A_585 = arith.constant 0 : i32
      %dma_start3A_586 = arith.constant 0 : i32
      %dma_start3A_587 = tpu.memref_slice %arg2[%dma_start3A_585, %dma_start3A_586] : memref<3200000x8xf32, #tpu.memory_space<hbm>> -> memref<3200000x8xf32, #tpu.memory_space<hbm>>
      tpu.enqueue_indirect_dma source(%dma_start3A_587 : memref<3200000x8xf32, #tpu.memory_space<hbm>>) target(%dma_start3A_582 : memref<80x8xf32, #tpu.memory_space<vmem>>) offsets(%dma_start3A_584 : memref<80xi32, #tpu.memory_space<vmem>>) semaphore(%arg22 : memref<!tpu.dma_semaphore, #tpu.memory_space<semaphore_mem>>)
      %dma_start3A_588 = arith.constant 240 : i32
      %dma_start3A_589 = arith.constant 0 : i32
      %dma_start3A_590 = tpu.memref_slice %arg14[%dma_start3A_588, %dma_start3A_589] : memref<800x8xf32, #tpu.memory_space<vmem>> -> memref<80x8xf32, #tpu.memory_space<vmem>>
      %dma_start3A_591 = arith.constant 240 : i32
      %dma_start3A_592 = tpu.memref_slice %arg8[%dma_start3A_591] : memref<800xi32, #tpu.memory_space<vmem>> -> memref<80xi32, #tpu.memory_space<vmem>>
      %dma_start3A_593 = arith.constant 0 : i32
      %dma_start3A_594 = arith.constant 0 : i32
      %dma_start3A_595 = tpu.memref_slice %arg2[%dma_start3A_593, %dma_start3A_594] : memref<3200000x8xf32, #tpu.memory_space<hbm>> -> memref<3200000x8xf32, #tpu.memory_space<hbm>>
      tpu.enqueue_indirect_dma source(%dma_start3A_595 : memref<3200000x8xf32, #tpu.memory_space<hbm>>) target(%dma_start3A_590 : memref<80x8xf32, #tpu.memory_space<vmem>>) offsets(%dma_start3A_592 : memref<80xi32, #tpu.memory_space<vmem>>) semaphore(%arg22 : memref<!tpu.dma_semaphore, #tpu.memory_space<semaphore_mem>>)
      %dma_start3A_596 = arith.constant 320 : i32
      %dma_start3A_597 = arith.constant 0 : i32
      %dma_start3A_598 = tpu.memref_slice %arg13[%dma_start3A_596, %dma_start3A_597] : memref<800x8xf32, #tpu.memory_space<vmem>> -> memref<80x8xf32, #tpu.memory_space<vmem>>
      %dma_start3A_599 = arith.constant 320 : i32
      %dma_start3A_600 = tpu.memref_slice %arg7[%dma_start3A_599] : memref<800xi32, #tpu.memory_space<vmem>> -> memref<80xi32, #tpu.memory_space<vmem>>
      %dma_start3A_601 = arith.constant 0 : i32
      %dma_start3A_602 = arith.constant 0 : i32
      %dma_start3A_603 = tpu.memref_slice %arg2[%dma_start3A_601, %dma_start3A_602] : memref<3200000x8xf32, #tpu.memory_space<hbm>> -> memref<3200000x8xf32, #tpu.memory_space<hbm>>
      tpu.enqueue_indirect_dma source(%dma_start3A_603 : memref<3200000x8xf32, #tpu.memory_space<hbm>>) target(%dma_start3A_598 : memref<80x8xf32, #tpu.memory_space<vmem>>) offsets(%dma_start3A_600 : memref<80xi32, #tpu.memory_space<vmem>>) semaphore(%arg22 : memref<!tpu.dma_semaphore, #tpu.memory_space<semaphore_mem>>)
      %dma_start3A_604 = arith.constant 320 : i32
      %dma_start3A_605 = arith.constant 0 : i32
      %dma_start3A_606 = tpu.memref_slice %arg14[%dma_start3A_604, %dma_start3A_605] : memref<800x8xf32, #tpu.memory_space<vmem>> -> memref<80x8xf32, #tpu.memory_space<vmem>>
      %dma_start3A_607 = arith.constant 320 : i32
      %dma_start3A_608 = tpu.memref_slice %arg8[%dma_start3A_607] : memref<800xi32, #tpu.memory_space<vmem>> -> memref<80xi32, #tpu.memory_space<vmem>>
      %dma_start3A_609 = arith.constant 0 : i32
      %dma_start3A_610 = arith.constant 0 : i32
      %dma_start3A_611 = tpu.memref_slice %arg2[%dma_start3A_609, %dma_start3A_610] : memref<3200000x8xf32, #tpu.memory_space<hbm>> -> memref<3200000x8xf32, #tpu.memory_space<hbm>>
      tpu.enqueue_indirect_dma source(%dma_start3A_611 : memref<3200000x8xf32, #tpu.memory_space<hbm>>) target(%dma_start3A_606 : memref<80x8xf32, #tpu.memory_space<vmem>>) offsets(%dma_start3A_608 : memref<80xi32, #tpu.memory_space<vmem>>) semaphore(%arg22 : memref<!tpu.dma_semaphore, #tpu.memory_space<semaphore_mem>>)
      %dma_start3A_612 = arith.constant 400 : i32
      %dma_start3A_613 = arith.constant 0 : i32
      %dma_start3A_614 = tpu.memref_slice %arg13[%dma_start3A_612, %dma_start3A_613] : memref<800x8xf32, #tpu.memory_space<vmem>> -> memref<80x8xf32, #tpu.memory_space<vmem>>
      %dma_start3A_615 = arith.constant 400 : i32
      %dma_start3A_616 = tpu.memref_slice %arg7[%dma_start3A_615] : memref<800xi32, #tpu.memory_space<vmem>> -> memref<80xi32, #tpu.memory_space<vmem>>
      %dma_start3A_617 = arith.constant 0 : i32
      %dma_start3A_618 = arith.constant 0 : i32
      %dma_start3A_619 = tpu.memref_slice %arg2[%dma_start3A_617, %dma_start3A_618] : memref<3200000x8xf32, #tpu.memory_space<hbm>> -> memref<3200000x8xf32, #tpu.memory_space<hbm>>
      tpu.enqueue_indirect_dma source(%dma_start3A_619 : memref<3200000x8xf32, #tpu.memory_space<hbm>>) target(%dma_start3A_614 : memref<80x8xf32, #tpu.memory_space<vmem>>) offsets(%dma_start3A_616 : memref<80xi32, #tpu.memory_space<vmem>>) semaphore(%arg22 : memref<!tpu.dma_semaphore, #tpu.memory_space<semaphore_mem>>)
      %dma_start3A_620 = arith.constant 400 : i32
      %dma_start3A_621 = arith.constant 0 : i32
      %dma_start3A_622 = tpu.memref_slice %arg14[%dma_start3A_620, %dma_start3A_621] : memref<800x8xf32, #tpu.memory_space<vmem>> -> memref<80x8xf32, #tpu.memory_space<vmem>>
      %dma_start3A_623 = arith.constant 400 : i32
      %dma_start3A_624 = tpu.memref_slice %arg8[%dma_start3A_623] : memref<800xi32, #tpu.memory_space<vmem>> -> memref<80xi32, #tpu.memory_space<vmem>>
      %dma_start3A_625 = arith.constant 0 : i32
      %dma_start3A_626 = arith.constant 0 : i32
      %dma_start3A_627 = tpu.memref_slice %arg2[%dma_start3A_625, %dma_start3A_626] : memref<3200000x8xf32, #tpu.memory_space<hbm>> -> memref<3200000x8xf32, #tpu.memory_space<hbm>>
      tpu.enqueue_indirect_dma source(%dma_start3A_627 : memref<3200000x8xf32, #tpu.memory_space<hbm>>) target(%dma_start3A_622 : memref<80x8xf32, #tpu.memory_space<vmem>>) offsets(%dma_start3A_624 : memref<80xi32, #tpu.memory_space<vmem>>) semaphore(%arg22 : memref<!tpu.dma_semaphore, #tpu.memory_space<semaphore_mem>>)
      %dma_start3A_628 = arith.constant 480 : i32
      %dma_start3A_629 = arith.constant 0 : i32
      %dma_start3A_630 = tpu.memref_slice %arg13[%dma_start3A_628, %dma_start3A_629] : memref<800x8xf32, #tpu.memory_space<vmem>> -> memref<80x8xf32, #tpu.memory_space<vmem>>
      %dma_start3A_631 = arith.constant 480 : i32
      %dma_start3A_632 = tpu.memref_slice %arg7[%dma_start3A_631] : memref<800xi32, #tpu.memory_space<vmem>> -> memref<80xi32, #tpu.memory_space<vmem>>
      %dma_start3A_633 = arith.constant 0 : i32
      %dma_start3A_634 = arith.constant 0 : i32
      %dma_start3A_635 = tpu.memref_slice %arg2[%dma_start3A_633, %dma_start3A_634] : memref<3200000x8xf32, #tpu.memory_space<hbm>> -> memref<3200000x8xf32, #tpu.memory_space<hbm>>
      tpu.enqueue_indirect_dma source(%dma_start3A_635 : memref<3200000x8xf32, #tpu.memory_space<hbm>>) target(%dma_start3A_630 : memref<80x8xf32, #tpu.memory_space<vmem>>) offsets(%dma_start3A_632 : memref<80xi32, #tpu.memory_space<vmem>>) semaphore(%arg22 : memref<!tpu.dma_semaphore, #tpu.memory_space<semaphore_mem>>)
      %dma_start3A_636 = arith.constant 480 : i32
      %dma_start3A_637 = arith.constant 0 : i32
      %dma_start3A_638 = tpu.memref_slice %arg14[%dma_start3A_636, %dma_start3A_637] : memref<800x8xf32, #tpu.memory_space<vmem>> -> memref<80x8xf32, #tpu.memory_space<vmem>>
      %dma_start3A_639 = arith.constant 480 : i32
      %dma_start3A_640 = tpu.memref_slice %arg8[%dma_start3A_639] : memref<800xi32, #tpu.memory_space<vmem>> -> memref<80xi32, #tpu.memory_space<vmem>>
      %dma_start3A_641 = arith.constant 0 : i32
      %dma_start3A_642 = arith.constant 0 : i32
      %dma_start3A_643 = tpu.memref_slice %arg2[%dma_start3A_641, %dma_start3A_642] : memref<3200000x8xf32, #tpu.memory_space<hbm>> -> memref<3200000x8xf32, #tpu.memory_space<hbm>>
      tpu.enqueue_indirect_dma source(%dma_start3A_643 : memref<3200000x8xf32, #tpu.memory_space<hbm>>) target(%dma_start3A_638 : memref<80x8xf32, #tpu.memory_space<vmem>>) offsets(%dma_start3A_640 : memref<80xi32, #tpu.memory_space<vmem>>) semaphore(%arg22 : memref<!tpu.dma_semaphore, #tpu.memory_space<semaphore_mem>>)
      %dma_start3A_644 = arith.constant 560 : i32
      %dma_start3A_645 = arith.constant 0 : i32
      %dma_start3A_646 = tpu.memref_slice %arg13[%dma_start3A_644, %dma_start3A_645] : memref<800x8xf32, #tpu.memory_space<vmem>> -> memref<80x8xf32, #tpu.memory_space<vmem>>
      %dma_start3A_647 = arith.constant 560 : i32
      %dma_start3A_648 = tpu.memref_slice %arg7[%dma_start3A_647] : memref<800xi32, #tpu.memory_space<vmem>> -> memref<80xi32, #tpu.memory_space<vmem>>
      %dma_start3A_649 = arith.constant 0 : i32
      %dma_start3A_650 = arith.constant 0 : i32
      %dma_start3A_651 = tpu.memref_slice %arg2[%dma_start3A_649, %dma_start3A_650] : memref<3200000x8xf32, #tpu.memory_space<hbm>> -> memref<3200000x8xf32, #tpu.memory_space<hbm>>
      tpu.enqueue_indirect_dma source(%dma_start3A_651 : memref<3200000x8xf32, #tpu.memory_space<hbm>>) target(%dma_start3A_646 : memref<80x8xf32, #tpu.memory_space<vmem>>) offsets(%dma_start3A_648 : memref<80xi32, #tpu.memory_space<vmem>>) semaphore(%arg22 : memref<!tpu.dma_semaphore, #tpu.memory_space<semaphore_mem>>)
      %dma_start3A_652 = arith.constant 560 : i32
      %dma_start3A_653 = arith.constant 0 : i32
      %dma_start3A_654 = tpu.memref_slice %arg14[%dma_start3A_652, %dma_start3A_653] : memref<800x8xf32, #tpu.memory_space<vmem>> -> memref<80x8xf32, #tpu.memory_space<vmem>>
      %dma_start3A_655 = arith.constant 560 : i32
      %dma_start3A_656 = tpu.memref_slice %arg8[%dma_start3A_655] : memref<800xi32, #tpu.memory_space<vmem>> -> memref<80xi32, #tpu.memory_space<vmem>>
      %dma_start3A_657 = arith.constant 0 : i32
      %dma_start3A_658 = arith.constant 0 : i32
      %dma_start3A_659 = tpu.memref_slice %arg2[%dma_start3A_657, %dma_start3A_658] : memref<3200000x8xf32, #tpu.memory_space<hbm>> -> memref<3200000x8xf32, #tpu.memory_space<hbm>>
      tpu.enqueue_indirect_dma source(%dma_start3A_659 : memref<3200000x8xf32, #tpu.memory_space<hbm>>) target(%dma_start3A_654 : memref<80x8xf32, #tpu.memory_space<vmem>>) offsets(%dma_start3A_656 : memref<80xi32, #tpu.memory_space<vmem>>) semaphore(%arg22 : memref<!tpu.dma_semaphore, #tpu.memory_space<semaphore_mem>>)
      %dma_start3A_660 = arith.constant 640 : i32
      %dma_start3A_661 = arith.constant 0 : i32
      %dma_start3A_662 = tpu.memref_slice %arg13[%dma_start3A_660, %dma_start3A_661] : memref<800x8xf32, #tpu.memory_space<vmem>> -> memref<80x8xf32, #tpu.memory_space<vmem>>
      %dma_start3A_663 = arith.constant 640 : i32
      %dma_start3A_664 = tpu.memref_slice %arg7[%dma_start3A_663] : memref<800xi32, #tpu.memory_space<vmem>> -> memref<80xi32, #tpu.memory_space<vmem>>
      %dma_start3A_665 = arith.constant 0 : i32
      %dma_start3A_666 = arith.constant 0 : i32
      %dma_start3A_667 = tpu.memref_slice %arg2[%dma_start3A_665, %dma_start3A_666] : memref<3200000x8xf32, #tpu.memory_space<hbm>> -> memref<3200000x8xf32, #tpu.memory_space<hbm>>
      tpu.enqueue_indirect_dma source(%dma_start3A_667 : memref<3200000x8xf32, #tpu.memory_space<hbm>>) target(%dma_start3A_662 : memref<80x8xf32, #tpu.memory_space<vmem>>) offsets(%dma_start3A_664 : memref<80xi32, #tpu.memory_space<vmem>>) semaphore(%arg22 : memref<!tpu.dma_semaphore, #tpu.memory_space<semaphore_mem>>)
      %dma_start3A_668 = arith.constant 640 : i32
      %dma_start3A_669 = arith.constant 0 : i32
      %dma_start3A_670 = tpu.memref_slice %arg14[%dma_start3A_668, %dma_start3A_669] : memref<800x8xf32, #tpu.memory_space<vmem>> -> memref<80x8xf32, #tpu.memory_space<vmem>>
      %dma_start3A_671 = arith.constant 640 : i32
      %dma_start3A_672 = tpu.memref_slice %arg8[%dma_start3A_671] : memref<800xi32, #tpu.memory_space<vmem>> -> memref<80xi32, #tpu.memory_space<vmem>>
      %dma_start3A_673 = arith.constant 0 : i32
      %dma_start3A_674 = arith.constant 0 : i32
      %dma_start3A_675 = tpu.memref_slice %arg2[%dma_start3A_673, %dma_start3A_674] : memref<3200000x8xf32, #tpu.memory_space<hbm>> -> memref<3200000x8xf32, #tpu.memory_space<hbm>>
      tpu.enqueue_indirect_dma source(%dma_start3A_675 : memref<3200000x8xf32, #tpu.memory_space<hbm>>) target(%dma_start3A_670 : memref<80x8xf32, #tpu.memory_space<vmem>>) offsets(%dma_start3A_672 : memref<80xi32, #tpu.memory_space<vmem>>) semaphore(%arg22 : memref<!tpu.dma_semaphore, #tpu.memory_space<semaphore_mem>>)
      %dma_start3A_676 = arith.constant 720 : i32
      %dma_start3A_677 = arith.constant 0 : i32
      %dma_start3A_678 = tpu.memref_slice %arg13[%dma_start3A_676, %dma_start3A_677] : memref<800x8xf32, #tpu.memory_space<vmem>> -> memref<80x8xf32, #tpu.memory_space<vmem>>
      %dma_start3A_679 = arith.constant 720 : i32
      %dma_start3A_680 = tpu.memref_slice %arg7[%dma_start3A_679] : memref<800xi32, #tpu.memory_space<vmem>> -> memref<80xi32, #tpu.memory_space<vmem>>
      %dma_start3A_681 = arith.constant 0 : i32
      %dma_start3A_682 = arith.constant 0 : i32
      %dma_start3A_683 = tpu.memref_slice %arg2[%dma_start3A_681, %dma_start3A_682] : memref<3200000x8xf32, #tpu.memory_space<hbm>> -> memref<3200000x8xf32, #tpu.memory_space<hbm>>
      tpu.enqueue_indirect_dma source(%dma_start3A_683 : memref<3200000x8xf32, #tpu.memory_space<hbm>>) target(%dma_start3A_678 : memref<80x8xf32, #tpu.memory_space<vmem>>) offsets(%dma_start3A_680 : memref<80xi32, #tpu.memory_space<vmem>>) semaphore(%arg22 : memref<!tpu.dma_semaphore, #tpu.memory_space<semaphore_mem>>)
      %dma_start3A_684 = arith.constant 720 : i32
      %dma_start3A_685 = arith.constant 0 : i32
      %dma_start3A_686 = tpu.memref_slice %arg14[%dma_start3A_684, %dma_start3A_685] : memref<800x8xf32, #tpu.memory_space<vmem>> -> memref<80x8xf32, #tpu.memory_space<vmem>>
      %dma_start3A_687 = arith.constant 720 : i32
      %dma_start3A_688 = tpu.memref_slice %arg8[%dma_start3A_687] : memref<800xi32, #tpu.memory_space<vmem>> -> memref<80xi32, #tpu.memory_space<vmem>>
      %dma_start3A_689 = arith.constant 0 : i32
      %dma_start3A_690 = arith.constant 0 : i32
      %dma_start3A_691 = tpu.memref_slice %arg2[%dma_start3A_689, %dma_start3A_690] : memref<3200000x8xf32, #tpu.memory_space<hbm>> -> memref<3200000x8xf32, #tpu.memory_space<hbm>>
      tpu.enqueue_indirect_dma source(%dma_start3A_691 : memref<3200000x8xf32, #tpu.memory_space<hbm>>) target(%dma_start3A_686 : memref<80x8xf32, #tpu.memory_space<vmem>>) offsets(%dma_start3A_688 : memref<80xi32, #tpu.memory_space<vmem>>) semaphore(%arg22 : memref<!tpu.dma_semaphore, #tpu.memory_space<semaphore_mem>>)
      %dma_wait3A_692 = arith.constant 0 : i32
      %dma_wait3A_693 = arith.constant 0 : i32
      %dma_wait3A_694 = tpu.memref_slice %arg2[%dma_wait3A_692, %dma_wait3A_693] : memref<3200000x8xf32, #tpu.memory_space<hbm>> -> memref<800x8xf32, #tpu.memory_space<hbm>>
      %dma_wait3A_695 = arith.constant 0 : i32
      %dma_wait3A_696 = arith.constant 0 : i32
      %dma_wait3A_697 = tpu.memref_slice %arg2[%dma_wait3A_695, %dma_wait3A_696] : memref<3200000x8xf32, #tpu.memory_space<hbm>> -> memref<800x8xf32, #tpu.memory_space<hbm>>
      tpu.wait_dma2 semaphore(%arg23 : memref<!tpu.dma_semaphore, #tpu.memory_space<semaphore_mem>>) src(%dma_wait3A_697 : memref<800x8xf32, #tpu.memory_space<hbm>>) dst(%arg15 : memref<800x8xf32, #tpu.memory_space<vmem>>)
      %dma_wait3A_698 = arith.constant 0 : i32
      %dma_wait3A_699 = arith.constant 0 : i32
      %dma_wait3A_700 = tpu.memref_slice %arg2[%dma_wait3A_698, %dma_wait3A_699] : memref<3200000x8xf32, #tpu.memory_space<hbm>> -> memref<800x8xf32, #tpu.memory_space<hbm>>
      %dma_wait3A_701 = arith.constant 0 : i32
      %dma_wait3A_702 = arith.constant 0 : i32
      %dma_wait3A_703 = tpu.memref_slice %arg2[%dma_wait3A_701, %dma_wait3A_702] : memref<3200000x8xf32, #tpu.memory_space<hbm>> -> memref<800x8xf32, #tpu.memory_space<hbm>>
      tpu.wait_dma2 semaphore(%arg23 : memref<!tpu.dma_semaphore, #tpu.memory_space<semaphore_mem>>) src(%dma_wait3A_703 : memref<800x8xf32, #tpu.memory_space<hbm>>) dst(%arg16 : memref<800x8xf32, #tpu.memory_space<vmem>>)
      %scan3A_704 = arith.constant 0 : i32
      %scan3A_705 = arith.constant 50 : i32
      %scan3A_706 = arith.addi %scan3A_704, %scan3A_705 : i32
      %scan3A_707 = arith.constant 1 : i32
      %scan3A_708:4 = scf.for %scan3A_713 = %scan3A_704 to %scan3A_706 step %scan3A_707 iter_args(%scan3A_714 = %scan3A_491#0, %scan3A_715 = %scan3A_491#1, %scan3A_716 = %scan3A_491#2, %scan3A_717 = %scan3A_491#3) -> (vector<16xf32>, vector<16xf32>, vector<16xi32>, vector<16xf32>)  : i32 {
        %mul3A_718 = arith.constant 16 : i32
        %mul3A_719 = arith.muli %scan3A_713, %mul3A_718 : i32
        %add3A_720 = vector.broadcast %mul3A_719 : i32 to vector<16xi32>
        %add3A_721 = arith.addi %add3A_720, %iota3A : vector<16xi32>
        %mul3A_722 = arith.constant 16 : i32
        %mul3A_723 = arith.muli %scan3A_713, %mul3A_722 : i32
        %get3A = arith.index_cast %mul3A_723 : i32 to index
        %get3A_724 = tpu.vector_load %arg9[%get3A] {strides = array<i32>} : memref<800xi32, #tpu.memory_space<vmem>>, vector<16xi32>,
        %mul3A_725 = arith.constant 16 : i32
        %mul3A_726 = arith.muli %scan3A_713, %mul3A_725 : i32
        %get3A_727 = arith.index_cast %mul3A_726 : i32 to index
        %get3A_728 = tpu.vector_load %arg10[%get3A_727] {strides = array<i32>} : memref<800xi32, #tpu.memory_space<vmem>>, vector<16xi32>,
        %broadcast_in_dim3A_729 = arith.constant 0.000000e+00 : f32
        %broadcast_in_dim3A_730 = vector.broadcast %broadcast_in_dim3A_729 : f32 to vector<16xf32>
        %gather3A = tpu.vector_load_idx %arg15[%add3A_721, %broadcast_in_dim3A_1] : memref<800x8xf32, #tpu.memory_space<vmem>>[vector<16xi32>, vector<16xi32>], vector<16xf32>,
        %gather3A_731 = tpu.vector_load_idx %arg16[%add3A_721, %broadcast_in_dim3A_1] : memref<800x8xf32, #tpu.memory_space<vmem>>[vector<16xi32>, vector<16xi32>], vector<16xf32>,
        %sub3A = arith.subf %gather3A, %gather3A_731 : vector<16xf32>
        %mul3A_732 = arith.mulf %sub3A, %sub3A : vector<16xf32>
        %add3A_733 = arith.addf %broadcast_in_dim3A_730, %mul3A_732 : vector<16xf32>
        %gather3A_734 = tpu.vector_load_idx %arg15[%add3A_721, %broadcast_in_dim3A_3] : memref<800x8xf32, #tpu.memory_space<vmem>>[vector<16xi32>, vector<16xi32>], vector<16xf32>,
        %gather3A_735 = tpu.vector_load_idx %arg16[%add3A_721, %broadcast_in_dim3A_3] : memref<800x8xf32, #tpu.memory_space<vmem>>[vector<16xi32>, vector<16xi32>], vector<16xf32>,
        %sub3A_736 = arith.subf %gather3A_734, %gather3A_735 : vector<16xf32>
        %mul3A_737 = arith.mulf %sub3A_736, %sub3A_736 : vector<16xf32>
        %add3A_738 = arith.addf %add3A_733, %mul3A_737 : vector<16xf32>
        %gather3A_739 = tpu.vector_load_idx %arg15[%add3A_721, %broadcast_in_dim3A_5] : memref<800x8xf32, #tpu.memory_space<vmem>>[vector<16xi32>, vector<16xi32>], vector<16xf32>,
        %gather3A_740 = tpu.vector_load_idx %arg16[%add3A_721, %broadcast_in_dim3A_5] : memref<800x8xf32, #tpu.memory_space<vmem>>[vector<16xi32>, vector<16xi32>], vector<16xf32>,
        %sub3A_741 = arith.subf %gather3A_739, %gather3A_740 : vector<16xf32>
        %mul3A_742 = arith.mulf %sub3A_741, %sub3A_741 : vector<16xf32>
        %add3A_743 = arith.addf %add3A_738, %mul3A_742 : vector<16xf32>
        %gather3A_744 = tpu.vector_load_idx %arg15[%add3A_721, %broadcast_in_dim3A_7] : memref<800x8xf32, #tpu.memory_space<vmem>>[vector<16xi32>, vector<16xi32>], vector<16xf32>,
        %gather3A_745 = tpu.vector_load_idx %arg16[%add3A_721, %broadcast_in_dim3A_7] : memref<800x8xf32, #tpu.memory_space<vmem>>[vector<16xi32>, vector<16xi32>], vector<16xf32>,
        %sub3A_746 = arith.subf %gather3A_744, %gather3A_745 : vector<16xf32>
        %mul3A_747 = arith.mulf %sub3A_746, %sub3A_746 : vector<16xf32>
        %add3A_748 = arith.addf %add3A_743, %mul3A_747 : vector<16xf32>
        %gather3A_749 = tpu.vector_load_idx %arg15[%add3A_721, %broadcast_in_dim3A_9] : memref<800x8xf32, #tpu.memory_space<vmem>>[vector<16xi32>, vector<16xi32>], vector<16xf32>,
        %gather3A_750 = tpu.vector_load_idx %arg16[%add3A_721, %broadcast_in_dim3A_9] : memref<800x8xf32, #tpu.memory_space<vmem>>[vector<16xi32>, vector<16xi32>], vector<16xf32>,
        %sub3A_751 = arith.subf %gather3A_749, %gather3A_750 : vector<16xf32>
        %mul3A_752 = arith.mulf %sub3A_751, %sub3A_751 : vector<16xf32>
        %add3A_753 = arith.addf %add3A_748, %mul3A_752 : vector<16xf32>
        %gather3A_754 = tpu.vector_load_idx %arg15[%add3A_721, %broadcast_in_dim3A_11] : memref<800x8xf32, #tpu.memory_space<vmem>>[vector<16xi32>, vector<16xi32>], vector<16xf32>,
        %gather3A_755 = tpu.vector_load_idx %arg16[%add3A_721, %broadcast_in_dim3A_11] : memref<800x8xf32, #tpu.memory_space<vmem>>[vector<16xi32>, vector<16xi32>], vector<16xf32>,
        %sub3A_756 = arith.subf %gather3A_754, %gather3A_755 : vector<16xf32>
        %mul3A_757 = arith.mulf %sub3A_756, %sub3A_756 : vector<16xf32>
        %add3A_758 = arith.addf %add3A_753, %mul3A_757 : vector<16xf32>
        %gather3A_759 = tpu.vector_load_idx %arg15[%add3A_721, %broadcast_in_dim3A_13] : memref<800x8xf32, #tpu.memory_space<vmem>>[vector<16xi32>, vector<16xi32>], vector<16xf32>,
        %gather3A_760 = tpu.vector_load_idx %arg16[%add3A_721, %broadcast_in_dim3A_13] : memref<800x8xf32, #tpu.memory_space<vmem>>[vector<16xi32>, vector<16xi32>], vector<16xf32>,
        %sub3A_761 = arith.subf %gather3A_759, %gather3A_760 : vector<16xf32>
        %mul3A_762 = arith.mulf %sub3A_761, %sub3A_761 : vector<16xf32>
        %add3A_763 = arith.addf %add3A_758, %mul3A_762 : vector<16xf32>
        %gather3A_764 = tpu.vector_load_idx %arg15[%add3A_721, %broadcast_in_dim3A_15] : memref<800x8xf32, #tpu.memory_space<vmem>>[vector<16xi32>, vector<16xi32>], vector<16xf32>,
        %gather3A_765 = tpu.vector_load_idx %arg16[%add3A_721, %broadcast_in_dim3A_15] : memref<800x8xf32, #tpu.memory_space<vmem>>[vector<16xi32>, vector<16xi32>], vector<16xf32>,
        %sub3A_766 = arith.subf %gather3A_764, %gather3A_765 : vector<16xf32>
        %mul3A_767 = arith.mulf %sub3A_766, %sub3A_766 : vector<16xf32>
        %add3A_768 = arith.addf %add3A_763, %mul3A_767 : vector<16xf32>
        %shift_right_arithmetic3A = arith.constant 6 : i32
        %shift_right_arithmetic3A_769 = vector.broadcast %shift_right_arithmetic3A : i32 to vector<16xi32>
        %shift_right_arithmetic3A_770 = arith.shrsi %get3A_724, %shift_right_arithmetic3A_769 : vector<16xi32>
        %shift_right_arithmetic3A_771 = arith.constant 2 : i32
        %shift_right_arithmetic3A_772 = vector.broadcast %shift_right_arithmetic3A_771 : i32 to vector<16xi32>
        %shift_right_arithmetic3A_773 = arith.shrsi %get3A_724, %shift_right_arithmetic3A_772 : vector<16xi32>
        %and3A = arith.constant 15 : i32
        %and3A_774 = vector.broadcast %and3A : i32 to vector<16xi32>
        %and3A_775 = arith.andi %shift_right_arithmetic3A_773, %and3A_774 : vector<16xi32>
        %gather3A_776 = tpu.vector_load_idx %arg17[%shift_right_arithmetic3A_770, %and3A_775] : memref<1568x16xi32, #tpu.memory_space<vmem>>[vector<16xi32>, vector<16xi32>], vector<16xi32>,
        %and3A_777 = arith.constant 3 : i32
        %and3A_778 = vector.broadcast %and3A_777 : i32 to vector<16xi32>
        %and3A_779 = arith.andi %get3A_724, %and3A_778 : vector<16xi32>
        %shift_left3A = arith.constant 3 : i32
        %shift_left3A_780 = vector.broadcast %shift_left3A : i32 to vector<16xi32>
        %shift_left3A_781 = arith.shli %and3A_779, %shift_left3A_780 : vector<16xi32>
        %shift_right_arithmetic3A_782 = arith.shrsi %gather3A_776, %shift_left3A_781 : vector<16xi32>
        %and3A_783 = arith.constant 15 : i32
        %and3A_784 = vector.broadcast %and3A_783 : i32 to vector<16xi32>
        %and3A_785 = arith.andi %shift_right_arithmetic3A_782, %and3A_784 : vector<16xi32>
        %shift_right_arithmetic3A_786 = arith.constant 6 : i32
        %shift_right_arithmetic3A_787 = vector.broadcast %shift_right_arithmetic3A_786 : i32 to vector<16xi32>
        %shift_right_arithmetic3A_788 = arith.shrsi %get3A_728, %shift_right_arithmetic3A_787 : vector<16xi32>
        %shift_right_arithmetic3A_789 = arith.constant 2 : i32
        %shift_right_arithmetic3A_790 = vector.broadcast %shift_right_arithmetic3A_789 : i32 to vector<16xi32>
        %shift_right_arithmetic3A_791 = arith.shrsi %get3A_728, %shift_right_arithmetic3A_790 : vector<16xi32>
        %and3A_792 = arith.constant 15 : i32
        %and3A_793 = vector.broadcast %and3A_792 : i32 to vector<16xi32>
        %and3A_794 = arith.andi %shift_right_arithmetic3A_791, %and3A_793 : vector<16xi32>
        %gather3A_795 = tpu.vector_load_idx %arg17[%shift_right_arithmetic3A_788, %and3A_794] : memref<1568x16xi32, #tpu.memory_space<vmem>>[vector<16xi32>, vector<16xi32>], vector<16xi32>,
        %and3A_796 = arith.constant 3 : i32
        %and3A_797 = vector.broadcast %and3A_796 : i32 to vector<16xi32>
        %and3A_798 = arith.andi %get3A_728, %and3A_797 : vector<16xi32>
        %shift_left3A_799 = arith.constant 3 : i32
        %shift_left3A_800 = vector.broadcast %shift_left3A_799 : i32 to vector<16xi32>
        %shift_left3A_801 = arith.shli %and3A_798, %shift_left3A_800 : vector<16xi32>
        %shift_right_arithmetic3A_802 = arith.shrsi %gather3A_795, %shift_left3A_801 : vector<16xi32>
        %and3A_803 = arith.constant 15 : i32
        %and3A_804 = vector.broadcast %and3A_803 : i32 to vector<16xi32>
        %and3A_805 = arith.andi %shift_right_arithmetic3A_802, %and3A_804 : vector<16xi32>
        %and3A_806 = arith.constant 7 : i32
        %and3A_807 = vector.broadcast %and3A_806 : i32 to vector<16xi32>
        %and3A_808 = arith.andi %and3A_785, %and3A_807 : vector<16xi32>
        %and3A_809 = arith.constant 7 : i32
        %and3A_810 = vector.broadcast %and3A_809 : i32 to vector<16xi32>
        %and3A_811 = arith.andi %and3A_805, %and3A_810 : vector<16xi32>
        %shift_right_arithmetic3A_812 = arith.constant 3 : i32
        %shift_right_arithmetic3A_813 = vector.broadcast %shift_right_arithmetic3A_812 : i32 to vector<16xi32>
        %shift_right_arithmetic3A_814 = arith.shrsi %and3A_785, %shift_right_arithmetic3A_813 : vector<16xi32>
        %shift_right_arithmetic3A_815 = arith.constant 3 : i32
        %shift_right_arithmetic3A_816 = vector.broadcast %shift_right_arithmetic3A_815 : i32 to vector<16xi32>
        %shift_right_arithmetic3A_817 = arith.shrsi %and3A_805, %shift_right_arithmetic3A_816 : vector<16xi32>
        %gather3A_818 = tpu.vector_load_idx %arg12[%add3A_721, %broadcast_in_dim3A_15] : memref<800x8xf32, #tpu.memory_space<vmem>>[vector<16xi32>, vector<16xi32>], vector<16xf32>,
        %gather3A_819 = tpu.vector_load_idx %arg12[%add3A_721, %and3A_808] : memref<800x8xf32, #tpu.memory_space<vmem>>[vector<16xi32>, vector<16xi32>], vector<16xf32>,
        %gather3A_820 = tpu.vector_load_idx %arg12[%add3A_721, %and3A_811] : memref<800x8xf32, #tpu.memory_space<vmem>>[vector<16xi32>, vector<16xi32>], vector<16xf32>,
        %eq3A = arith.constant 1 : i32
        %eq3A_821 = vector.broadcast %eq3A : i32 to vector<16xi32>
        %eq3A_822 = arith.cmpi eq, %shift_right_arithmetic3A_814, %eq3A_821 : vector<16xi32>
        %eq3A_823 = arith.constant 1 : i32
        %eq3A_824 = vector.broadcast %eq3A_823 : i32 to vector<16xi32>
        %eq3A_825 = arith.cmpi eq, %shift_right_arithmetic3A_817, %eq3A_824 : vector<16xi32>
        %and3A_826 = arith.andi %shift_right_arithmetic3A_814, %shift_right_arithmetic3A_817 : vector<16xi32>
        %eq3A_827 = arith.constant 1 : i32
        %eq3A_828 = vector.broadcast %eq3A_827 : i32 to vector<16xi32>
        %eq3A_829 = arith.cmpi eq, %and3A_826, %eq3A_828 : vector<16xi32>
        %or3A = arith.ori %shift_right_arithmetic3A_814, %shift_right_arithmetic3A_817 : vector<16xi32>
        %eq3A_830 = arith.cmpi eq, %and3A_808, %and3A_811 : vector<16xi32>
        %select_n3A = arith.select %eq3A_830, %gather3A_819, %gather3A_818 : vector<16xi1>, vector<16xf32>
        %add3A_831 = arith.addf %gather3A_818, %gather3A_819 : vector<16xf32>
        %add3A_832 = arith.addf %gather3A_818, %gather3A_820 : vector<16xf32>
        %select_n3A_833 = arith.select %eq3A_825, %add3A_832, %broadcast_in_dim3A_19 : vector<16xi1>, vector<16xf32>
        %select_n3A_834 = arith.select %eq3A_822, %add3A_831, %select_n3A_833 : vector<16xi1>, vector<16xf32>
        %select_n3A_835 = arith.select %eq3A_829, %select_n3A, %select_n3A_834 : vector<16xi1>, vector<16xf32>
        %add3A_836 = arith.addf %scan3A_714, %add3A_768 : vector<16xf32>
        %bitcast_convert_type3A = tpu.bitcast %select_n3A_835 : vector<16xf32> -> vector<16xi32>
        %shift_right_arithmetic3A_837 = arith.constant 23 : i32
        %shift_right_arithmetic3A_838 = vector.broadcast %shift_right_arithmetic3A_837 : i32 to vector<16xi32>
        %shift_right_arithmetic3A_839 = arith.shrsi %bitcast_convert_type3A, %shift_right_arithmetic3A_838 : vector<16xi32>
        %sub3A_840 = arith.constant 127 : i32
        %sub3A_841 = vector.broadcast %sub3A_840 : i32 to vector<16xi32>
        %sub3A_842 = arith.subi %shift_right_arithmetic3A_839, %sub3A_841 : vector<16xi32>
        %and3A_843 = arith.constant 8388607 : i32
        %and3A_844 = vector.broadcast %and3A_843 : i32 to vector<16xi32>
        %and3A_845 = arith.andi %bitcast_convert_type3A, %and3A_844 : vector<16xi32>
        %or3A_846 = arith.constant 1065353216 : i32
        %or3A_847 = vector.broadcast %or3A_846 : i32 to vector<16xi32>
        %or3A_848 = arith.ori %and3A_845, %or3A_847 : vector<16xi32>
        %bitcast_convert_type3A_849 = tpu.bitcast %or3A_848 : vector<16xi32> -> vector<16xf32>
        %gt3A = arith.constant 1.41421354 : f32
        %gt3A_850 = vector.broadcast %gt3A : f32 to vector<16xf32>
        %gt3A_851 = arith.cmpf ogt, %bitcast_convert_type3A_849, %gt3A_850 : vector<16xf32>
        %mul3A_852 = arith.constant 5.000000e-01 : f32
        %mul3A_853 = vector.broadcast %mul3A_852 : f32 to vector<16xf32>
        %mul3A_854 = arith.mulf %bitcast_convert_type3A_849, %mul3A_853 : vector<16xf32>
        %select_n3A_855 = arith.select %gt3A_851, %mul3A_854, %bitcast_convert_type3A_849 : vector<16xi1>, vector<16xf32>
        %add3A_856 = arith.constant 1 : i32
        %add3A_857 = vector.broadcast %add3A_856 : i32 to vector<16xi32>
        %add3A_858 = arith.addi %sub3A_842, %add3A_857 : vector<16xi32>
        %select_n3A_859 = arith.select %gt3A_851, %add3A_858, %sub3A_842 : vector<16xi1>, vector<16xi32>
        %sub3A_860 = arith.constant 1.000000e+00 : f32
        %sub3A_861 = vector.broadcast %sub3A_860 : f32 to vector<16xf32>
        %sub3A_862 = arith.subf %select_n3A_855, %sub3A_861 : vector<16xf32>
        %mul3A_863 = arith.mulf %sub3A_862, %sub3A_862 : vector<16xf32>
        %mul3A_864 = arith.constant 0.142493233 : f32
        %mul3A_865 = vector.broadcast %mul3A_864 : f32 to vector<16xf32>
        %mul3A_866 = arith.mulf %mul3A_865, %sub3A_862 : vector<16xf32>
        %add3A_867 = arith.constant -0.166680574 : f32
        %add3A_868 = vector.broadcast %add3A_867 : f32 to vector<16xf32>
        %add3A_869 = arith.addf %mul3A_866, %add3A_868 : vector<16xf32>
        %mul3A_870 = arith.mulf %add3A_869, %sub3A_862 : vector<16xf32>
        %add3A_871 = arith.constant 0.200007141 : f32
        %add3A_872 = vector.broadcast %add3A_871 : f32 to vector<16xf32>
        %add3A_873 = arith.addf %mul3A_870, %add3A_872 : vector<16xf32>
        %mul3A_874 = arith.mulf %add3A_873, %sub3A_862 : vector<16xf32>
        %add3A_875 = arith.constant -0.24999994 : f32
        %add3A_876 = vector.broadcast %add3A_875 : f32 to vector<16xf32>
        %add3A_877 = arith.addf %mul3A_874, %add3A_876 : vector<16xf32>
        %mul3A_878 = arith.mulf %add3A_877, %sub3A_862 : vector<16xf32>
        %add3A_879 = arith.constant 0.333333313 : f32
        %add3A_880 = vector.broadcast %add3A_879 : f32 to vector<16xf32>
        %add3A_881 = arith.addf %mul3A_878, %add3A_880 : vector<16xf32>
        %mul3A_882 = arith.mulf %sub3A_862, %mul3A_863 : vector<16xf32>
        %mul3A_883 = arith.mulf %mul3A_882, %add3A_881 : vector<16xf32>
        %mul3A_884 = arith.constant 5.000000e-01 : f32
        %mul3A_885 = vector.broadcast %mul3A_884 : f32 to vector<16xf32>
        %mul3A_886 = arith.mulf %mul3A_885, %mul3A_863 : vector<16xf32>
        %sub3A_887 = arith.subf %mul3A_883, %mul3A_886 : vector<16xf32>
        %add3A_888 = arith.addf %sub3A_887, %sub3A_862 : vector<16xf32>
        %convert_element_type3A_889 = arith.sitofp %select_n3A_859 : vector<16xi32> to vector<16xf32>
        %mul3A_890 = arith.constant 0.693147182 : f32
        %mul3A_891 = vector.broadcast %mul3A_890 : f32 to vector<16xf32>
        %mul3A_892 = arith.mulf %convert_element_type3A_889, %mul3A_891 : vector<16xf32>
        %add3A_893 = arith.addf %add3A_888, %mul3A_892 : vector<16xf32>
        %add3A_894 = arith.addf %scan3A_715, %add3A_893 : vector<16xf32>
        %add3A_895 = arith.addi %scan3A_716, %or3A : vector<16xi32>
        %add3A_896 = arith.addf %scan3A_717, %gather3A_818 : vector<16xf32>
        scf.yield %add3A_836, %add3A_894, %add3A_895, %add3A_896 : vector<16xf32>, vector<16xf32>, vector<16xi32>, vector<16xf32>
      }
      %scan3A_709 = arith.constant 50 : i32
      %lt3A = arith.constant 61 : i32
      %lt3A_710 = arith.cmpi slt, %scan3A_288, %lt3A : i32
      %convert_element_type3A_711 = arith.extui %lt3A_710 : i1 to i32
      %cond3A = arith.constant 0 : i32
      %cond3A_712 = arith.cmpi ne, %convert_element_type3A_711, %cond3A : i32
      scf.if %cond3A_712 {
        %add3A_713 = arith.constant 3 : i32
        %add3A_714 = arith.addi %mul3A_294, %add3A_713 : i32
        %mul3A_715 = arith.constant 800 : i32
        %mul3A_716 = arith.muli %add3A_714, %mul3A_715 : i32
        %add3A_717 = arith.addi %mul3A_21, %mul3A_716 : i32
        %dma_start3A_718 = arith.constant 0 : i32
        %dma_start3A_719 = tpu.memref_slice %arg3[%dma_start3A_718, %add3A_717] : memref<2x3200000xi32, #tpu.memory_space<hbm>> -> memref<1x800xi32, #tpu.memory_space<hbm>>
        %dma_start3A_720 = tpu.memref_squeeze %dma_start3A_719 : memref<1x800xi32, #tpu.memory_space<hbm>> -> memref<800xi32, #tpu.memory_space<hbm>>
        %dma_start3A_721 = tpu.memref_slice %arg3[%dma_start3A_718, %add3A_717] : memref<2x3200000xi32, #tpu.memory_space<hbm>> -> memref<1x800xi32, #tpu.memory_space<hbm>>
        %dma_start3A_722 = tpu.memref_squeeze %dma_start3A_721 : memref<1x800xi32, #tpu.memory_space<hbm>> -> memref<800xi32, #tpu.memory_space<hbm>>
        tpu.enqueue_dma source(%dma_start3A_722 : memref<800xi32, #tpu.memory_space<hbm>>) target(%arg9 : memref<800xi32, #tpu.memory_space<vmem>>) target_semaphore(%arg21 : memref<!tpu.dma_semaphore, #tpu.memory_space<semaphore_mem>>)
        %dma_start3A_723 = arith.constant 1 : i32
        %dma_start3A_724 = tpu.memref_slice %arg3[%dma_start3A_723, %add3A_717] : memref<2x3200000xi32, #tpu.memory_space<hbm>> -> memref<1x800xi32, #tpu.memory_space<hbm>>
        %dma_start3A_725 = tpu.memref_squeeze %dma_start3A_724 : memref<1x800xi32, #tpu.memory_space<hbm>> -> memref<800xi32, #tpu.memory_space<hbm>>
        %dma_start3A_726 = tpu.memref_slice %arg3[%dma_start3A_723, %add3A_717] : memref<2x3200000xi32, #tpu.memory_space<hbm>> -> memref<1x800xi32, #tpu.memory_space<hbm>>
        %dma_start3A_727 = tpu.memref_squeeze %dma_start3A_726 : memref<1x800xi32, #tpu.memory_space<hbm>> -> memref<800xi32, #tpu.memory_space<hbm>>
        tpu.enqueue_dma source(%dma_start3A_727 : memref<800xi32, #tpu.memory_space<hbm>>) target(%arg10 : memref<800xi32, #tpu.memory_space<vmem>>) target_semaphore(%arg21 : memref<!tpu.dma_semaphore, #tpu.memory_space<semaphore_mem>>)
        %dma_start3A_728 = arith.constant 0 : i32
        %dma_start3A_729 = tpu.memref_slice %arg2[%add3A_717, %dma_start3A_728] : memref<3200000x8xf32, #tpu.memory_space<hbm>> -> memref<800x8xf32, #tpu.memory_space<hbm>>
        %dma_start3A_730 = arith.constant 0 : i32
        %dma_start3A_731 = tpu.memref_slice %arg2[%add3A_717, %dma_start3A_730] : memref<3200000x8xf32, #tpu.memory_space<hbm>> -> memref<800x8xf32, #tpu.memory_space<hbm>>
        tpu.enqueue_dma source(%dma_start3A_731 : memref<800x8xf32, #tpu.memory_space<hbm>>) target(%arg12 : memref<800x8xf32, #tpu.memory_space<vmem>>) target_semaphore(%arg21 : memref<!tpu.dma_semaphore, #tpu.memory_space<semaphore_mem>>)
      } else {
      }
      scf.yield %scan3A_708#0, %scan3A_708#1, %scan3A_708#2, %scan3A_708#3 : vector<16xf32>, vector<16xf32>, vector<16xi32>, vector<16xf32>
    }
    %scan3A_246 = arith.constant 62 : i32
    %dma_wait3A_247 = arith.constant 0 : i32
    %dma_wait3A_248 = arith.constant 0 : i32
    %dma_wait3A_249 = tpu.memref_slice %arg2[%dma_wait3A_247, %dma_wait3A_248] : memref<3200000x8xf32, #tpu.memory_space<hbm>> -> memref<800x8xf32, #tpu.memory_space<hbm>>
    %dma_wait3A_250 = arith.constant 0 : i32
    %dma_wait3A_251 = arith.constant 0 : i32
    %dma_wait3A_252 = tpu.memref_slice %arg2[%dma_wait3A_250, %dma_wait3A_251] : memref<3200000x8xf32, #tpu.memory_space<hbm>> -> memref<800x8xf32, #tpu.memory_space<hbm>>
    tpu.wait_dma2 semaphore(%arg22 : memref<!tpu.dma_semaphore, #tpu.memory_space<semaphore_mem>>) src(%dma_wait3A_252 : memref<800x8xf32, #tpu.memory_space<hbm>>) dst(%arg13 : memref<800x8xf32, #tpu.memory_space<vmem>>)
    %dma_wait3A_253 = arith.constant 0 : i32
    %dma_wait3A_254 = arith.constant 0 : i32
    %dma_wait3A_255 = tpu.memref_slice %arg2[%dma_wait3A_253, %dma_wait3A_254] : memref<3200000x8xf32, #tpu.memory_space<hbm>> -> memref<800x8xf32, #tpu.memory_space<hbm>>
    %dma_wait3A_256 = arith.constant 0 : i32
    %dma_wait3A_257 = arith.constant 0 : i32
    %dma_wait3A_258 = tpu.memref_slice %arg2[%dma_wait3A_256, %dma_wait3A_257] : memref<3200000x8xf32, #tpu.memory_space<hbm>> -> memref<800x8xf32, #tpu.memory_space<hbm>>
    tpu.wait_dma2 semaphore(%arg22 : memref<!tpu.dma_semaphore, #tpu.memory_space<semaphore_mem>>) src(%dma_wait3A_258 : memref<800x8xf32, #tpu.memory_space<hbm>>) dst(%arg14 : memref<800x8xf32, #tpu.memory_space<vmem>>)
    %scan3A_259 = arith.constant 0 : i32
    %scan3A_260 = arith.constant 50 : i32
    %scan3A_261 = arith.addi %scan3A_259, %scan3A_260 : i32
    %scan3A_262 = arith.constant 1 : i32
    %scan3A_263:4 = scf.for %scan3A_288 = %scan3A_259 to %scan3A_261 step %scan3A_262 iter_args(%scan3A_289 = %scan3A_245#0, %scan3A_290 = %scan3A_245#1, %scan3A_291 = %scan3A_245#2, %scan3A_292 = %scan3A_245#3) -> (vector<16xf32>, vector<16xf32>, vector<16xi32>, vector<16xf32>)  : i32 {
      %mul3A_293 = arith.constant 16 : i32
      %mul3A_294 = arith.muli %scan3A_288, %mul3A_293 : i32
      %add3A_295 = vector.broadcast %mul3A_294 : i32 to vector<16xi32>
      %add3A_296 = arith.addi %add3A_295, %iota3A : vector<16xi32>
      %mul3A_297 = arith.constant 16 : i32
      %mul3A_298 = arith.muli %scan3A_288, %mul3A_297 : i32
      %get3A = arith.index_cast %mul3A_298 : i32 to index
      %get3A_299 = tpu.vector_load %arg7[%get3A] {strides = array<i32>} : memref<800xi32, #tpu.memory_space<vmem>>, vector<16xi32>,
      %mul3A_300 = arith.constant 16 : i32
      %mul3A_301 = arith.muli %scan3A_288, %mul3A_300 : i32
      %get3A_302 = arith.index_cast %mul3A_301 : i32 to index
      %get3A_303 = tpu.vector_load %arg8[%get3A_302] {strides = array<i32>} : memref<800xi32, #tpu.memory_space<vmem>>, vector<16xi32>,
      %broadcast_in_dim3A_304 = arith.constant 0.000000e+00 : f32
      %broadcast_in_dim3A_305 = vector.broadcast %broadcast_in_dim3A_304 : f32 to vector<16xf32>
      %gather3A = tpu.vector_load_idx %arg13[%add3A_296, %broadcast_in_dim3A_1] : memref<800x8xf32, #tpu.memory_space<vmem>>[vector<16xi32>, vector<16xi32>], vector<16xf32>,
      %gather3A_306 = tpu.vector_load_idx %arg14[%add3A_296, %broadcast_in_dim3A_1] : memref<800x8xf32, #tpu.memory_space<vmem>>[vector<16xi32>, vector<16xi32>], vector<16xf32>,
      %sub3A = arith.subf %gather3A, %gather3A_306 : vector<16xf32>
      %mul3A_307 = arith.mulf %sub3A, %sub3A : vector<16xf32>
      %add3A_308 = arith.addf %broadcast_in_dim3A_305, %mul3A_307 : vector<16xf32>
      %gather3A_309 = tpu.vector_load_idx %arg13[%add3A_296, %broadcast_in_dim3A_3] : memref<800x8xf32, #tpu.memory_space<vmem>>[vector<16xi32>, vector<16xi32>], vector<16xf32>,
      %gather3A_310 = tpu.vector_load_idx %arg14[%add3A_296, %broadcast_in_dim3A_3] : memref<800x8xf32, #tpu.memory_space<vmem>>[vector<16xi32>, vector<16xi32>], vector<16xf32>,
      %sub3A_311 = arith.subf %gather3A_309, %gather3A_310 : vector<16xf32>
      %mul3A_312 = arith.mulf %sub3A_311, %sub3A_311 : vector<16xf32>
      %add3A_313 = arith.addf %add3A_308, %mul3A_312 : vector<16xf32>
      %gather3A_314 = tpu.vector_load_idx %arg13[%add3A_296, %broadcast_in_dim3A_5] : memref<800x8xf32, #tpu.memory_space<vmem>>[vector<16xi32>, vector<16xi32>], vector<16xf32>,
      %gather3A_315 = tpu.vector_load_idx %arg14[%add3A_296, %broadcast_in_dim3A_5] : memref<800x8xf32, #tpu.memory_space<vmem>>[vector<16xi32>, vector<16xi32>], vector<16xf32>,
      %sub3A_316 = arith.subf %gather3A_314, %gather3A_315 : vector<16xf32>
      %mul3A_317 = arith.mulf %sub3A_316, %sub3A_316 : vector<16xf32>
      %add3A_318 = arith.addf %add3A_313, %mul3A_317 : vector<16xf32>
      %gather3A_319 = tpu.vector_load_idx %arg13[%add3A_296, %broadcast_in_dim3A_7] : memref<800x8xf32, #tpu.memory_space<vmem>>[vector<16xi32>, vector<16xi32>], vector<16xf32>,
      %gather3A_320 = tpu.vector_load_idx %arg14[%add3A_296, %broadcast_in_dim3A_7] : memref<800x8xf32, #tpu.memory_space<vmem>>[vector<16xi32>, vector<16xi32>], vector<16xf32>,
      %sub3A_321 = arith.subf %gather3A_319, %gather3A_320 : vector<16xf32>
      %mul3A_322 = arith.mulf %sub3A_321, %sub3A_321 : vector<16xf32>
      %add3A_323 = arith.addf %add3A_318, %mul3A_322 : vector<16xf32>
      %gather3A_324 = tpu.vector_load_idx %arg13[%add3A_296, %broadcast_in_dim3A_9] : memref<800x8xf32, #tpu.memory_space<vmem>>[vector<16xi32>, vector<16xi32>], vector<16xf32>,
      %gather3A_325 = tpu.vector_load_idx %arg14[%add3A_296, %broadcast_in_dim3A_9] : memref<800x8xf32, #tpu.memory_space<vmem>>[vector<16xi32>, vector<16xi32>], vector<16xf32>,
      %sub3A_326 = arith.subf %gather3A_324, %gather3A_325 : vector<16xf32>
      %mul3A_327 = arith.mulf %sub3A_326, %sub3A_326 : vector<16xf32>
      %add3A_328 = arith.addf %add3A_323, %mul3A_327 : vector<16xf32>
      %gather3A_329 = tpu.vector_load_idx %arg13[%add3A_296, %broadcast_in_dim3A_11] : memref<800x8xf32, #tpu.memory_space<vmem>>[vector<16xi32>, vector<16xi32>], vector<16xf32>,
      %gather3A_330 = tpu.vector_load_idx %arg14[%add3A_296, %broadcast_in_dim3A_11] : memref<800x8xf32, #tpu.memory_space<vmem>>[vector<16xi32>, vector<16xi32>], vector<16xf32>,
      %sub3A_331 = arith.subf %gather3A_329, %gather3A_330 : vector<16xf32>
      %mul3A_332 = arith.mulf %sub3A_331, %sub3A_331 : vector<16xf32>
      %add3A_333 = arith.addf %add3A_328, %mul3A_332 : vector<16xf32>
      %gather3A_334 = tpu.vector_load_idx %arg13[%add3A_296, %broadcast_in_dim3A_13] : memref<800x8xf32, #tpu.memory_space<vmem>>[vector<16xi32>, vector<16xi32>], vector<16xf32>,
      %gather3A_335 = tpu.vector_load_idx %arg14[%add3A_296, %broadcast_in_dim3A_13] : memref<800x8xf32, #tpu.memory_space<vmem>>[vector<16xi32>, vector<16xi32>], vector<16xf32>,
      %sub3A_336 = arith.subf %gather3A_334, %gather3A_335 : vector<16xf32>
      %mul3A_337 = arith.mulf %sub3A_336, %sub3A_336 : vector<16xf32>
      %add3A_338 = arith.addf %add3A_333, %mul3A_337 : vector<16xf32>
      %gather3A_339 = tpu.vector_load_idx %arg13[%add3A_296, %broadcast_in_dim3A_15] : memref<800x8xf32, #tpu.memory_space<vmem>>[vector<16xi32>, vector<16xi32>], vector<16xf32>,
      %gather3A_340 = tpu.vector_load_idx %arg14[%add3A_296, %broadcast_in_dim3A_15] : memref<800x8xf32, #tpu.memory_space<vmem>>[vector<16xi32>, vector<16xi32>], vector<16xf32>,
      %sub3A_341 = arith.subf %gather3A_339, %gather3A_340 : vector<16xf32>
      %mul3A_342 = arith.mulf %sub3A_341, %sub3A_341 : vector<16xf32>
      %add3A_343 = arith.addf %add3A_338, %mul3A_342 : vector<16xf32>
      %shift_right_arithmetic3A = arith.constant 6 : i32
      %shift_right_arithmetic3A_344 = vector.broadcast %shift_right_arithmetic3A : i32 to vector<16xi32>
      %shift_right_arithmetic3A_345 = arith.shrsi %get3A_299, %shift_right_arithmetic3A_344 : vector<16xi32>
      %shift_right_arithmetic3A_346 = arith.constant 2 : i32
      %shift_right_arithmetic3A_347 = vector.broadcast %shift_right_arithmetic3A_346 : i32 to vector<16xi32>
      %shift_right_arithmetic3A_348 = arith.shrsi %get3A_299, %shift_right_arithmetic3A_347 : vector<16xi32>
      %and3A = arith.constant 15 : i32
      %and3A_349 = vector.broadcast %and3A : i32 to vector<16xi32>
      %and3A_350 = arith.andi %shift_right_arithmetic3A_348, %and3A_349 : vector<16xi32>
      %gather3A_351 = tpu.vector_load_idx %arg17[%shift_right_arithmetic3A_345, %and3A_350] : memref<1568x16xi32, #tpu.memory_space<vmem>>[vector<16xi32>, vector<16xi32>], vector<16xi32>,
      %and3A_352 = arith.constant 3 : i32
      %and3A_353 = vector.broadcast %and3A_352 : i32 to vector<16xi32>
      %and3A_354 = arith.andi %get3A_299, %and3A_353 : vector<16xi32>
      %shift_left3A = arith.constant 3 : i32
      %shift_left3A_355 = vector.broadcast %shift_left3A : i32 to vector<16xi32>
      %shift_left3A_356 = arith.shli %and3A_354, %shift_left3A_355 : vector<16xi32>
      %shift_right_arithmetic3A_357 = arith.shrsi %gather3A_351, %shift_left3A_356 : vector<16xi32>
      %and3A_358 = arith.constant 15 : i32
      %and3A_359 = vector.broadcast %and3A_358 : i32 to vector<16xi32>
      %and3A_360 = arith.andi %shift_right_arithmetic3A_357, %and3A_359 : vector<16xi32>
      %shift_right_arithmetic3A_361 = arith.constant 6 : i32
      %shift_right_arithmetic3A_362 = vector.broadcast %shift_right_arithmetic3A_361 : i32 to vector<16xi32>
      %shift_right_arithmetic3A_363 = arith.shrsi %get3A_303, %shift_right_arithmetic3A_362 : vector<16xi32>
      %shift_right_arithmetic3A_364 = arith.constant 2 : i32
      %shift_right_arithmetic3A_365 = vector.broadcast %shift_right_arithmetic3A_364 : i32 to vector<16xi32>
      %shift_right_arithmetic3A_366 = arith.shrsi %get3A_303, %shift_right_arithmetic3A_365 : vector<16xi32>
      %and3A_367 = arith.constant 15 : i32
      %and3A_368 = vector.broadcast %and3A_367 : i32 to vector<16xi32>
      %and3A_369 = arith.andi %shift_right_arithmetic3A_366, %and3A_368 : vector<16xi32>
      %gather3A_370 = tpu.vector_load_idx %arg17[%shift_right_arithmetic3A_363, %and3A_369] : memref<1568x16xi32, #tpu.memory_space<vmem>>[vector<16xi32>, vector<16xi32>], vector<16xi32>,
      %and3A_371 = arith.constant 3 : i32
      %and3A_372 = vector.broadcast %and3A_371 : i32 to vector<16xi32>
      %and3A_373 = arith.andi %get3A_303, %and3A_372 : vector<16xi32>
      %shift_left3A_374 = arith.constant 3 : i32
      %shift_left3A_375 = vector.broadcast %shift_left3A_374 : i32 to vector<16xi32>
      %shift_left3A_376 = arith.shli %and3A_373, %shift_left3A_375 : vector<16xi32>
      %shift_right_arithmetic3A_377 = arith.shrsi %gather3A_370, %shift_left3A_376 : vector<16xi32>
      %and3A_378 = arith.constant 15 : i32
      %and3A_379 = vector.broadcast %and3A_378 : i32 to vector<16xi32>
      %and3A_380 = arith.andi %shift_right_arithmetic3A_377, %and3A_379 : vector<16xi32>
      %and3A_381 = arith.constant 7 : i32
      %and3A_382 = vector.broadcast %and3A_381 : i32 to vector<16xi32>
      %and3A_383 = arith.andi %and3A_360, %and3A_382 : vector<16xi32>
      %and3A_384 = arith.constant 7 : i32
      %and3A_385 = vector.broadcast %and3A_384 : i32 to vector<16xi32>
      %and3A_386 = arith.andi %and3A_380, %and3A_385 : vector<16xi32>
      %shift_right_arithmetic3A_387 = arith.constant 3 : i32
      %shift_right_arithmetic3A_388 = vector.broadcast %shift_right_arithmetic3A_387 : i32 to vector<16xi32>
      %shift_right_arithmetic3A_389 = arith.shrsi %and3A_360, %shift_right_arithmetic3A_388 : vector<16xi32>
      %shift_right_arithmetic3A_390 = arith.constant 3 : i32
      %shift_right_arithmetic3A_391 = vector.broadcast %shift_right_arithmetic3A_390 : i32 to vector<16xi32>
      %shift_right_arithmetic3A_392 = arith.shrsi %and3A_380, %shift_right_arithmetic3A_391 : vector<16xi32>
      %gather3A_393 = tpu.vector_load_idx %arg11[%add3A_296, %broadcast_in_dim3A_15] : memref<800x8xf32, #tpu.memory_space<vmem>>[vector<16xi32>, vector<16xi32>], vector<16xf32>,
      %gather3A_394 = tpu.vector_load_idx %arg11[%add3A_296, %and3A_383] : memref<800x8xf32, #tpu.memory_space<vmem>>[vector<16xi32>, vector<16xi32>], vector<16xf32>,
      %gather3A_395 = tpu.vector_load_idx %arg11[%add3A_296, %and3A_386] : memref<800x8xf32, #tpu.memory_space<vmem>>[vector<16xi32>, vector<16xi32>], vector<16xf32>,
      %eq3A = arith.constant 1 : i32
      %eq3A_396 = vector.broadcast %eq3A : i32 to vector<16xi32>
      %eq3A_397 = arith.cmpi eq, %shift_right_arithmetic3A_389, %eq3A_396 : vector<16xi32>
      %eq3A_398 = arith.constant 1 : i32
      %eq3A_399 = vector.broadcast %eq3A_398 : i32 to vector<16xi32>
      %eq3A_400 = arith.cmpi eq, %shift_right_arithmetic3A_392, %eq3A_399 : vector<16xi32>
      %and3A_401 = arith.andi %shift_right_arithmetic3A_389, %shift_right_arithmetic3A_392 : vector<16xi32>
      %eq3A_402 = arith.constant 1 : i32
      %eq3A_403 = vector.broadcast %eq3A_402 : i32 to vector<16xi32>
      %eq3A_404 = arith.cmpi eq, %and3A_401, %eq3A_403 : vector<16xi32>
      %or3A = arith.ori %shift_right_arithmetic3A_389, %shift_right_arithmetic3A_392 : vector<16xi32>
      %eq3A_405 = arith.cmpi eq, %and3A_383, %and3A_386 : vector<16xi32>
      %select_n3A = arith.select %eq3A_405, %gather3A_394, %gather3A_393 : vector<16xi1>, vector<16xf32>
      %add3A_406 = arith.addf %gather3A_393, %gather3A_394 : vector<16xf32>
      %add3A_407 = arith.addf %gather3A_393, %gather3A_395 : vector<16xf32>
      %select_n3A_408 = arith.select %eq3A_400, %add3A_407, %broadcast_in_dim3A_19 : vector<16xi1>, vector<16xf32>
      %select_n3A_409 = arith.select %eq3A_397, %add3A_406, %select_n3A_408 : vector<16xi1>, vector<16xf32>
      %select_n3A_410 = arith.select %eq3A_404, %select_n3A, %select_n3A_409 : vector<16xi1>, vector<16xf32>
      %add3A_411 = arith.addf %scan3A_289, %add3A_343 : vector<16xf32>
      %bitcast_convert_type3A = tpu.bitcast %select_n3A_410 : vector<16xf32> -> vector<16xi32>
      %shift_right_arithmetic3A_412 = arith.constant 23 : i32
      %shift_right_arithmetic3A_413 = vector.broadcast %shift_right_arithmetic3A_412 : i32 to vector<16xi32>
      %shift_right_arithmetic3A_414 = arith.shrsi %bitcast_convert_type3A, %shift_right_arithmetic3A_413 : vector<16xi32>
      %sub3A_415 = arith.constant 127 : i32
      %sub3A_416 = vector.broadcast %sub3A_415 : i32 to vector<16xi32>
      %sub3A_417 = arith.subi %shift_right_arithmetic3A_414, %sub3A_416 : vector<16xi32>
      %and3A_418 = arith.constant 8388607 : i32
      %and3A_419 = vector.broadcast %and3A_418 : i32 to vector<16xi32>
      %and3A_420 = arith.andi %bitcast_convert_type3A, %and3A_419 : vector<16xi32>
      %or3A_421 = arith.constant 1065353216 : i32
      %or3A_422 = vector.broadcast %or3A_421 : i32 to vector<16xi32>
      %or3A_423 = arith.ori %and3A_420, %or3A_422 : vector<16xi32>
      %bitcast_convert_type3A_424 = tpu.bitcast %or3A_423 : vector<16xi32> -> vector<16xf32>
      %gt3A = arith.constant 1.41421354 : f32
      %gt3A_425 = vector.broadcast %gt3A : f32 to vector<16xf32>
      %gt3A_426 = arith.cmpf ogt, %bitcast_convert_type3A_424, %gt3A_425 : vector<16xf32>
      %mul3A_427 = arith.constant 5.000000e-01 : f32
      %mul3A_428 = vector.broadcast %mul3A_427 : f32 to vector<16xf32>
      %mul3A_429 = arith.mulf %bitcast_convert_type3A_424, %mul3A_428 : vector<16xf32>
      %select_n3A_430 = arith.select %gt3A_426, %mul3A_429, %bitcast_convert_type3A_424 : vector<16xi1>, vector<16xf32>
      %add3A_431 = arith.constant 1 : i32
      %add3A_432 = vector.broadcast %add3A_431 : i32 to vector<16xi32>
      %add3A_433 = arith.addi %sub3A_417, %add3A_432 : vector<16xi32>
      %select_n3A_434 = arith.select %gt3A_426, %add3A_433, %sub3A_417 : vector<16xi1>, vector<16xi32>
      %sub3A_435 = arith.constant 1.000000e+00 : f32
      %sub3A_436 = vector.broadcast %sub3A_435 : f32 to vector<16xf32>
      %sub3A_437 = arith.subf %select_n3A_430, %sub3A_436 : vector<16xf32>
      %mul3A_438 = arith.mulf %sub3A_437, %sub3A_437 : vector<16xf32>
      %mul3A_439 = arith.constant 0.142493233 : f32
      %mul3A_440 = vector.broadcast %mul3A_439 : f32 to vector<16xf32>
      %mul3A_441 = arith.mulf %mul3A_440, %sub3A_437 : vector<16xf32>
      %add3A_442 = arith.constant -0.166680574 : f32
      %add3A_443 = vector.broadcast %add3A_442 : f32 to vector<16xf32>
      %add3A_444 = arith.addf %mul3A_441, %add3A_443 : vector<16xf32>
      %mul3A_445 = arith.mulf %add3A_444, %sub3A_437 : vector<16xf32>
      %add3A_446 = arith.constant 0.200007141 : f32
      %add3A_447 = vector.broadcast %add3A_446 : f32 to vector<16xf32>
      %add3A_448 = arith.addf %mul3A_445, %add3A_447 : vector<16xf32>
      %mul3A_449 = arith.mulf %add3A_448, %sub3A_437 : vector<16xf32>
      %add3A_450 = arith.constant -0.24999994 : f32
      %add3A_451 = vector.broadcast %add3A_450 : f32 to vector<16xf32>
      %add3A_452 = arith.addf %mul3A_449, %add3A_451 : vector<16xf32>
      %mul3A_453 = arith.mulf %add3A_452, %sub3A_437 : vector<16xf32>
      %add3A_454 = arith.constant 0.333333313 : f32
      %add3A_455 = vector.broadcast %add3A_454 : f32 to vector<16xf32>
      %add3A_456 = arith.addf %mul3A_453, %add3A_455 : vector<16xf32>
      %mul3A_457 = arith.mulf %sub3A_437, %mul3A_438 : vector<16xf32>
      %mul3A_458 = arith.mulf %mul3A_457, %add3A_456 : vector<16xf32>
      %mul3A_459 = arith.constant 5.000000e-01 : f32
      %mul3A_460 = vector.broadcast %mul3A_459 : f32 to vector<16xf32>
      %mul3A_461 = arith.mulf %mul3A_460, %mul3A_438 : vector<16xf32>
      %sub3A_462 = arith.subf %mul3A_458, %mul3A_461 : vector<16xf32>
      %add3A_463 = arith.addf %sub3A_462, %sub3A_437 : vector<16xf32>
      %convert_element_type3A_464 = arith.sitofp %select_n3A_434 : vector<16xi32> to vector<16xf32>
      %mul3A_465 = arith.constant 0.693147182 : f32
      %mul3A_466 = vector.broadcast %mul3A_465 : f32 to vector<16xf32>
      %mul3A_467 = arith.mulf %convert_element_type3A_464, %mul3A_466 : vector<16xf32>
      %add3A_468 = arith.addf %add3A_463, %mul3A_467 : vector<16xf32>
      %add3A_469 = arith.addf %scan3A_290, %add3A_468 : vector<16xf32>
      %add3A_470 = arith.addi %scan3A_291, %or3A : vector<16xi32>
      %add3A_471 = arith.addf %scan3A_292, %gather3A_393 : vector<16xf32>
      scf.yield %add3A_411, %add3A_469, %add3A_470, %add3A_471 : vector<16xf32>, vector<16xf32>, vector<16xi32>, vector<16xf32>
    }
    %scan3A_264 = arith.constant 50 : i32
    %swap3A = arith.constant 0 : i32
    %swap3A_265 = arith.index_cast %swap3A : i32 to index
    %swap3A_266 = arith.constant 0 : index
    %swap3A_267 = tpu.vector_load %arg19[%swap3A_265, %swap3A_266] {strides = array<i32>} : memref<6x16xf32, #tpu.memory_space<vmem>>, vector<16xf32>,
    tpu.vector_store %arg19[%swap3A_265, %swap3A_266], %scan3A_263#0 {strides = array<i32>} : memref<6x16xf32, #tpu.memory_space<vmem>>, vector<16xf32>,
    %swap3A_268 = arith.constant 1 : i32
    %swap3A_269 = arith.index_cast %swap3A_268 : i32 to index
    %swap3A_270 = arith.constant 0 : index
    %swap3A_271 = tpu.vector_load %arg19[%swap3A_269, %swap3A_270] {strides = array<i32>} : memref<6x16xf32, #tpu.memory_space<vmem>>, vector<16xf32>,
    tpu.vector_store %arg19[%swap3A_269, %swap3A_270], %scan3A_263#1 {strides = array<i32>} : memref<6x16xf32, #tpu.memory_space<vmem>>, vector<16xf32>,
    %convert_element_type3A = arith.sitofp %scan3A_263#2 : vector<16xi32> to vector<16xf32>
    %swap3A_272 = arith.constant 2 : i32
    %swap3A_273 = arith.index_cast %swap3A_272 : i32 to index
    %swap3A_274 = arith.constant 0 : index
    %swap3A_275 = tpu.vector_load %arg19[%swap3A_273, %swap3A_274] {strides = array<i32>} : memref<6x16xf32, #tpu.memory_space<vmem>>, vector<16xf32>,
    tpu.vector_store %arg19[%swap3A_273, %swap3A_274], %convert_element_type3A {strides = array<i32>} : memref<6x16xf32, #tpu.memory_space<vmem>>, vector<16xf32>,
    %swap3A_276 = arith.constant 3 : i32
    %swap3A_277 = arith.index_cast %swap3A_276 : i32 to index
    %swap3A_278 = arith.constant 0 : index
    %swap3A_279 = tpu.vector_load %arg19[%swap3A_277, %swap3A_278] {strides = array<i32>} : memref<6x16xf32, #tpu.memory_space<vmem>>, vector<16xf32>,
    tpu.vector_store %arg19[%swap3A_277, %swap3A_278], %scan3A_263#3 {strides = array<i32>} : memref<6x16xf32, #tpu.memory_space<vmem>>, vector<16xf32>,
    %swap3A_280 = arith.constant 4 : i32
    %swap3A_281 = arith.index_cast %swap3A_280 : i32 to index
    %swap3A_282 = arith.constant 0 : index
    %swap3A_283 = tpu.vector_load %arg19[%swap3A_281, %swap3A_282] {strides = array<i32>} : memref<6x16xf32, #tpu.memory_space<vmem>>, vector<16xf32>,
    tpu.vector_store %arg19[%swap3A_281, %swap3A_282], %scan3A_42#0 {strides = array<i32>} : memref<6x16xf32, #tpu.memory_space<vmem>>, vector<16xf32>,
    %swap3A_284 = arith.constant 5 : i32
    %swap3A_285 = arith.index_cast %swap3A_284 : i32 to index
    %swap3A_286 = arith.constant 0 : index
    %swap3A_287 = tpu.vector_load %arg19[%swap3A_285, %swap3A_286] {strides = array<i32>} : memref<6x16xf32, #tpu.memory_space<vmem>>, vector<16xf32>,
    tpu.vector_store %arg19[%swap3A_285, %swap3A_286], %scan3A_42#1 {strides = array<i32>} : memref<6x16xf32, #tpu.memory_space<vmem>>, vector<16xf32>,
    "tpu.region"() ({
      %run_scoped3A = tpu.sem_alloc : memref<!tpu.dma_semaphore, #tpu.memory_space<semaphore_mem>>
      %dma_start3A_288 = arith.constant 0 : i32
      %dma_start3A_289 = arith.constant 0 : i32
      %dma_start3A_290 = tpu.memref_slice %arg6[%add3A, %dma_start3A_288, %dma_start3A_289] : memref<32x6x16xf32, #tpu.memory_space<hbm>> -> memref<1x6x16xf32, #tpu.memory_space<hbm>>
      %dma_start3A_291 = tpu.memref_squeeze %dma_start3A_290 : memref<1x6x16xf32, #tpu.memory_space<hbm>> -> memref<6x16xf32, #tpu.memory_space<hbm>>
      %dma_start3A_292 = arith.constant 0 : i32
      %dma_start3A_293 = arith.constant 0 : i32
      %dma_start3A_294 = tpu.memref_slice %arg6[%add3A, %dma_start3A_292, %dma_start3A_293] : memref<32x6x16xf32, #tpu.memory_space<hbm>> -> memref<1x6x16xf32, #tpu.memory_space<hbm>>
      %dma_start3A_295 = tpu.memref_squeeze %dma_start3A_294 : memref<1x6x16xf32, #tpu.memory_space<hbm>> -> memref<6x16xf32, #tpu.memory_space<hbm>>
      tpu.enqueue_dma source(%arg19 : memref<6x16xf32, #tpu.memory_space<vmem>>) target(%dma_start3A_295 : memref<6x16xf32, #tpu.memory_space<hbm>>) target_semaphore(%run_scoped3A : memref<!tpu.dma_semaphore, #tpu.memory_space<semaphore_mem>>)
      %dma_wait3A_296 = arith.constant 0 : i32
      %dma_wait3A_297 = arith.constant 0 : i32
      %dma_wait3A_298 = tpu.memref_slice %arg6[%add3A, %dma_wait3A_296, %dma_wait3A_297] : memref<32x6x16xf32, #tpu.memory_space<hbm>> -> memref<1x6x16xf32, #tpu.memory_space<hbm>>
      %dma_wait3A_299 = tpu.memref_squeeze %dma_wait3A_298 : memref<1x6x16xf32, #tpu.memory_space<hbm>> -> memref<6x16xf32, #tpu.memory_space<hbm>>
      %dma_wait3A_300 = arith.constant 0 : i32
      %dma_wait3A_301 = arith.constant 0 : i32
      %dma_wait3A_302 = tpu.memref_slice %arg6[%add3A, %dma_wait3A_300, %dma_wait3A_301] : memref<32x6x16xf32, #tpu.memory_space<hbm>> -> memref<1x6x16xf32, #tpu.memory_space<hbm>>
      %dma_wait3A_303 = tpu.memref_squeeze %dma_wait3A_302 : memref<1x6x16xf32, #tpu.memory_space<hbm>> -> memref<6x16xf32, #tpu.memory_space<hbm>>
      tpu.wait_dma2 semaphore(%run_scoped3A : memref<!tpu.dma_semaphore, #tpu.memory_space<semaphore_mem>>) src(%arg19 : memref<6x16xf32, #tpu.memory_space<vmem>>) dst(%dma_wait3A_303 : memref<6x16xf32, #tpu.memory_space<hbm>>)
      tpu.yield
    }) : () -> ()
    return
  }
}

</mosaic_0001>

<sc_bundles>
// kernel: kernel.3.cloned.1.call-start
scs
__scs_entry_jumppad:
0x0: {  	(pc) =	sbr.rel $0x88, $3  }
0x1: {  	(tag) =	ssettag $0x0;
	lr =	simm.s32 $0x1  }
0x2: {  	[smem:$0x3F9C] =	sst lr;
	_ =	strace $0xD0000000  }
0x3: {  	_ = 	snop  }
0x4: {  	_ = 	snop  }
0x5: {  	_ = 	snop  }
0x6: {  	_ = 	snop  }
0x7: {  	_ = 	snop  }
__scs_overlays_trampoline_lowered:
0x8: {  	[smem:$0x3FAB] =	sst s0  }
0x9: {  	[smem:$0x3FAC] =	sst s1  }
0xa: {  	[smem:$0x3FAD] =	sst s2  }
0xb: {  	[smem:$0x3FAE] =	sst s3  }
0xc: {  	[smem:$0x3FAF] =	sst s4  }
0xd: {  	[smem:$0x3FB0] =	sst s5  }
0xe: {  	[smem:$0x3FB1] =	sst s6  }
0xf: {  	[smem:$0x3FB2] =	sst s7  }
0x10: {  	[smem:$0x3FB3] =	sst s8  }
0x11: {  	[smem:$0x3FB4] =	sst s9;
	s0 =	simm.s32 @!p0 $0x0  }
0x12: {  	s1 =	sld [smem:$0x3F9A];
	s0 =	simm.s32 @p0 $0x1  }
0x13: {  	[smem:$0x3FB5] =	sst s0;
	s0 =	simm.s32 @!p1 $0x0  }
0x14: {  	s2 =	sld [smem:$0x3F99];
	s0 =	simm.s32 @p1 $0x1  }
0x15: {  	[smem:$0x3FB6] =	sst s0;
	s0 =	simm.s32 @!p2 $0x0  }
0x16: {  	s3 =	sld [smem:$0x3FDB];
	s0 =	simm.s32 @p2 $0x1  }
0x17: {  	s4 =	simm.s32 $0x1BF5;
	[smem:$0x3FB8] =	sst s0  }
0x18: {  	s0 =	sld [smem:$0x3F9B];
	_ =	swait.ge [sflag:s4], $0x0  }
0x19: {  	s7 =	sld [smem:$0x3F9C]  }
0x1a: {  	s8 =	sadd.s32 $0xFFFFE003, lr  }
0x1b: {  	s9 =	sadd.s32 $0xFFFFFEF7, lr;
	s5 =	simm.s32 $0xFFFFFFFF;
	p2 =	slt.u32 s8, $0xFFFFF086  }
0x1c: {  	p1 =	slt.u32 s9, $0xF7A;
	s5 =	simm.s32 @!p2 $0x0  }
0x1d: {  	s5 =	simm.s32 @p1 $0x1;
	p0 =	seq.s32 s7, s2  }
0x1e: {  	s7 =	smul.u32 @!p0 $0xF7A, s2;
	p2 =	seq.s32 @!p0 s5, $0x0  }
0x1f: {  	s9 =	smul.u32 $0xF7A, s1;
	s8 =	simm.s32 @!p0 $0x1BF5;
	p2 =	por !p2, p0  }
0x20: {  	[sflag:s8] =	ssyncset.s32 @!p0 $0xFFFFF086;
	s6 =	sadd.s32 @!p0 s3, s7;
	s7 =	simm.s32 @!p0 $0x108  }
0x21: {  	s3 =	sadd.s32 s3, s9;
	s6 =	sadd.s32 @!p0 $0x88, s6;
	s7 =	simm.s32 @p2 $0x1082  }
0x22: {  	[simem:s7], [sflag:s8] =	dma.local @!p0 [hbm:s6], $0xF7A  }
0x23: {  	s9 =	sor.u32 $0xD0000000, s2;
	s6 =	simm.s32 $0x108;
	_ =	swait.ge @!p0 [sflag:s8], $0x0  }
0x24: {  	s3 =	sadd.s32 $0x88, s3;
	s6 =	simm.s32 @!p1 $0x1082;
	[sflag:s4] =	ssyncset.s32 $0xFFFFF086  }
0x25: {  	[simem:s6], [sflag:s4] =	dma.local [hbm:s3], $0xF7A  }
0x26: {  	[smem:$0x3F9C] =	sst s1;
	(tag) =	ssettag s2;
	_ =	strace s9  }
0x27: {  	s1 =	sld [smem:$0x3FAC]  }
0x28: {  	s2 =	sld [smem:$0x3FAD]  }
0x29: {  	s4 =	sld [smem:$0x3FAF]  }
0x2a: {  	p0 =	seq.s32 s5, $0x0;
	s5 =	sld [smem:$0x3FB0]  }
0x2b: {  	s6 =	sld [smem:$0x3FB1]  }
0x2c: {  	s7 =	sld [smem:$0x3FB2]  }
0x2d: {  	s3 =	simm.s32 $0x108;
	s8 =	sld [smem:$0x3FB3]  }
0x2e: {  	s3 =	simm.s32 @!p0 $0x1082;
	s9 =	sld [smem:$0x3FB4]  }
0x2f: {  	lr =	sadd.s32 s0, s3;
	s0 =	sld [smem:$0x3FAB]  }
0x30: {  	s3 =	sld [smem:$0x3FAE]  }
0x31: {  	[smem:$0x3FB7] =	sst s10  }
0x32: {  	s10 =	sld [smem:$0x3FB5];
	_ =	sdelay $0x3  }
0x33: {  	p0 =	seq.s32 s10, $0x1;
	s10 =	sld [smem:$0x3FB7];
	_ =	sdelay $0x3  }
0x34: {  	[smem:$0x3FB7] =	sst s10  }
0x35: {  	s10 =	sld [smem:$0x3FB6];
	_ =	sdelay $0x3  }
0x36: {  	p1 =	seq.s32 s10, $0x1;
	s10 =	sld [smem:$0x3FB7];
	_ =	sdelay $0x3  }
0x37: {  	[smem:$0x3FB7] =	sst s10  }
0x38: {  	s10 =	sld [smem:$0x3FB8]  }
0x39: {  	_ = 	snop;
	(pc) =	sbr.ind lr, $3  }
0x3a: {  	_ = 	snop  }
0x3b: {  	_ = 	snop  }
0x3c: {  	p2 =	seq.s32 s10, $0x1;
	s10 =	sld [smem:$0x3FB7]  }
0x3d: {  	_ =	shalt  }
0x3e: {  	_ =	shalt  }
0x3f: {  	_ =	shalt  }
0x40: {  	_ =	shalt  }
0x41: {  	_ =	shalt  }
0x42: {  	_ =	shalt  }
0x43: {  	_ =	shalt  }
0x44: {  	_ =	shalt  }
0x45: {  	_ =	shalt  }
0x46: {  	_ =	shalt  }
0x47: {  	_ =	shalt  }
0x48: {  	_ =	shalt  }
0x49: {  	_ =	shalt  }
0x4a: {  	_ =	shalt  }
0x4b: {  	_ =	shalt  }
0x4c: {  	_ =	shalt  }
0x4d: {  	_ =	shalt  }
0x4e: {  	_ =	shalt  }
0x4f: {  	_ =	shalt  }
0x50: {  	_ =	shalt  }
0x51: {  	_ =	shalt  }
0x52: {  	_ =	shalt  }
0x53: {  	_ =	shalt  }
0x54: {  	_ =	shalt  }
0x55: {  	_ =	shalt  }
0x56: {  	_ =	shalt  }
0x57: {  	_ =	shalt  }
0x58: {  	_ =	shalt  }
0x59: {  	_ =	shalt  }
0x5a: {  	_ =	shalt  }
0x5b: {  	_ =	shalt  }
0x5c: {  	_ =	shalt  }
0x5d: {  	_ =	shalt  }
0x5e: {  	_ =	shalt  }
0x5f: {  	_ =	shalt  }
0x60: {  	_ =	shalt  }
0x61: {  	_ =	shalt  }
0x62: {  	_ =	shalt  }
0x63: {  	_ =	shalt  }
0x64: {  	_ =	shalt  }
0x65: {  	_ =	shalt  }
0x66: {  	_ =	shalt  }
0x67: {  	_ =	shalt  }
0x68: {  	_ =	shalt  }
0x69: {  	_ =	shalt  }
0x6a: {  	_ =	shalt  }
0x6b: {  	_ =	shalt  }
0x6c: {  	_ =	shalt  }
0x6d: {  	_ =	shalt  }
0x6e: {  	_ =	shalt  }
0x6f: {  	_ =	shalt  }
0x70: {  	_ =	shalt  }
0x71: {  	_ =	shalt  }
0x72: {  	_ =	shalt  }
0x73: {  	_ =	shalt  }
0x74: {  	_ =	shalt  }
0x75: {  	_ =	shalt  }
0x76: {  	_ =	shalt  }
0x77: {  	_ =	shalt  }
0x78: {  	_ =	shalt  }
0x79: {  	_ =	shalt  }
0x7a: {  	_ =	shalt  }
0x7b: {  	_ =	shalt  }
0x7c: {  	_ =	shalt  }
0x7d: {  	_ =	shalt  }
0x7e: {  	_ =	shalt  }
0x7f: {  	_ =	shalt  }
0x80: {  	_ =	shalt  }
0x81: {  	_ =	shalt  }
0x82: {  	_ =	shalt  }
0x83: {  	_ =	shalt  }
0x84: {  	_ =	shalt  }
0x85: {  	_ =	shalt  }
0x86: {  	_ =	shalt  }
0x87: {  	_ =	shalt  }
.Lfunc_end0:
.L_simem_size_0:
called_computation_lowered:
.L_overlay_start_0:
0x88: {  	s2 =	sld [smem:$0x3FD9]  }
0x89: {  	s3 =	sld [smem:$0x3FFE];
	_ =	sdelay $0x1  }
0x8a: {  	s1 =	srdreg.scid  }
0x8b: {  	s0 =	sand.u32 $0x1, s1  }
0x8c: {  	s16 =	sshll.u32 s0, $0xA;
	s2 =	sadd.s32 s3, s2  }
0x8d: {  	s2 =	sadd.s32 s2, s16  }
0x8e: {  	[smem:$0x3FC3] =	sst s2  }
0x8f: {  	_ = 	snop  }
0x90: {  	(tm) =	ssettm $0x1  }
0x91: {  	s17 =	sld [smem:$0x3FFB];
	_ =	sdelay $0x3  }
0x92: {  	_ =	strace s17  }
0x93: {  	s2 =	sld [smem:$0x3FFC];
	_ =	sdelay $0x3  }
0x94: {  	_ =	strace s2  }
0x95: {  	s2 =	sld [smem:$0x3FFD];
	_ =	sdelay $0x3  }
0x96: {  	_ =	strace s2  }
0x97: {  	_ =	strace $0x8FFFFFFF  }
0x98: {  	s18 =	sld [smem:$0x3FDB];
	_ =	sdelay $0x1  }
0x99: {  	s19 =	simm.s32 $_scs_section_size  }
0x9a: {  	s4 =	simm.s32 $_size__tile_overlayer_lowered;
	s5 =	simm.s32 $_tile_overlayer_lowered  }
0x9b: {  	s22 =	simm.s32 $0x1BFF;
	s21 =	sshll.u32 s5, $0x1;
	s2 =	sadd.s32 s19, s18  }
0x9c: {  	s6 =	simm.s32 $0x0;
	s20 =	sshll.u32 s4, $0x1;
	s4 =	sadd.s32 s21, s2  }
0x9d: {  	[timem:s6], [sflag:s22] =	dma.local [hbm:s4], s20  }
0x9e: {  	_ =	swait.ge [sflag:s22], s20  }
0x9f: {  	s3 =	ssub.s32 $0x0, s20;
	[sflag:s22] =	ssyncset.done $0x0  }
0xa0: {  	[sflag:s22] =	ssyncadd.s32 s3;
	_ =	sdelay $0x1  }
0xa1: {  	s23 =	simm.s32 $0x1B8B  }
0xa2: {  	_ =	swait.ge [sflag:s23], $0x1  }
0xa3: {  	[sflag:s23] =	ssyncset.done $0x0  }
0xa4: {  	s25 =	simm.s32 $0x1B8E;
	s24 =	sld [smem:$0x3FFE];
	[sflag:s23] =	ssyncadd.s32 $0xFFFFFFFF  }
0xa5: {  	s26 =	simm.s32 $execute0_lowered;
	[smem:$0x3FD2] =	sst s25  }
0xa6: {  	s4 =	sshll.u32 s26, $0x1;
	_ =	strace $0x80000046;
	[dreg:$0x1] =	wrdreg $0xFFFFFFFF  }
0xa7: {  	s28 =	simm.s32 $_size_execute0_lowered;
	s2 =	sadd.s32 s2, s4;
	[dreg:$0x0] =	wrdreg $0x0  }
0xa8: {  	s4 =	sshll.u32 s28, $0x1;
	[dreg:$0x2] =	wrdreg s2  }
0xa9: {  	[dreg:$0x3] =	wrdreg s4  }
0xaa: {  	[dreg:$0x4] =	wrdreg $0xC0  }
0xab: {  	_ =	task [dreg:s6], $0x5FFFF  }
0xac: {  	[dreg:$0x1] =	wrdreg $0xFFFFFFFF  }
0xad: {  	[dreg:$0x0] =	wrdreg $0x60  }
0xae: {  	[dreg:$0x2] =	wrdreg s24  }
0xaf: {  	[dreg:$0x3] =	wrdreg $0x9  }
0xb0: {  	_ =	task.clear_ibuf [dreg:s6], $0x4FFFF;
	_ =	strace $0x90000046  }
0xb1: {  	s29 =	simm.s32 $0x9;
	_ =	strace $0x80000048  }
0xb2: {  	_ =	swait.ge [sflag:s29], $0x1  }
0xb3: {  	[sflag:s29] =	ssyncadd.s32 $0xFFFFFFFF  }
0xb4: {  	_ =	strace $0x90000048  }
0xb5: {  	_ =	sfence  }
0xb6: {  	s30 =	sld [smem:$0x0];
	_ =	sdelay $0x2  }
0xb7: {  	s31 =	sshll.u32 s1, $0xD;
	s1 =	sshrl.u32 s1, $0x2  }
0xb8: {  	s3 =	sand.u32 $0x4000, s31;
	s1 =	sadd.s32 s1, s30  }
0xb9: {  	s0 =	sor.u32 s3, s0;
	s1 =	sshll.u32 s1, $0x11  }
0xba: {  	s0 =	sor.u32 s1, s0  }
0xbb: {  	s0 =	sadd.s32 $0x8F2B, s0  }
0xbc: {  	[sflag:s0] =	ssyncadd.remote.s32 $0x1  }
0xbd: {  	_ =	sfence.sel $0xFFFF  }
0xbe: {  	[dreg:$0x0] =	wrdreg $0xFFFFFFFF;
	(pc) =	sbr.abs _section_cstart, $3  }
0xbf: {  	[dreg:$0x1] =	wrdreg $0xFFFFFFFF  }
0xc0: {  	_ =	task.clear_ibuf [dreg:s6], $0x2FFFF;
	_ =	strace $0x9FFFFFFF  }
0xc1: {  	(tm) =	ssettm $0x7FFFFFFF  }
tec
execute0_lowered:
.L_overlay_start_1:
0x0: {  	(tag) =	ssettag $0x1  }
0x1: {  	s0 =	srdreg.scid  }
0x2: {  	s2 =	stileid.u32;
	s1 =	rddreg [dreg:$0x0]  }
0x3: {  	s18 =	simm.s32 $0x320;
	s28 =	simm.s32 $0x6E00;
	s29 =	simm.s32 $0x640  }
0x4: {  	s30 =	simm.s32 $0x960;
	s31 =	simm.s32 $0x2580;
	s0 =	sand.u32 $0x1, s0  }
0x5: {  	s3 =	sshll.u32 s2, $0x1;
	s2 =	simm.s32 $0x0;
	s4 =	sadd.s32 $0x18800, s1  }
0x6: {  	s7 =	sadd.s32 $0xDBE00, s1;
	s5 =	sor.u32 s0, s3;
	[smem:$0x7FF] =	sst s2  }
0x7: {  	s3 =	sadd.s32 $0x30D4000, s1;
	s0 =	ssub.s32 $0x2, s0;
	s6 =	smul.u32 $0xC, s5  }
0x8: {  	_ =	strace $0x80000047;
	s8 =	smul.u32 $0x186A0, s5;
	[dreg:$0x2] =	wrdreg s7  }
0x9: {  	s9 =	sshrl.u32 s0, $0x1;
	s7 =	smul.u32 $0xC40, s5;
	s5 =	simm.s32 $0x8980  }
0xa: {  	s0 =	ssub.s32 s0, s9;
	s9 =	simm.s32 $0x4;
	s6 =	sadd.s32 s6, s1  }
0xb: {  	s19 =	sshrl.u32 s8, $0x3;
	s20 =	sadd.s32 $0x320, s8;
	s11 =	sadd.s32 s3, s8  }
0xc: {  	s1 =	sadd.s32 s1, s7;
	s14 =	sadd.s32 $0x640, s8;
	s15 =	sadd.s32 $0x960, s8  }
0xd: {  	s0 =	smax.u32 s0, $0x1;
	s8 =	simm.s32 $0x3;
	[dreg:$0x5] =	wrdreg s11  }
0xe: {  	s10 =	sadd.s32 s4, s19;
	s22 =	sshrl.u32 s20, $0x3;
	[dreg:$0x6] =	wrdreg s1  }
0xf: {  	s25 =	sadd.s32 s3, s20;
	s26 =	sadd.s32 $0xDCC00, s6;
	[dreg:$0xb] =	wrdreg s0  }
0x10: {  	s19 =	simm.s32 $0xC80;
	s20 =	simm.s32 $0xA280;
	[dreg:$0x3] =	wrdreg s10  }
0x11: {  	s1 =	simm.s32 $0x2;
	s0 =	simm.s32 $0x7080;
	[dreg:$0x9] =	wrdreg s25  }
0x12: {  	s11 =	simm.s32 $0x0;
	s21 =	sadd.s32 $0x61A80, s10;
	[dreg:$0xa] =	wrdreg s26  }
0x13: {  	s23 =	sadd.s32 s4, s22;
	s24 =	sadd.s32 $0x61AE4, s10;
	[dreg:$0x4] =	wrdreg s21  }
0x14: {  	v0 =	vlaneseq.u32;
	s10 =	simm.s32 $0x5;
	s22 =	simm.s32 $0x10480;
	[dreg:$0x7] =	wrdreg s23  }
0x15: {  	v1 =	vand.u32 $0x3, v0;
	s25 =	simm.s32 $0x3E80;
	s26 =	simm.s32 $0x5780;
	[dreg:$0x8] =	wrdreg s24  }
0x16: {  	v2 =	vimm.s32 $0xFFFFFF81;
	v3 =	vmul.u32 $0x8, v0;
	v1 =	vmul.u32 $0x8, v1;
	s23 =	simm.s32 $0x1;
	s24 =	simm.s32 $0x50;
	s21 =	simm.s32 $0x5F0  }
.LBB2_1:
0x17: {  	[dreg:$0xc] =	wrdreg s11  }
0x18: {  	s6 =	rddreg [dreg:$0x3]  }
0x19: {  	[tilespmem:s2], [sflag:$0x1] =	stream.linear.gather [hbm4b:s6+s2], $0x320, $0x38;
	[tilespmem:$0x166E0] =	vst v63  }
0x1a: {  	s16 =	rddreg [dreg:$0x4];
	s17 =	sadd.s32 $0x0, s7  }
0x1b: {  	[tilespmem:s18], [sflag:$0x1] =	stream.linear.gather [hbm4b:s16+s2], $0x320, $0x38;
	[tilespmem:$0x166E0] =	vst v63  }
0x1c: {  	v4 =	vmov s2;
	s11 =	rddreg [dreg:$0x5];
	v5 =	vmov s17  }
0x1d: {  	v4 =	vshrl.u32 v4, $0x2;
	v5 =	vshrl.u32 v5, $0x2;
	[tilespmem:s19], [sflag:$0x1] =	stream.linear.gather [hbm4b:s11+s2], $0x1900, $0x38;
	[tilespmem:$0x166E0] =	vst v63  }
0x1e: {  	s12 =	rddreg [dreg:$0x2];
	v4 =	vand.u32 $0x8, v4;
	v5 =	vand.u32 $0x1FFFFFF0, v5  }
0x1f: {  	v6 =	vor.u32 s2, v0;
	v4 =	vor.u32 v4, v5;
	[tilespmem:s20], [sflag:$0x5] =	stream.linear.gather [hbm4b:s12+s2], $0x6200, $0x38;
	[tilespmem:$0x166E0] =	vst v63  }
0x20: {  	v5 =	vshrl.u32 v6, $0x2;
	v4 =	vbroadcast v4, $0x0;
	_ =	swait.ge [sflag:s10], $0x6200  }
0x21: {  	v5 =	vand.u32 $0x7, v5;
	[sflag:s10] =	ssyncset.done $0x0  }
0x22: {  	v4 =	vor.u32 v5, v4;
	s13 =	rddreg [dreg:$0x6];
	[sflag:s10] =	ssyncadd.s32 $0xFFFF9E00  }
0x23: {  	[tilespmem:s22], [sflag:$0x5] =	stream.linear.gather [hbm4b:s13+s2], $0x6200, $0x38;
	[tilespmem:$0x166E0] =	vst v63  }
0x24: {  	_ =	swait.ge [sflag:s10], $0x6200  }
0x25: {  	[sflag:s10] =	ssyncset.done $0x0  }
0x26: {  	[sflag:s10] =	ssyncadd.s32 $0xFFFF9E00  }
0x27: {  	v4 =	vld.idx.msk [tilespmem:v4+s20+$0x0], $0xffff;
	_ =	sdelay $0x1  }
0x28: {  	s17 =	sadd.s32 $0x10, s7  }
0x29: {  	v7 =	vmov s17;
	s16 =	simm.s32 $0x10  }
0x2a: {  	v7 =	vshrl.u32 v7, $0x2;
	v5 =	vmov s16  }
0x2b: {  	v6 =	vshll.u32 v6, $0x3;
	v5 =	vshrl.u32 v5, $0x2;
	v11 =	vshra.s32 v4, v1  }
0x2c: {  	v5 =	vand.u32 $0x8, v5;
	v4 =	vand.u32 $0x1FFFFFF0, v7;
	v7 =	vand.u32 $0x7, v11  }
0x2d: {  	v8 =	vor.u32 s16, v0;
	v4 =	vor.u32 v5, v4;
	v5 =	vor.u32 v6, v7  }
0x2e: {  	v6 =	vshrl.u32 v8, $0x2;
	v4 =	vbroadcast v4, $0x0  }
0x2f: {  	v6 =	vand.u32 $0x7, v6  }
0x30: {  	v4 =	vor.u32 v6, v4;
	_ =	sdelay $0x1  }
0x31: {  	v7 =	vld.idx.msk [tilespmem:v5+s22+$0x0], $0xffff;
	_ =	sdelay $0x1  }
0x32: {  	s10 =	simm.s32 $0x20  }
0x33: {  	v9 =	vor.u32 s10, v0;
	v4 =	vld.idx.msk [tilespmem:v4+s20+$0x0], $0xffff  }
0x34: {  	s11 =	sadd.s32 $0x20, s7;
	v12 =	vshrl.u32 v9, $0x2  }
0x35: {  	v8 =	vshll.u32 v8, $0x3;
	v6 =	vmov s11;
	v10 =	vand.u32 $0x7FFFFF, v7  }
0x36: {  	v6 =	vshrl.u32 v6, $0x2;
	v5 =	vmov s10;
	v10 =	vor.u32 $0x3F800000, v10  }
0x37: {  	v13 =	vand.u32 $0x1FFFFFF0, v6;
	v5 =	vshrl.u32 v5, $0x2;
	v14 =	vmul.f32 $5.000000000e-01, v10  }
0x38: {  	v5 =	vand.u32 $0x8, v5;
	v6 =	vshra.s32 v4, v1;
	vm1 =	vgt.f32 v10, $1.414213540e+00  }
0x39: {  	v4 =	vor.u32 v5, v13;
	v5 =	vand.u32 $0x7, v6;
	v10 =	vsel vm1, v14, v10  }
0x3a: {  	v4 =	vbroadcast v4, $0x0;
	v5 =	vor.u32 v8, v5;
	v13 =	vadd.f32 $-1.000000000e+00, v10  }
0x3b: {  	v8 =	vand.u32 $0x7, v12  }
0x3c: {  	v10 =	vor.u32 v8, v4;
	v4 =	vmul.f32 $1.424932330e-01, v13;
	_ =	sdelay $0x1  }
0x3d: {  	v4 =	vadd.f32 $-1.666805740e-01, v4  }
0x3e: {  	v8 =	vld.idx.msk [tilespmem:v5+s22+$0x0], $0xffff  }
0x3f: {  	s12 =	simm.s32 $0x30;
	s16 =	simm.s32 $0x40;
	s13 =	sadd.s32 $0x30, s7;
	v5 =	vmul.f32 v4, v13  }
0x40: {  	v15 =	vor.u32 s12, v0;
	v20 =	vmov s16;
	v12 =	vmov s13;
	v10 =	vld.idx.msk [tilespmem:v10+s20+$0x0], $0xffff  }
0x41: {  	v14 =	vmov s12;
	v12 =	vshrl.u32 v12, $0x2;
	v5 =	vadd.f32 $2.000071410e-01, v5  }
0x42: {  	v18 =	vshrl.u32 v15, $0x2;
	v14 =	vshrl.u32 v14, $0x2;
	v12 =	vand.u32 $0x1FFFFFF0, v12  }
0x43: {  	v14 =	vand.u32 $0x8, v14;
	v16 =	vand.u32 $0x7FFFFF, v8;
	v17 =	vmul.f32 v5, v13  }
0x44: {  	v9 =	vshll.u32 v9, $0x3;
	v12 =	vor.u32 v14, v12;
	v14 =	vor.u32 $0x3F800000, v16  }
0x45: {  	v5 =	vshra.s32 v10, v1;
	v10 =	vmul.f32 $5.000000000e-01, v14;
	v16 =	vadd.f32 $-2.499999400e-01, v17  }
0x46: {  	v12 =	vbroadcast v12, $0x0;
	vm0 =	vgt.f32 v14, $1.414213540e+00;
	v17 =	vand.u32 $0x7, v5  }
0x47: {  	v10 =	vsel vm0, v10, v14;
	v14 =	vmul.f32 v13, v13;
	v16 =	vmul.f32 v16, v13  }
0x48: {  	v18 =	vand.u32 $0x7, v18;
	v9 =	vor.u32 v9, v17;
	v10 =	vadd.f32 $-1.000000000e+00, v10  }
0x49: {  	v12 =	vor.u32 v18, v12;
	v17 =	vmul.f32 v14, v13;
	v16 =	vadd.f32 $3.333333130e-01, v16  }
0x4a: {  	v7 =	vshra.s32 v7, $0x17;
	vm1 =	vmmov vm1;
	v18 =	vmul.f32 $1.424932330e-01, v10  }
0x4b: {  	v19 =	vsel vm1, $0xFFFFFF82, v2;
	v16 =	vmul.f32 v16, v17;
	v17 =	vmul.f32 $5.000000000e-01, v14  }
0x4c: {  	v11 =	vshrl.u32 v11, $0x3;
	v7 =	vadd.s32 v7, v19;
	v18 =	vadd.f32 $-1.666805740e-01, v18  }
0x4d: {  	s17 =	sadd.s32 $0x40, s7;
	v11 =	vand.u32 $0x1, v11;
	v7 =	vcvt.s32.f32 v7;
	v9 =	vld.idx.msk [tilespmem:v9+s22+$0x0], $0xffff;
	v17 =	vsub.f32 v16, v17  }
0x4e: {  	v19 =	vmov s17;
	v16 =	vshll.u32 v15, $0x3;
	v15 =	vld.idx.msk [tilespmem:v12+s20+$0x0], $0xffff;
	v12 =	vmul.f32 v18, v10  }
0x4f: {  	v7 =	vmul.f32 $6.931471820e-01, v7;
	v14 =	vor.u32 s16, v0;
	v13 =	vadd.f32 v17, v13  }
0x50: {  	v18 =	vshrl.u32 v20, $0x2;
	v17 =	vshrl.u32 v19, $0x2;
	v19 =	vadd.f32 $2.000071410e-01, v12  }
0x51: {  	v12 =	vcvt.s32.f32 v11;
	v11 =	vand.u32 $0x1FFFFFF0, v17;
	v7 =	vadd.f32 v13, v7  }
0x52: {  	v17 =	vand.u32 $0x8, v18;
	v18 =	vand.u32 $0x7FFFFF, v9;
	v21 =	vmul.f32 v19, v10  }
0x53: {  	v20 =	vor.u32 v17, v11;
	v17 =	vor.u32 $0x3F800000, v18;
	v22 =	vmul.f32 v12, v7  }
0x54: {  	v4 =	vimm.f32 $0.0e+00;
	v13 =	vshrl.u32 v14, $0x2;
	v19 =	vmul.f32 $5.000000000e-01, v17  }
0x55: {  	s6 =	simm.s32 $0x50;
	v7 =	vshra.s32 v15, v1;
	v18 =	vadd.f32 $-2.499999400e-01, v21;
	v15 =	vmovc v10;
	v11 =	vadd.f32 v22, v4  }
.LBB2_2:
0x56: {  	v20 =	vbroadcast v20, $0x0  }
0x57: {  	p0 =	sne.s32 s6, $0xC30;
	v21 =	vand.u32 $0x7, v7;
	vm1 =	vmmov vm0;
	vm0 =	vgt.f32 v17, $1.414213540e+00  }
0x58: {  	v17 =	vsel vm0, v19, v17;
	v19 =	vmul.f32 v15, v10;
	v18 =	vmul.f32 v18, v10  }
0x59: {  	v13 =	vand.u32 $0x7, v13;
	v16 =	vor.u32 v16, v21;
	v15 =	vadd.f32 $-1.000000000e+00, v17  }
0x5a: {  	v13 =	vor.u32 v13, v20;
	v17 =	vadd.f32 $3.333333130e-01, v18;
	v18 =	vmul.f32 v19, v10  }
0x5b: {  	v4 =	vadd.f32 v12, v4;
	v21 =	vshra.s32 v8, $0x17;
	v8 =	vmovc v9;
	v20 =	vmul.f32 $1.424932330e-01, v15  }
0x5c: {  	v9 =	vsel vm1, $0xFFFFFF82, v2;
	v12 =	vmul.f32 v17, v18;
	v17 =	vmul.f32 $5.000000000e-01, v19  }
0x5d: {  	v21 =	vadd.s32 v21, v9;
	v18 =	vmov s6;
	v19 =	vor.u32 s6, v0  }
0x5e: {  	s10 =	sadd.s32 s7, s6;
	v20 =	vadd.f32 $-1.666805740e-01, v20;
	v9 =	vld.idx.msk [tilespmem:v16+s22+$0x0], $0xffff;
	v12 =	vsub.f32 v12, v17;
	v17 =	vcvt.s32.f32 v21  }
0x5f: {  	v21 =	vmov s10;
	v16 =	vshll.u32 v14, $0x3;
	v14 =	vmovc v19;
	v22 =	vld.idx.msk [tilespmem:v13+s20+$0x0], $0xffff;
	v13 =	vshrl.u32 v6, $0x3;
	v6 =	vmovc v5  }
0x60: {  	v19 =	vmul.f32 v20, v15;
	v5 =	vmovc v7;
	v20 =	vadd.f32 v12, v10;
	v17 =	vmul.f32 $6.931471820e-01, v17;
	v10 =	vmovc v15  }
0x61: {  	v18 =	vshrl.u32 v18, $0x2;
	v7 =	vshrl.u32 v21, $0x2;
	v12 =	vand.u32 $0x1, v13  }
.Ltmp0:
0x62: {  	v19 =	vadd.f32 $2.000071410e-01, v19;
	v12 =	vcvt.s32.f32 v12;
	v17 =	vadd.f32 v20, v17;
	(pc) =	sbr.rel @p0 .LBB2_2-.Ltmp0, $4  }
0x63: {  	v18 =	vand.u32 $0x8, v18;
	v13 =	vshrl.u32 v14, $0x2;
	v7 =	vand.u32 $0x1FFFFFF0, v7  }
0x64: {  	v21 =	vand.u32 $0x7FFFFF, v9;
	v23 =	vmul.f32 v19, v10;
	v24 =	vmul.f32 v12, v17  }
0x65: {  	v20 =	vor.u32 v18, v7;
	v7 =	vshra.s32 v22, v1;
	v17 =	vor.u32 $0x3F800000, v21  }
0x66: {  	s6 =	sadd.s32 $0x10, s6;
	v19 =	vmul.f32 $5.000000000e-01, v17;
	v18 =	vadd.f32 $-2.499999400e-01, v23;
	v11 =	vadd.f32 v24, v11  }
0x67: {  	v20 =	vbroadcast v20, $0x0  }
0x68: {  	v13 =	vand.u32 $0x7, v13  }
0x69: {  	v13 =	vor.u32 v13, v20;
	_ =	sdelay $0x4  }
0x6a: {  	v13 =	vld.idx.msk [tilespmem:v13+s20+$0x0], $0xffff;
	_ =	sdelay $0x4  }
0x6b: {  	v39 =	vand.u32 $0x7, v7;
	v13 =	vshra.s32 v13, v1  }
0x6c: {  	v14 =	vshll.u32 v14, $0x3;
	v16 =	vor.u32 v16, v39;
	v40 =	vand.u32 $0x7, v13  }
0x6d: {  	v14 =	vor.u32 v14, v40;
	_ =	sdelay $0x3  }
0x6e: {  	v16 =	vld.idx.msk [tilespmem:v16+s22+$0x0], $0xffff  }
0x6f: {  	v14 =	vld.idx.msk [tilespmem:v14+s22+$0x0], $0xffff;
	_ =	swait.ge [sflag:s23], $0x320  }
0x70: {  	[sflag:s23] =	ssyncset.done $0x0  }
0x71: {  	[sflag:s23] =	ssyncadd.s32 $0xFFFFFCE0  }
0x72: {  	_ =	swait.ge [sflag:s23], $0x320  }
0x73: {  	[sflag:s23] =	ssyncset.done $0x0  }
0x74: {  	[sflag:s23] =	ssyncadd.s32 $0xFFFFFCE0  }
0x75: {  	_ =	swait.ge [sflag:s23], $0x1900  }
0x76: {  	[sflag:s23] =	ssyncset.done $0x0  }
0x77: {  	s10 =	simm.s32 $0x0;
	[sflag:s23] =	ssyncadd.s32 $0xFFFFE700  }
0x78: {  	[tilespmem:s25], [sflag:$0x3] =	stream.indirect.gather [hbm4b:s3+s24], $0x8, s10, s24, $0xb8;
	[tilespmem:$0x166E0] =	vst v63  }
0x79: {  	_ = 	snop  }
0x7a: {  	vm2 =	vgt.f32 v17, $1.414213540e+00;
	[tilespmem:s26], [sflag:$0x3] =	stream.indirect.gather [hbm4b:s3+s24], $0x8, s18, s24, $0xb8;
	[tilespmem:$0x166E0] =	vst v63  }
0x7b: {  	v15 =	vmul.f32 v15, v10;
	s6 =	simm.s32 $0x4100;
	vm0 =	vmmov vm0;
	v17 =	vsel vm2, v19, v17  }
0x7c: {  	v8 =	vshra.s32 v8, $0x17;
	v6 =	vshrl.u32 v6, $0x3;
	v17 =	vadd.f32 $-1.000000000e+00, v17;
	[tilespmem:s6], [sflag:$0x3] =	stream.indirect.gather [hbm4b:s3+s24], $0x8, s24, s24, $0xb8;
	[tilespmem:$0x166E0] =	vst v63  }
0x7d: {  	s17 =	simm.s32 $0x370;
	s11 =	simm.s32 $0x5A00;
	v4 =	vadd.f32 v12, v4;
	v9 =	vshra.s32 v9, $0x17;
	v5 =	vshrl.u32 v5, $0x3  }
0x7e: {  	v7 =	vshrl.u32 v7, $0x3;
	v18 =	vmul.f32 v18, v10;
	v41 =	vmul.f32 $1.424932330e-01, v17;
	[tilespmem:s11], [sflag:$0x3] =	stream.indirect.gather [hbm4b:s3+s24], $0x8, s17, s24, $0xb8;
	[tilespmem:$0x166E0] =	vst v63  }
0x7f: {  	s12 =	simm.s32 $0xA0;
	s13 =	simm.s32 $0x4380;
	v44 =	vsel vm0, $0xFFFFFF82, v2;
	v6 =	vand.u32 $0x1, v6;
	vm2 =	vmmov vm2  }
0x80: {  	v42 =	vmul.f32 v15, v10;
	v15 =	vmul.f32 $5.000000000e-01, v15;
	v19 =	vadd.f32 $-1.666805740e-01, v41;
	[tilespmem:s13], [sflag:$0x3] =	stream.indirect.gather [hbm4b:s3+s24], $0x8, s12, s24, $0xb8;
	[tilespmem:$0x166E0] =	vst v63  }
0x81: {  	s16 =	simm.s32 $0x3C0;
	v8 =	vadd.s32 v8, v44;
	v18 =	vadd.f32 $3.333333130e-01, v18;
	v21 =	vand.u32 $0x7FFFFF, v16;
	s17 =	simm.s32 $0x5C80  }
0x82: {  	v8 =	vcvt.s32.f32 v8;
	v19 =	vmul.f32 v19, v17;
	v43 =	vor.u32 $0x3F800000, v21;
	[tilespmem:s17], [sflag:$0x3] =	stream.indirect.gather [hbm4b:s3+s24], $0x8, s16, s24, $0xb8;
	[tilespmem:$0x166E0] =	vst v63  }
0x83: {  	v18 =	vmul.f32 v18, v42;
	v22 =	vmul.f32 $5.000000000e-01, v43;
	v47 =	vand.u32 $0x7FFFFF, v14;
	s12 =	simm.s32 $0xF0;
	s13 =	simm.s32 $0x4600  }
0x84: {  	v45 =	vadd.f32 $2.000071410e-01, v19;
	vm14 =	vgt.f32 v43, $1.414213540e+00;
	v49 =	vor.u32 $0x3F800000, v47;
	[tilespmem:s13], [sflag:$0x3] =	stream.indirect.gather [hbm4b:s3+s24], $0x8, s12, s24, $0xb8;
	[tilespmem:$0x166E0] =	vst v63  }
0x85: {  	v15 =	vsub.f32 v18, v15;
	v46 =	vsel vm14, v22, v43;
	v51 =	vmul.f32 $5.000000000e-01, v49;
	s16 =	simm.s32 $0x410;
	s17 =	simm.s32 $0x5F00  }
0x86: {  	v48 =	vmul.f32 v45, v17;
	v19 =	vadd.f32 $-1.000000000e+00, v46;
	vm1 =	vgt.f32 v49, $1.414213540e+00;
	[tilespmem:s17], [sflag:$0x3] =	stream.indirect.gather [hbm4b:s3+s24], $0x8, s16, s24, $0xb8;
	[tilespmem:$0x166E0] =	vst v63  }
0x87: {  	v8 =	vmul.f32 $6.931471820e-01, v8;
	v10 =	vadd.f32 v15, v10;
	v18 =	vsel vm1, v51, v49;
	s12 =	simm.s32 $0x140;
	s13 =	simm.s32 $0x4880  }
0x88: {  	v15 =	vadd.f32 $-2.499999400e-01, v48;
	v50 =	vmul.f32 $1.424932330e-01, v19;
	v18 =	vadd.f32 $-1.000000000e+00, v18;
	[tilespmem:s13], [sflag:$0x3] =	stream.indirect.gather [hbm4b:s3+s24], $0x8, s12, s24, $0xb8;
	[tilespmem:$0x166E0] =	vst v63  }
0x89: {  	v6 =	vcvt.s32.f32 v6;
	v8 =	vadd.f32 v10, v8;
	v10 =	vmul.f32 v17, v17;
	s16 =	simm.s32 $0x460;
	s17 =	simm.s32 $0x6180  }
0x8a: {  	v15 =	vmul.f32 v15, v17;
	v20 =	vadd.f32 $-1.666805740e-01, v50;
	v52 =	vmul.f32 $1.424932330e-01, v18;
	[tilespmem:s17], [sflag:$0x3] =	stream.indirect.gather [hbm4b:s3+s24], $0x8, s16, s24, $0xb8;
	[tilespmem:$0x166E0] =	vst v63  }
0x8b: {  	v5 =	vand.u32 $0x1, v5;
	v8 =	vmul.f32 v6, v8;
	v53 =	vmul.f32 v10, v17;
	s12 =	simm.s32 $0x190;
	s13 =	simm.s32 $0x4B00  }
0x8c: {  	v15 =	vadd.f32 $3.333333130e-01, v15;
	v20 =	vmul.f32 v20, v19;
	v54 =	vadd.f32 $-1.666805740e-01, v52;
	[tilespmem:s13], [sflag:$0x3] =	stream.indirect.gather [hbm4b:s3+s24], $0x8, s12, s24, $0xb8;
	[tilespmem:$0x166E0] =	vst v63  }
0x8d: {  	v23 =	vsel vm2, $0xFFFFFF82, v2;
	v10 =	vmul.f32 $5.000000000e-01, v10;
	v8 =	vadd.f32 v8, v11;
	s16 =	simm.s32 $0x4B0;
	s17 =	simm.s32 $0x6400  }
0x8e: {  	v11 =	vmul.f32 v15, v53;
	v20 =	vadd.f32 $2.000071410e-01, v20;
	v12 =	vmul.f32 v54, v18;
	[tilespmem:s17], [sflag:$0x3] =	stream.indirect.gather [hbm4b:s3+s24], $0x8, s16, s24, $0xb8;
	[tilespmem:$0x166E0] =	vst v63  }
0x8f: {  	v7 =	vand.u32 $0x1, v7;
	v4 =	vadd.f32 v6, v4;
	v6 =	vadd.s32 v9, v23;
	s12 =	simm.s32 $0x1E0;
	s13 =	simm.s32 $0x4D80  }
0x90: {  	v10 =	vsub.f32 v11, v10;
	v55 =	vmul.f32 v20, v19;
	v11 =	vadd.f32 $2.000071410e-01, v12;
	[tilespmem:s13], [sflag:$0x3] =	stream.indirect.gather [hbm4b:s3+s24], $0x8, s12, s24, $0xb8;
	[tilespmem:$0x166E0] =	vst v63  }
0x91: {  	v16 =	vshra.s32 v16, $0x17;
	v6 =	vcvt.s32.f32 v6;
	vm0 =	vmmov vm14;
	s16 =	simm.s32 $0x500;
	s17 =	simm.s32 $0x6680  }
0x92: {  	v56 =	vmul.f32 v19, v19;
	v9 =	vadd.f32 $-2.499999400e-01, v55;
	v11 =	vmul.f32 v11, v18;
	[tilespmem:s17], [sflag:$0x3] =	stream.indirect.gather [hbm4b:s3+s24], $0x8, s16, s24, $0xb8;
	[tilespmem:$0x166E0] =	vst v63  }
0x93: {  	v58 =	vsel vm0, $0xFFFFFF82, v2;
	v6 =	vmul.f32 $6.931471820e-01, v6;
	v10 =	vadd.f32 v10, v17;
	s12 =	simm.s32 $0x230;
	s13 =	simm.s32 $0x5000  }
0x94: {  	v57 =	vmul.f32 v56, v19;
	v9 =	vmul.f32 v9, v19;
	v11 =	vadd.f32 $-2.499999400e-01, v11;
	[tilespmem:s13], [sflag:$0x3] =	stream.indirect.gather [hbm4b:s3+s24], $0x8, s12, s24, $0xb8;
	[tilespmem:$0x166E0] =	vst v63  }
0x95: {  	v14 =	vshra.s32 v14, $0x17;
	v6 =	vadd.f32 v10, v6;
	v59 =	vmul.f32 v18, v18;
	s16 =	simm.s32 $0x550;
	s17 =	simm.s32 $0x6900  }
0x96: {  	vm15 =	vmmov vm1;
	v9 =	vadd.f32 $3.333333130e-01, v9;
	v11 =	vmul.f32 v11, v18;
	[tilespmem:s17], [sflag:$0x3] =	stream.indirect.gather [hbm4b:s3+s24], $0x8, s16, s24, $0xb8;
	[tilespmem:$0x166E0] =	vst v63  }
0x97: {  	v10 =	vadd.s32 v16, v58;
	v61 =	vsel vm15, $0xFFFFFF82, v2;
	v60 =	vmul.f32 v59, v18;
	s12 =	simm.s32 $0x280;
	s13 =	simm.s32 $0x5280  }
0x98: {  	v9 =	vmul.f32 v9, v57;
	v12 =	vmul.f32 $5.000000000e-01, v56;
	v11 =	vadd.f32 $3.333333130e-01, v11;
	[tilespmem:s13], [sflag:$0x3] =	stream.indirect.gather [hbm4b:s3+s24], $0x8, s12, s24, $0xb8;
	[tilespmem:$0x166E0] =	vst v63  }
0x99: {  	v5 =	vcvt.s32.f32 v5;
	v10 =	vcvt.s32.f32 v10;
	v14 =	vadd.s32 v14, v61;
	s16 =	simm.s32 $0x5A0;
	s17 =	simm.s32 $0x6B80  }
0x9a: {  	v62 =	vmul.f32 $5.000000000e-01, v59;
	v9 =	vsub.f32 v9, v12;
	v11 =	vmul.f32 v11, v60;
	[tilespmem:s17], [sflag:$0x3] =	stream.indirect.gather [hbm4b:s3+s24], $0x8, s16, s24, $0xb8;
	[tilespmem:$0x166E0] =	vst v63  }
0x9b: {  	v7 =	vcvt.s32.f32 v7;
	v63 =	vcvt.s32.f32 v14;
	s11 =	simm.s32 $0x2D0;
	s12 =	simm.s32 $0x5500  }
0x9c: {  	v10 =	vmul.f32 $6.931471820e-01, v10;
	v9 =	vadd.f32 v9, v19;
	v11 =	vsub.f32 v11, v62;
	[tilespmem:s12], [sflag:$0x3] =	stream.indirect.gather [hbm4b:s3+s24], $0x8, s11, s24, $0xb8;
	[tilespmem:$0x166E0] =	vst v63  }
0x9d: {  	v6 =	vmul.f32 v5, v6;
	v12 =	vmul.f32 $6.931471820e-01, v63  }
0x9e: {  	v9 =	vadd.f32 v9, v10;
	v10 =	vshrl.u32 v13, $0x3;
	v11 =	vadd.f32 v11, v18;
	[tilespmem:s28], [sflag:$0x3] =	stream.indirect.gather [hbm4b:s3+s24], $0x8, s21, s24, $0xb8;
	[tilespmem:$0x166E0] =	vst v63  }
0x9f: {  	v4 =	vadd.f32 v5, v4;
	v6 =	vadd.f32 v6, v8;
	v5 =	vand.u32 $0x1, v10;
	s13 =	rddreg [dreg:$0x7]  }
0xa0: {  	v8 =	vmul.f32 v7, v9;
	v9 =	vcvt.s32.f32 v5;
	v5 =	vadd.f32 v11, v12;
	[tilespmem:s29], [sflag:$0x2] =	stream.linear.gather [hbm4b:s13+s10], $0x320, $0x38;
	[tilespmem:$0x166E0] =	vst v63  }
0xa1: {  	v4 =	vadd.f32 v7, v4;
	s16 =	rddreg [dreg:$0x8]  }
0xa2: {  	v6 =	vadd.f32 v8, v6;
	v5 =	vmul.f32 v9, v5;
	[tilespmem:s30], [sflag:$0x2] =	stream.linear.gather [hbm4b:s16+s10], $0x320, $0x38;
	[tilespmem:$0x166E0] =	vst v63  }
0xa3: {  	v10 =	vimm.f32 $0.0e+00;
	v7 =	vimm.f32 $0.0e+00;
	v4 =	vadd.f32 v9, v4;
	s17 =	rddreg [dreg:$0x9];
	s11 =	simm.s32 $0x0  }
0xa4: {  	v8 =	vimm.s32 $0x0;
	v5 =	vadd.f32 v5, v6;
	v6 =	vimm.f32 $0.0e+00;
	[tilespmem:s31], [sflag:$0x2] =	stream.linear.gather [hbm4b:s17+s10], $0x1900, $0x38;
	[tilespmem:$0x166E0] =	vst v63  }
.LBB2_4:
0xa5: {  	_ =	swait.ge [sflag:s1], $0x320  }
0xa6: {  	[sflag:s1] =	ssyncset.done $0x0  }
0xa7: {  	[sflag:s1] =	ssyncadd.s32 $0xFFFFFCE0  }
0xa8: {  	_ =	swait.ge [sflag:s1], $0x320  }
0xa9: {  	[sflag:s1] =	ssyncset.done $0x0  }
0xaa: {  	[sflag:s1] =	ssyncadd.s32 $0xFFFFFCE0  }
0xab: {  	_ =	swait.ge [sflag:s1], $0x1900  }
0xac: {  	[sflag:s1] =	ssyncset.done $0x0  }
0xad: {  	[sflag:s1] =	ssyncadd.s32 $0xFFFFE700  }
0xae: {  	[tilespmem:s0], [sflag:$0x4] =	stream.indirect.gather [hbm4b:s3+s24], $0x8, s29, s24, $0xb8;
	[tilespmem:$0x166E0] =	vst v63  }
0xaf: {  	_ = 	snop  }
0xb0: {  	[tilespmem:s5], [sflag:$0x4] =	stream.indirect.gather [hbm4b:s3+s24], $0x8, s30, s24, $0xb8;
	[tilespmem:$0x166E0] =	vst v63  }
0xb1: {  	s6 =	simm.s32 $0x690;
	s12 =	simm.s32 $0x7300  }
0xb2: {  	[tilespmem:s12], [sflag:$0x4] =	stream.indirect.gather [hbm4b:s3+s24], $0x8, s6, s24, $0xb8;
	[tilespmem:$0x166E0] =	vst v63  }
0xb3: {  	s16 =	simm.s32 $0x9B0;
	s17 =	simm.s32 $0x8C00  }
0xb4: {  	[tilespmem:s17], [sflag:$0x4] =	stream.indirect.gather [hbm4b:s3+s24], $0x8, s16, s24, $0xb8;
	[tilespmem:$0x166E0] =	vst v63  }
0xb5: {  	s13 =	simm.s32 $0x7580;
	s12 =	simm.s32 $0x6E0  }
0xb6: {  	[tilespmem:s13], [sflag:$0x4] =	stream.indirect.gather [hbm4b:s3+s24], $0x8, s12, s24, $0xb8;
	[tilespmem:$0x166E0] =	vst v63  }
0xb7: {  	s16 =	simm.s32 $0xA00;
	s17 =	simm.s32 $0x8E80  }
0xb8: {  	[tilespmem:s17], [sflag:$0x4] =	stream.indirect.gather [hbm4b:s3+s24], $0x8, s16, s24, $0xb8;
	[tilespmem:$0x166E0] =	vst v63  }
0xb9: {  	s12 =	simm.s32 $0x730;
	s13 =	simm.s32 $0x7800  }
0xba: {  	[tilespmem:s13], [sflag:$0x4] =	stream.indirect.gather [hbm4b:s3+s24], $0x8, s12, s24, $0xb8;
	[tilespmem:$0x166E0] =	vst v63  }
0xbb: {  	s16 =	simm.s32 $0xA50;
	s17 =	simm.s32 $0x9100  }
0xbc: {  	[tilespmem:s17], [sflag:$0x4] =	stream.indirect.gather [hbm4b:s3+s24], $0x8, s16, s24, $0xb8;
	[tilespmem:$0x166E0] =	vst v63  }
0xbd: {  	s12 =	simm.s32 $0x780;
	s13 =	simm.s32 $0x7A80  }
0xbe: {  	[tilespmem:s13], [sflag:$0x4] =	stream.indirect.gather [hbm4b:s3+s24], $0x8, s12, s24, $0xb8;
	[tilespmem:$0x166E0] =	vst v63  }
0xbf: {  	s16 =	simm.s32 $0xAA0;
	s17 =	simm.s32 $0x9380  }
0xc0: {  	[tilespmem:s17], [sflag:$0x4] =	stream.indirect.gather [hbm4b:s3+s24], $0x8, s16, s24, $0xb8;
	[tilespmem:$0x166E0] =	vst v63  }
0xc1: {  	s12 =	simm.s32 $0x7D0;
	s13 =	simm.s32 $0x7D00  }
0xc2: {  	[tilespmem:s13], [sflag:$0x4] =	stream.indirect.gather [hbm4b:s3+s24], $0x8, s12, s24, $0xb8;
	[tilespmem:$0x166E0] =	vst v63  }
0xc3: {  	s16 =	simm.s32 $0xAF0;
	s17 =	simm.s32 $0x9600  }
0xc4: {  	[tilespmem:s17], [sflag:$0x4] =	stream.indirect.gather [hbm4b:s3+s24], $0x8, s16, s24, $0xb8;
	[tilespmem:$0x166E0] =	vst v63  }
0xc5: {  	s12 =	simm.s32 $0x820;
	s13 =	simm.s32 $0x7F80  }
0xc6: {  	[tilespmem:s13], [sflag:$0x4] =	stream.indirect.gather [hbm4b:s3+s24], $0x8, s12, s24, $0xb8;
	[tilespmem:$0x166E0] =	vst v63  }
0xc7: {  	s16 =	simm.s32 $0xB40;
	s17 =	simm.s32 $0x9880  }
0xc8: {  	[tilespmem:s17], [sflag:$0x4] =	stream.indirect.gather [hbm4b:s3+s24], $0x8, s16, s24, $0xb8;
	[tilespmem:$0x166E0] =	vst v63  }
0xc9: {  	s12 =	simm.s32 $0x870;
	s13 =	simm.s32 $0x8200  }
0xca: {  	[tilespmem:s13], [sflag:$0x4] =	stream.indirect.gather [hbm4b:s3+s24], $0x8, s12, s24, $0xb8;
	[tilespmem:$0x166E0] =	vst v63  }
0xcb: {  	s16 =	simm.s32 $0xB90;
	s17 =	simm.s32 $0x9B00  }
0xcc: {  	[tilespmem:s17], [sflag:$0x4] =	stream.indirect.gather [hbm4b:s3+s24], $0x8, s16, s24, $0xb8;
	[tilespmem:$0x166E0] =	vst v63  }
0xcd: {  	s12 =	simm.s32 $0x8C0;
	s13 =	simm.s32 $0x8480  }
0xce: {  	[tilespmem:s13], [sflag:$0x4] =	stream.indirect.gather [hbm4b:s3+s24], $0x8, s12, s24, $0xb8;
	[tilespmem:$0x166E0] =	vst v63  }
0xcf: {  	s16 =	simm.s32 $0xBE0;
	s17 =	simm.s32 $0x9D80  }
0xd0: {  	[tilespmem:s17], [sflag:$0x4] =	stream.indirect.gather [hbm4b:s3+s24], $0x8, s16, s24, $0xb8;
	[tilespmem:$0x166E0] =	vst v63  }
0xd1: {  	s12 =	simm.s32 $0x910;
	s13 =	simm.s32 $0x8700  }
0xd2: {  	[tilespmem:s13], [sflag:$0x4] =	stream.indirect.gather [hbm4b:s3+s24], $0x8, s12, s24, $0xb8;
	[tilespmem:$0x166E0] =	vst v63  }
0xd3: {  	s16 =	simm.s32 $0xC30;
	s17 =	simm.s32 $0xA000  }
0xd4: {  	[tilespmem:s17], [sflag:$0x4] =	stream.indirect.gather [hbm4b:s3+s24], $0x8, s16, s24, $0xb8;
	[tilespmem:$0x166E0] =	vst v63  }
0xd5: {  	_ =	swait.ge [sflag:s8], $0x1900  }
0xd6: {  	[sflag:s8] =	ssyncset.done $0x0  }
0xd7: {  	[sflag:s8] =	ssyncadd.s32 $0xFFFFE700  }
0xd8: {  	_ =	swait.ge [sflag:s8], $0x1900  }
0xd9: {  	[sflag:s8] =	ssyncset.done $0x0  }
0xda: {  	[sflag:s8] =	ssyncadd.s32 $0xFFFFE700  }
0xdb: {  	s13 =	simm.s32 $0x320;
	v9 =	vld [tilespmem:s10+$0x0]  }
0xdc: {  	v11 =	vld [tilespmem:s13+$0x0];
	_ =	sdelay $0x4  }
0xdd: {  	v12 =	vshrl.u32 v9, $0x2;
	v13 =	vshrl.u32 v11, $0x2;
	v14 =	vshra.s32 v11, $0x2  }
0xde: {  	v15 =	vshra.s32 v9, $0x2;
	v14 =	vand.u32 $0xFFFFFFF0, v14;
	v13 =	vand.u32 $0xF, v13  }
0xdf: {  	v15 =	vand.u32 $0xFFFFFFF0, v15;
	v12 =	vand.u32 $0xF, v12;
	v13 =	vor.u32 v13, v14  }
0xe0: {  	v12 =	vor.u32 v12, v15;
	_ =	sdelay $0x3  }
0xe1: {  	v13 =	vld.idx.msk [tilespmem:v13+s20+$0x0], $0xffff  }
0xe2: {  	v12 =	vld.idx.msk [tilespmem:v12+s20+$0x0], $0xffff;
	_ =	sdelay $0x1  }
0xe3: {  	v11 =	vshll.u32 v11, $0x3;
	v14 =	vmov s10  }
0xe4: {  	v9 =	vshll.u32 v9, $0x3;
	v11 =	vand.u32 $0x18, v11;
	v14 =	vshll.u32 v14, $0x3  }
0xe5: {  	v9 =	vand.u32 $0x18, v9;
	v14 =	vor.u32 v3, v14;
	v11 =	vshra.s32 v13, v11  }
0xe6: {  	v13 =	vor.u32 $0x7, v14;
	v9 =	vshra.s32 v12, v9;
	v12 =	vand.u32 $0x7, v11  }
0xe7: {  	v15 =	vand.u32 $0x7, v9;
	v16 =	vor.u32 v14, v12  }
0xe8: {  	s17 =	simm.s32 $0x330;
	v17 =	vor.u32 v14, v15  }
0xe9: {  	v29 =	vld [tilespmem:s17+$0x0]  }
0xea: {  	v18 =	vor.u32 $0x1, v14;
	v19 =	vld.idx.msk [tilespmem:v14+s25+$0x0], $0xffff  }
0xeb: {  	v22 =	vld.idx.msk [tilespmem:v13+s19+$0x0], $0xffff  }
0xec: {  	v21 =	vor.u32 $0x2, v14;
	v16 =	vld.idx.msk [tilespmem:v16+s19+$0x0], $0xffff  }
0xed: {  	v17 =	vld.idx.msk [tilespmem:v17+s19+$0x0], $0xffff  }
0xee: {  	v24 =	vor.u32 $0x3, v14;
	v20 =	vld.idx.msk [tilespmem:v14+s26+$0x0], $0xffff  }
0xef: {  	v25 =	vor.u32 $0x4, v14;
	v26 =	vor.u32 $0x5, v14;
	v23 =	vld.idx.msk [tilespmem:v18+s25+$0x0], $0xffff;
	v14 =	vor.u32 $0x6, v14  }
0xf0: {  	v18 =	vld.idx.msk [tilespmem:v18+s26+$0x0], $0xffff;
	v9 =	vshrl.u32 v9, $0x3;
	v11 =	vshrl.u32 v11, $0x3  }
0xf1: {  	v27 =	vld.idx.msk [tilespmem:v21+s25+$0x0], $0xffff;
	vm0 =	veq.s32 v15, v12;
	v11 =	vand.u32 $0x1, v11;
	v15 =	vadd.f32 v16, v22  }
0xf2: {  	v12 =	vld.idx.msk [tilespmem:v21+s26+$0x0], $0xffff;
	v21 =	vand.u32 $0x1, v9;
	vm1 =	veq.s32 v11, $0x0;
	v28 =	vadd.f32 v17, v22  }
0xf3: {  	v30 =	vld.idx.msk [tilespmem:v24+s25+$0x0], $0xffff;
	v9 =	vand.u32 v9, v11;
	vm2 =	veq.s32 v21, $0x0;
	v15 =	vsel vm1, $0x3F800000, v15  }
0xf4: {  	s16 =	simm.s32 $0x10;
	v33 =	vld.idx.msk [tilespmem:v14+s25+$0x0], $0xffff;
	vm1 =	veq.s32 v9, $0x0;
	v9 =	vsel vm0, v17, v22;
	v15 =	vsel vm2, v15, v28  }
0xf5: {  	v16 =	vld [tilespmem:s16+$0x0];
	v15 =	vsel vm1, v15, v9  }
0xf6: {  	v32 =	vshra.s32 v29, $0x2;
	v17 =	vld.idx.msk [tilespmem:v24+s26+$0x0], $0xffff;
	v9 =	vsub.f32 v19, v20;
	v20 =	vand.u32 $0x7FFFFF, v15  }
0xf7: {  	v32 =	vand.u32 $0xFFFFFFF0, v32;
	v18 =	vsub.f32 v23, v18;
	v24 =	vld.idx.msk [tilespmem:v25+s26+$0x0], $0xffff;
	v20 =	vor.u32 $0x3F800000, v20  }
0xf8: {  	v12 =	vsub.f32 v27, v12;
	v27 =	vshrl.u32 v29, $0x2;
	v28 =	vld.idx.msk [tilespmem:v26+s25+$0x0], $0xffff;
	v31 =	vmul.f32 $5.000000000e-01, v20  }
0xf9: {  	v18 =	vmul.f32 v18, v18;
	v27 =	vand.u32 $0xF, v27;
	v26 =	vld.idx.msk [tilespmem:v26+s26+$0x0], $0xffff;
	vm0 =	vgt.f32 v20, $1.414213540e+00  }
0xfa: {  	v27 =	vor.u32 v27, v32;
	v10 =	vadd.f32 v22, v10;
	v19 =	vld.idx.msk [tilespmem:v25+s25+$0x0], $0xffff;
	v20 =	vsel vm0, v31, v20  }
0xfb: {  	v14 =	vld.idx.msk [tilespmem:v14+s26+$0x0], $0xffff;
	v23 =	vshrl.u32 v16, $0x2;
	v25 =	vshra.s32 v16, $0x2;
	v31 =	vadd.f32 $-1.000000000e+00, v20  }
0xfc: {  	v25 =	vand.u32 $0xFFFFFFF0, v25;
	v23 =	vand.u32 $0xF, v23;
	v9 =	vmul.f32 v9, v9  }
0xfd: {  	v17 =	vsub.f32 v30, v17;
	v20 =	vor.u32 v23, v25;
	v23 =	vmul.f32 $1.424932330e-01, v31  }
0xfe: {  	v12 =	vmul.f32 v12, v12;
	v9 =	vadd.f32 v18, v9;
	v18 =	vsub.f32 v28, v26  }
0xff: {  	v19 =	vsub.f32 v19, v24;
	v23 =	vadd.f32 $-1.666805740e-01, v23  }
0x100: {  	v17 =	vmul.f32 v17, v17;
	v24 =	vld.idx.msk [tilespmem:v27+s20+$0x0], $0xffff;
	v9 =	vadd.f32 v12, v9;
	v12 =	vsub.f32 v33, v14  }
0x101: {  	v26 =	vor.u32 v21, v11;
	v27 =	vmul.f32 v18, v18;
	v18 =	vmul.f32 v23, v31  }
0x102: {  	v25 =	vmul.f32 v19, v19;
	v19 =	vmov s16;
	v11 =	vmul.f32 v12, v12;
	v14 =	vld.idx.msk [tilespmem:v20+s20+$0x0], $0xffff  }
0x103: {  	v12 =	vshll.u32 v29, $0x3;
	v23 =	vadd.f32 v17, v9;
	v17 =	vadd.f32 $2.000071410e-01, v18  }
0x104: {  	v16 =	vshll.u32 v16, $0x3;
	v12 =	vand.u32 $0x18, v12;
	v9 =	vshll.u32 v19, $0x3  }
0x105: {  	v28 =	vshra.s32 v24, v12;
	v9 =	vor.u32 v3, v9;
	v12 =	vmul.f32 v17, v31  }
0x106: {  	v16 =	vand.u32 $0x18, v16;
	v60 =	vsel vm0, $0xFFFFFF82, v2;
	v24 =	vld.idx.msk [tilespmem:v13+s25+$0x0], $0xffff;
	v30 =	vand.u32 $0x7, v28  }
0x107: {  	v13 =	vld.idx.msk [tilespmem:v13+s26+$0x0], $0xffff;
	v59 =	vor.u32 v9, v30;
	v14 =	vshra.s32 v14, v16;
	v12 =	vadd.f32 $-2.499999400e-01, v12  }
0x108: {  	s12 =	simm.s32 $0x20;
	v37 =	vmul.f32 v31, v31;
	v17 =	vor.u32 $0x7, v9;
	v58 =	vand.u32 $0x7, v14  }
0x109: {  	v22 =	vld [tilespmem:s12+$0x0];
	v34 =	vor.u32 $0x1, v9;
	v36 =	vor.u32 v9, v58;
	v12 =	vmul.f32 v12, v31  }
0x10a: {  	v35 =	vor.u32 $0x2, v9;
	v29 =	vor.u32 $0x3, v9;
	v21 =	vor.u32 $0x4, v9;
	v16 =	vld.idx.msk [tilespmem:v9+s25+$0x0], $0xffff  }
0x10b: {  	v25 =	vadd.f32 v25, v23;
	v23 =	vmul.f32 v37, v31;
	v18 =	vld.idx.msk [tilespmem:v9+s26+$0x0], $0xffff;
	v12 =	vadd.f32 $3.333333130e-01, v12  }
0x10c: {  	v20 =	vor.u32 $0x5, v9;
	v19 =	vor.u32 $0x6, v9;
	v13 =	vsub.f32 v24, v13;
	v33 =	vld.idx.msk [tilespmem:v59+s19+$0x0], $0xffff  }
0x10d: {  	v37 =	vmul.f32 $5.000000000e-01, v37;
	v24 =	vshra.s32 v15, $0x17;
	v9 =	vld.idx.msk [tilespmem:v17+s19+$0x0], $0xffff;
	v38 =	vmul.f32 v12, v23  }
0x10e: {  	v8 =	vadd.s32 v8, v26;
	v26 =	vld.idx.msk [tilespmem:v36+s19+$0x0], $0xffff;
	v12 =	vmul.f32 v13, v13;
	v13 =	vadd.s32 v24, v60  }
0x10f: {  	v15 =	vadd.f32 v27, v25;
	v25 =	vld.idx.msk [tilespmem:v35+s25+$0x0], $0xffff;
	v61 =	vcvt.s32.f32 v13;
	v27 =	vsub.f32 v38, v37  }
0x110: {  	v62 =	vshrl.u32 v14, $0x3;
	vm0 =	veq.s32 v58, v30;
	v23 =	vld.idx.msk [tilespmem:v34+s25+$0x0], $0xffff;
	v13 =	vshrl.u32 v28, $0x3  }
0x111: {  	v24 =	vld.idx.msk [tilespmem:v34+s26+$0x0], $0xffff;
	v13 =	vand.u32 $0x1, v13;
	v27 =	vadd.f32 v27, v31;
	v31 =	vmul.f32 $6.931471820e-01, v61  }
0x112: {  	s13 =	simm.s32 $0x340;
	v14 =	vand.u32 $0x1, v62;
	v28 =	vld.idx.msk [tilespmem:v35+s26+$0x0], $0xffff;
	v33 =	vadd.f32 v33, v9;
	v63 =	vand.u32 v62, v13  }
0x113: {  	v30 =	vld [tilespmem:s13+$0x0];
	vm3 =	veq.s32 v13, $0x0;
	v48 =	vadd.f32 v26, v9;
	v47 =	vadd.f32 v27, v31  }
0x114: {  	s6 =	simm.s32 $0x20;
	s16 =	simm.s32 $0x30;
	vm2 =	veq.s32 v14, $0x0;
	vm1 =	veq.s32 v63, $0x0;
	v49 =	vsel vm3, $0x3F800000, v33;
	v27 =	vld.idx.msk [tilespmem:v29+s25+$0x0], $0xffff  }
.LBB2_5:
0x115: {  	p0 =	sne.s32 s16, $0x310;
	v29 =	vld.idx.msk [tilespmem:v29+s26+$0x0], $0xffff;
	v26 =	vsel vm0, v26, v9;
	v31 =	vsel vm2, v49, v48;
	v7 =	vadd.f32 v47, v7  }
0x116: {  	v16 =	vsub.f32 v16, v18;
	v18 =	vsub.f32 v23, v24;
	v23 =	vld.idx.msk [tilespmem:v21+s25+$0x0], $0xffff;
	v24 =	vsel vm1, v31, v26  }
0x117: {  	v25 =	vsub.f32 v25, v28;
	v26 =	vshrl.u32 v22, $0x2;
	v21 =	vld.idx.msk [tilespmem:v21+s26+$0x0], $0xffff;
	v28 =	vand.u32 $0x7FFFFF, v24  }
0x118: {  	v31 =	vshra.s32 v22, $0x2;
	v32 =	vshrl.u32 v30, $0x2;
	v33 =	vld.idx.msk [tilespmem:v20+s25+$0x0], $0xffff;
	v28 =	vor.u32 $0x3F800000, v28  }
0x119: {  	v31 =	vand.u32 $0xFFFFFFF0, v31;
	v34 =	vshra.s32 v30, $0x2;
	v20 =	vld.idx.msk [tilespmem:v20+s26+$0x0], $0xffff;
	v35 =	vmul.f32 $5.000000000e-01, v28  }
0x11a: {  	v34 =	vand.u32 $0xFFFFFFF0, v34;
	v32 =	vand.u32 $0xF, v32;
	vm0 =	vgt.f32 v28, $1.414213540e+00;
	v36 =	vld.idx.msk [tilespmem:v19+s25+$0x0], $0xffff  }
0x11b: {  	v26 =	vand.u32 $0xF, v26;
	v32 =	vor.u32 v32, v34;
	v19 =	vld.idx.msk [tilespmem:v19+s26+$0x0], $0xffff;
	v28 =	vsel vm0, v35, v28  }
0x11c: {  	v18 =	vmul.f32 v18, v18;
	v26 =	vor.u32 v26, v31;
	v31 =	vld.idx.msk [tilespmem:v17+s25+$0x0], $0xffff;
	v34 =	vadd.f32 $-1.000000000e+00, v28  }
0x11d: {  	v16 =	vmul.f32 v16, v16;
	v25 =	vmul.f32 v25, v25;
	v27 =	vsub.f32 v27, v29;
	v28 =	vld.idx.msk [tilespmem:v17+s26+$0x0], $0xffff  }
0x11e: {  	v11 =	vadd.f32 v11, v15;
	v17 =	vsub.f32 v23, v21;
	v21 =	vmul.f32 $1.424932330e-01, v34  }
0x11f: {  	v15 =	vadd.f32 v18, v16;
	v16 =	vmul.f32 v27, v27;
	v18 =	vsub.f32 v33, v20  }
0x120: {  	v11 =	vadd.f32 v12, v11;
	v23 =	vmul.f32 v17, v17;
	v20 =	vld.idx.msk [tilespmem:v32+s20+$0x0], $0xffff;
	v17 =	vadd.f32 $-1.666805740e-01, v21  }
0x121: {  	v15 =	vadd.f32 v25, v15;
	v25 =	vmul.f32 v18, v18;
	v18 =	vsub.f32 v36, v19;
	v12 =	vld.idx.msk [tilespmem:v26+s20+$0x0], $0xffff  }
0x122: {  	v13 =	vor.u32 v14, v13;
	v6 =	vadd.f32 v11, v6;
	v14 =	vmul.f32 v17, v34  }
0x123: {  	v15 =	vadd.f32 v16, v15;
	v17 =	vmov s12;
	v11 =	vmul.f32 v18, v18;
	s12 =	smov.u32 s16  }
0x124: {  	v16 =	vshll.u32 v17, $0x3;
	v17 =	vshll.u32 v30, $0x3;
	v14 =	vadd.f32 $2.000071410e-01, v14  }
0x125: {  	v19 =	vor.u32 v3, v16;
	v16 =	vshll.u32 v22, $0x3;
	v17 =	vand.u32 $0x18, v17  }
0x126: {  	v16 =	vand.u32 $0x18, v16;
	v22 =	vshra.s32 v20, v17;
	v14 =	vmul.f32 v14, v34  }
0x127: {  	v17 =	vor.u32 $0x7, v19;
	v27 =	vshra.s32 v12, v16;
	v30 =	vand.u32 $0x7, v22  }
0x128: {  	v32 =	vand.u32 $0x7, v27;
	v12 =	vor.u32 v19, v30;
	v14 =	vadd.f32 $-2.499999400e-01, v14  }
0x129: {  	v33 =	vor.u32 $0x1, v19;
	v35 =	vor.u32 $0x2, v19;
	v26 =	vor.u32 v19, v32  }
0x12a: {  	v36 =	vmul.f32 v34, v34;
	v29 =	vor.u32 $0x3, v19;
	v16 =	vld.idx.msk [tilespmem:v19+s25+$0x0], $0xffff;
	v14 =	vmul.f32 v14, v34  }
0x12b: {  	v21 =	vor.u32 $0x4, v19;
	v20 =	vor.u32 $0x5, v19;
	v18 =	vld.idx.msk [tilespmem:v19+s26+$0x0], $0xffff;
	v19 =	vor.u32 $0x6, v19  }
0x12c: {  	v15 =	vadd.f32 v23, v15;
	v23 =	vmul.f32 v36, v34;
	v37 =	vld.idx.msk [tilespmem:v17+s19+$0x0], $0xffff;
	v14 =	vadd.f32 $3.333333130e-01, v14  }
0x12d: {  	v8 =	vadd.s32 v8, v13;
	v24 =	vshra.s32 v24, $0x17;
	v38 =	vld.idx.msk [tilespmem:v12+s19+$0x0], $0xffff;
	v12 =	vsub.f32 v31, v28  }
0x12e: {  	v13 =	vsel vm0, $0xFFFFFF82, v2;
	v28 =	vmul.f32 $5.000000000e-01, v36;
	v26 =	vld.idx.msk [tilespmem:v26+s19+$0x0], $0xffff;
	v14 =	vmul.f32 v14, v23  }
0x12f: {  	v13 =	vadd.s32 v24, v13;
	v15 =	vadd.f32 v25, v15;
	v23 =	vld.idx.msk [tilespmem:v33+s25+$0x0], $0xffff;
	v12 =	vmul.f32 v12, v12  }
0x130: {  	v10 =	vadd.f32 v9, v10;
	v31 =	vcvt.s32.f32 v13;
	v24 =	vld.idx.msk [tilespmem:v33+s26+$0x0], $0xffff;
	v14 =	vsub.f32 v14, v28  }
.Ltmp1:
0x131: {  	v22 =	vshrl.u32 v22, $0x3;
	v27 =	vshrl.u32 v27, $0x3;
	vm0 =	veq.s32 v32, v30;
	v25 =	vld.idx.msk [tilespmem:v35+s25+$0x0], $0xffff;
	(pc) =	sbr.rel @p0 .LBB2_5-.Ltmp1, $4  }
0x132: {  	s6 =	sadd.s32 $0x10, s6;
	v13 =	vand.u32 $0x1, v22;
	v31 =	vmul.f32 $6.931471820e-01, v31;
	v9 =	vmovc v37;
	v28 =	vld.idx.msk [tilespmem:v35+s26+$0x0], $0xffff;
	v32 =	vadd.f32 v14, v34  }
0x133: {  	s13 =	sadd.s32 $0x10, s13;
	v33 =	vand.u32 v27, v13;
	v14 =	vand.u32 $0x1, v27;
	v34 =	vadd.f32 v38, v9;
	v22 =	vld [tilespmem:s6+$0x0]  }
0x134: {  	vm3 =	veq.s32 v13, $0x0;
	v48 =	vadd.f32 v26, v9;
	v30 =	vld [tilespmem:s13+$0x0];
	v47 =	vadd.f32 v32, v31  }
0x135: {  	s16 =	sadd.s32 $0x10, s16;
	vm1 =	veq.s32 v33, $0x0;
	vm2 =	veq.s32 v14, $0x0;
	v49 =	vsel vm3, $0x3F800000, v34;
	v27 =	vld.idx.msk [tilespmem:v29+s25+$0x0], $0xffff  }
0x136: {  	_ =	sdelay $0x2  }
0x137: {  	v31 =	vshrl.u32 v22, $0x2;
	v32 =	vshrl.u32 v30, $0x2;
	v33 =	vshra.s32 v30, $0x2  }
0x138: {  	v34 =	vshra.s32 v22, $0x2;
	v33 =	vand.u32 $0xFFFFFFF0, v33;
	v32 =	vand.u32 $0xF, v32  }
0x139: {  	v34 =	vand.u32 $0xFFFFFFF0, v34;
	v31 =	vand.u32 $0xF, v31;
	v32 =	vor.u32 v32, v33  }
0x13a: {  	v50 =	vld.idx.msk [tilespmem:v29+s26+$0x0], $0xffff;
	v31 =	vor.u32 v31, v34  }
0x13b: {  	v51 =	vld.idx.msk [tilespmem:v21+s25+$0x0], $0xffff  }
0x13c: {  	v52 =	vld.idx.msk [tilespmem:v21+s26+$0x0], $0xffff  }
0x13d: {  	v45 =	vld.idx.msk [tilespmem:v20+s25+$0x0], $0xffff  }
0x13e: {  	v21 =	vmov s12;
	v29 =	vld.idx.msk [tilespmem:v32+s20+$0x0], $0xffff  }
0x13f: {  	v21 =	vshll.u32 v21, $0x3;
	v31 =	vld.idx.msk [tilespmem:v31+s20+$0x0], $0xffff  }
0x140: {  	v46 =	vld.idx.msk [tilespmem:v20+s26+$0x0], $0xffff;
	v20 =	vor.u32 v3, v21  }
0x141: {  	v43 =	vld.idx.msk [tilespmem:v19+s25+$0x0], $0xffff;
	v30 =	vshll.u32 v30, $0x3  }
0x142: {  	v44 =	vld.idx.msk [tilespmem:v19+s26+$0x0], $0xffff;
	v21 =	vshll.u32 v22, $0x3;
	v54 =	vor.u32 $0x7, v20;
	v22 =	vand.u32 $0x18, v30  }
0x143: {  	v37 =	vld.idx.msk [tilespmem:v17+s25+$0x0], $0xffff;
	v21 =	vand.u32 $0x18, v21;
	v53 =	vshra.s32 v29, v22;
	v22 =	vor.u32 $0x1, v20  }
0x144: {  	v39 =	vld.idx.msk [tilespmem:v17+s26+$0x0], $0xffff;
	v55 =	vshra.s32 v31, v21  }
0x145: {  	v34 =	vld.idx.msk [tilespmem:v20+s25+$0x0], $0xffff;
	v57 =	vand.u32 $0x7, v55;
	v29 =	vor.u32 $0x2, v20  }
0x146: {  	v36 =	vld.idx.msk [tilespmem:v20+s26+$0x0], $0xffff;
	v21 =	vor.u32 v20, v57  }
0x147: {  	v17 =	vld.idx.msk [tilespmem:v54+s19+$0x0], $0xffff;
	v56 =	vand.u32 $0x7, v53  }
0x148: {  	v19 =	vor.u32 v20, v56;
	v38 =	vld.idx.msk [tilespmem:v22+s25+$0x0], $0xffff  }
0x149: {  	v40 =	vld.idx.msk [tilespmem:v22+s26+$0x0], $0xffff;
	v22 =	vor.u32 $0x5, v20  }
0x14a: {  	v41 =	vld.idx.msk [tilespmem:v29+s25+$0x0], $0xffff  }
0x14b: {  	v59 =	vld.idx.msk [tilespmem:v21+s19+$0x0], $0xffff;
	v21 =	vor.u32 $0x4, v20  }
0x14c: {  	v42 =	vld.idx.msk [tilespmem:v29+s26+$0x0], $0xffff  }
0x14d: {  	v58 =	vld.idx.msk [tilespmem:v19+s19+$0x0], $0xffff;
	v19 =	vor.u32 $0x3, v20  }
0x14e: {  	v29 =	vld.idx.msk [tilespmem:v22+s25+$0x0], $0xffff  }
0x14f: {  	v20 =	vor.u32 $0x6, v20;
	v30 =	vld.idx.msk [tilespmem:v22+s26+$0x0], $0xffff  }
0x150: {  	v31 =	vld.idx.msk [tilespmem:v21+s25+$0x0], $0xffff  }
0x151: {  	v32 =	vld.idx.msk [tilespmem:v21+s26+$0x0], $0xffff  }
0x152: {  	s12 =	smul.u32 $0x640, s11;
	v33 =	vld.idx.msk [tilespmem:v19+s25+$0x0], $0xffff  }
0x153: {  	v35 =	vld.idx.msk [tilespmem:v19+s26+$0x0], $0xffff  }
0x154: {  	s13 =	sadd.s32 s12, s14;
	v21 =	vld.idx.msk [tilespmem:v20+s25+$0x0], $0xffff  }
0x155: {  	s6 =	sshrl.u32 s13, $0x3;
	v22 =	vld.idx.msk [tilespmem:v20+s26+$0x0], $0xffff  }
0x156: {  	s16 =	sadd.s32 s4, s6;
	s6 =	simm.s32 $0x0;
	v19 =	vld.idx.msk [tilespmem:v54+s25+$0x0], $0xffff  }
0x157: {  	v20 =	vld.idx.msk [tilespmem:v54+s26+$0x0], $0xffff;
	[tilespmem:s6], [sflag:$0x1] =	stream.linear.gather [hbm4b:s16+s6], $0x320, $0x38  }
0x158: {  	s16 =	sadd.s32 $0x61A80, s16  }
0x159: {  	[tilespmem:s18], [sflag:$0x1] =	stream.linear.gather [hbm4b:s16+s6], $0x320, $0x38;
	[tilespmem:$0x166E0] =	vst v63  }
0x15a: {  	s13 =	sadd.s32 s3, s13  }
0x15b: {  	[tilespmem:s19], [sflag:$0x1] =	stream.linear.gather [hbm4b:s13+s6], $0x1900, $0x38;
	[tilespmem:$0x166E0] =	vst v63  }
0x15c: {  	_ =	swait.ge [sflag:s23], $0x320  }
0x15d: {  	[sflag:s23] =	ssyncset.done $0x0  }
0x15e: {  	[sflag:s23] =	ssyncadd.s32 $0xFFFFFCE0  }
0x15f: {  	_ =	swait.ge [sflag:s23], $0x320  }
0x160: {  	[sflag:s23] =	ssyncset.done $0x0  }
0x161: {  	[sflag:s23] =	ssyncadd.s32 $0xFFFFFCE0  }
0x162: {  	_ =	swait.ge [sflag:s23], $0x1900  }
0x163: {  	[sflag:s23] =	ssyncset.done $0x0  }
0x164: {  	[sflag:s23] =	ssyncadd.s32 $0xFFFFE700  }
0x165: {  	[tilespmem:s25], [sflag:$0x3] =	stream.indirect.gather [hbm4b:s3+s24], $0x8, s6, s24, $0xb8;
	[tilespmem:$0x166E0] =	vst v63  }
0x166: {  	_ = 	snop  }
0x167: {  	[tilespmem:s26], [sflag:$0x3] =	stream.indirect.gather [hbm4b:s3+s24], $0x8, s18, s24, $0xb8;
	[tilespmem:$0x166E0] =	vst v63  }
0x168: {  	s17 =	simm.s32 $0x4100  }
0x169: {  	[tilespmem:s17], [sflag:$0x3] =	stream.indirect.gather [hbm4b:s3+s24], $0x8, s24, s24, $0xb8;
	[tilespmem:$0x166E0] =	vst v63  }
0x16a: {  	s16 =	simm.s32 $0x370;
	s17 =	simm.s32 $0x5A00  }
0x16b: {  	[tilespmem:s17], [sflag:$0x3] =	stream.indirect.gather [hbm4b:s3+s24], $0x8, s16, s24, $0xb8;
	[tilespmem:$0x166E0] =	vst v63  }
0x16c: {  	s16 =	simm.s32 $0xA0;
	s17 =	simm.s32 $0x4380  }
0x16d: {  	[tilespmem:s17], [sflag:$0x3] =	stream.indirect.gather [hbm4b:s3+s24], $0x8, s16, s24, $0xb8;
	[tilespmem:$0x166E0] =	vst v63  }
0x16e: {  	s16 =	simm.s32 $0x3C0;
	s17 =	simm.s32 $0x5C80  }
0x16f: {  	[tilespmem:s17], [sflag:$0x3] =	stream.indirect.gather [hbm4b:s3+s24], $0x8, s16, s24, $0xb8;
	[tilespmem:$0x166E0] =	vst v63  }
0x170: {  	s16 =	simm.s32 $0xF0;
	s17 =	simm.s32 $0x4600  }
0x171: {  	[tilespmem:s17], [sflag:$0x3] =	stream.indirect.gather [hbm4b:s3+s24], $0x8, s16, s24, $0xb8;
	[tilespmem:$0x166E0] =	vst v63  }
0x172: {  	s16 =	simm.s32 $0x410;
	s17 =	simm.s32 $0x5F00  }
0x173: {  	v48 =	vsel vm2, v49, v48;
	v26 =	vsel vm0, v26, v9;
	[tilespmem:s17], [sflag:$0x3] =	stream.indirect.gather [hbm4b:s3+s24], $0x8, s16, s24, $0xb8;
	[tilespmem:$0x166E0] =	vst v63  }
0x174: {  	v26 =	vsel vm1, v48, v26;
	s16 =	simm.s32 $0x140;
	s17 =	simm.s32 $0x4880  }
0x175: {  	v48 =	vand.u32 $0x7FFFFF, v26;
	[tilespmem:s17], [sflag:$0x3] =	stream.indirect.gather [hbm4b:s3+s24], $0x8, s16, s24, $0xb8;
	[tilespmem:$0x166E0] =	vst v63  }
0x176: {  	v48 =	vor.u32 $0x3F800000, v48;
	s16 =	simm.s32 $0x460;
	s17 =	simm.s32 $0x6180  }
0x177: {  	v63 =	vmul.f32 $5.000000000e-01, v48;
	[tilespmem:s17], [sflag:$0x3] =	stream.indirect.gather [hbm4b:s3+s24], $0x8, s16, s24, $0xb8;
	[tilespmem:$0x166E0] =	vst v63  }
0x178: {  	vm1 =	vgt.f32 v48, $1.414213540e+00;
	s16 =	simm.s32 $0x190;
	s17 =	simm.s32 $0x4B00  }
0x179: {  	v48 =	vsel vm1, v63, v48;
	[tilespmem:s17], [sflag:$0x3] =	stream.indirect.gather [hbm4b:s3+s24], $0x8, s16, s24, $0xb8;
	[tilespmem:$0x166E0] =	vst v63  }
0x17a: {  	v48 =	vadd.f32 $-1.000000000e+00, v48;
	s16 =	simm.s32 $0x4B0;
	s17 =	simm.s32 $0x6400  }
0x17b: {  	[tilespmem:s17], [sflag:$0x3] =	stream.indirect.gather [hbm4b:s3+s24], $0x8, s16, s24, $0xb8;
	[tilespmem:$0x166E0] =	vst v63  }
0x17c: {  	v47 =	vadd.f32 v47, v7;
	v54 =	vmul.f32 $1.424932330e-01, v48;
	s16 =	simm.s32 $0x1E0;
	s17 =	simm.s32 $0x4D80  }
0x17d: {  	v18 =	vsub.f32 v16, v18;
	v23 =	vsub.f32 v23, v24;
	[tilespmem:s17], [sflag:$0x3] =	stream.indirect.gather [hbm4b:s3+s24], $0x8, s16, s24, $0xb8;
	[tilespmem:$0x166E0] =	vst v63  }
0x17e: {  	v11 =	vadd.f32 v11, v15;
	v49 =	vadd.f32 $-1.666805740e-01, v54;
	s16 =	simm.s32 $0x500;
	s17 =	simm.s32 $0x6680  }
0x17f: {  	v13 =	vor.u32 v14, v13;
	v9 =	vadd.f32 v9, v10;
	v24 =	vsub.f32 v25, v28;
	[tilespmem:s17], [sflag:$0x3] =	stream.indirect.gather [hbm4b:s3+s24], $0x8, s16, s24, $0xb8;
	[tilespmem:$0x166E0] =	vst v63  }
0x180: {  	v8 =	vadd.s32 v8, v13;
	v23 =	vmul.f32 v23, v23;
	v7 =	vmul.f32 v49, v48;
	s16 =	simm.s32 $0x230;
	s17 =	simm.s32 $0x5000  }
0x181: {  	v18 =	vmul.f32 v18, v18;
	v11 =	vadd.f32 v12, v11;
	v25 =	vsub.f32 v27, v50;
	[tilespmem:s17], [sflag:$0x3] =	stream.indirect.gather [hbm4b:s3+s24], $0x8, s16, s24, $0xb8;
	[tilespmem:$0x166E0] =	vst v63  }
0x182: {  	v55 =	vshrl.u32 v55, $0x3;
	v28 =	vadd.f32 $2.000071410e-01, v7;
	v7 =	vshrl.u32 v53, $0x3;
	s16 =	simm.s32 $0x550;
	s17 =	simm.s32 $0x6900  }
0x183: {  	v16 =	vand.u32 $0x1, v55;
	v58 =	vadd.f32 v58, v17;
	v7 =	vand.u32 $0x1, v7;
	[tilespmem:s17], [sflag:$0x3] =	stream.indirect.gather [hbm4b:s3+s24], $0x8, s16, s24, $0xb8;
	[tilespmem:$0x166E0] =	vst v63  }
0x184: {  	vm0 =	veq.s32 v57, v56;
	v60 =	vadd.f32 v59, v17;
	vm2 =	veq.s32 v7, $0x0;
	s16 =	simm.s32 $0x280;
	s17 =	simm.s32 $0x5280  }
0x185: {  	v49 =	vand.u32 v55, v7;
	v50 =	vsel vm2, $0x3F800000, v58;
	vm2 =	veq.s32 v16, $0x0;
	[tilespmem:s17], [sflag:$0x3] =	stream.indirect.gather [hbm4b:s3+s24], $0x8, s16, s24, $0xb8;
	[tilespmem:$0x166E0] =	vst v63  }
0x186: {  	v62 =	vsel vm0, v59, v17;
	vm3 =	veq.s32 v49, $0x0;
	v61 =	vsel vm2, v50, v60;
	s16 =	simm.s32 $0x5A0;
	s17 =	simm.s32 $0x6B80  }
0x187: {  	v24 =	vmul.f32 v24, v24;
	v15 =	vadd.f32 v23, v18;
	v49 =	vsel vm3, v61, v62;
	[tilespmem:s17], [sflag:$0x3] =	stream.indirect.gather [hbm4b:s3+s24], $0x8, s16, s24, $0xb8;
	[tilespmem:$0x166E0] =	vst v63  }
0x188: {  	v6 =	vadd.f32 v11, v6;
	v28 =	vmul.f32 v28, v48;
	v18 =	vand.u32 $0x7FFFFF, v49;
	s16 =	simm.s32 $0x2D0;
	s17 =	simm.s32 $0x5500  }
0x189: {  	v27 =	vsub.f32 v51, v52;
	v45 =	vsub.f32 v45, v46;
	v18 =	vor.u32 $0x3F800000, v18;
	[tilespmem:s17], [sflag:$0x3] =	stream.indirect.gather [hbm4b:s3+s24], $0x8, s16, s24, $0xb8;
	[tilespmem:$0x166E0] =	vst v63  }
0x18a: {  	v15 =	vadd.f32 v24, v15;
	v28 =	vadd.f32 $-2.499999400e-01, v28;
	v24 =	vmul.f32 $5.000000000e-01, v18  }
0x18b: {  	v11 =	vsub.f32 v37, v39;
	v25 =	vmul.f32 v25, v25;
	vm0 =	vgt.f32 v18, $1.414213540e+00;
	[tilespmem:s28], [sflag:$0x3] =	stream.indirect.gather [hbm4b:s3+s24], $0x8, s21, s24, $0xb8;
	[tilespmem:$0x166E0] =	vst v63  }
0x18c: {  	v23 =	vmul.f32 v48, v48;
	v28 =	vmul.f32 v28, v48;
	v12 =	vsel vm0, v24, v18;
	_ =	swait.ge [sflag:s9], $0x1900  }
0x18d: {  	v15 =	vadd.f32 v25, v15;
	v25 =	vsel vm1, $0xFFFFFF82, v2;
	v12 =	vadd.f32 $-1.000000000e+00, v12;
	[sflag:s9] =	ssyncset.done $0x0  }
0x18e: {  	v63 =	vmul.f32 v23, v48;
	v28 =	vadd.f32 $3.333333130e-01, v28;
	v24 =	vshra.s32 v26, $0x17;
	[sflag:s9] =	ssyncadd.s32 $0xFFFFE700  }
0x18f: {  	v26 =	vmul.f32 v27, v27;
	v24 =	vadd.s32 v24, v25;
	v25 =	vmul.f32 $1.424932330e-01, v12;
	_ =	swait.ge [sflag:s9], $0x1900  }
0x190: {  	v23 =	vmul.f32 $5.000000000e-01, v23;
	v29 =	vsub.f32 v29, v30;
	v18 =	vmul.f32 v28, v63;
	[sflag:s9] =	ssyncset.done $0x0  }
0x191: {  	v11 =	vmul.f32 v11, v11;
	v14 =	vadd.f32 v26, v15;
	v15 =	vadd.f32 $-1.666805740e-01, v25;
	s16 =	simm.s32 $0x640;
	[sflag:s9] =	ssyncadd.s32 $0xFFFFE700  }
0x192: {  	v31 =	vsub.f32 v31, v32;
	v18 =	vsub.f32 v18, v23;
	v23 =	vcvt.s32.f32 v24;
	s17 =	simm.s32 $0x960;
	v25 =	vld [tilespmem:s16+$0x0]  }
0x193: {  	v33 =	vsub.f32 v33, v35;
	v24 =	vmul.f32 v45, v45;
	v15 =	vmul.f32 v15, v12;
	v26 =	vld [tilespmem:s17+$0x0]  }
0x194: {  	v27 =	vsub.f32 v43, v44;
	v18 =	vadd.f32 v18, v48;
	v23 =	vmul.f32 $6.931471820e-01, v23  }
0x195: {  	v29 =	vmul.f32 v29, v29;
	v13 =	vadd.f32 v24, v14;
	v15 =	vadd.f32 $2.000071410e-01, v15  }
0x196: {  	v10 =	vmul.f32 v27, v27;
	v24 =	vsub.f32 v41, v42;
	v14 =	vadd.f32 v18, v23  }
0x197: {  	v18 =	vsub.f32 v34, v36;
	v23 =	vsub.f32 v38, v40;
	v15 =	vmul.f32 v15, v12  }
0x198: {  	v27 =	vshrl.u32 v25, $0x2;
	v28 =	vshrl.u32 v26, $0x2;
	v45 =	vshra.s32 v26, $0x2  }
0x199: {  	v46 =	vshra.s32 v25, $0x2;
	v34 =	vand.u32 $0xFFFFFFF0, v45;
	v28 =	vand.u32 $0xF, v28  }
0x19a: {  	v36 =	vand.u32 $0xFFFFFFF0, v46;
	v27 =	vand.u32 $0xF, v27;
	v28 =	vor.u32 v28, v34  }
0x19b: {  	v23 =	vmul.f32 v23, v23;
	v18 =	vmul.f32 v18, v18;
	v27 =	vor.u32 v27, v36  }
0x19c: {  	v21 =	vsub.f32 v21, v22;
	v30 =	vmul.f32 v31, v31;
	v15 =	vadd.f32 $-2.499999400e-01, v15  }
0x19d: {  	v24 =	vmul.f32 v24, v24;
	v10 =	vadd.f32 v10, v13;
	v18 =	vadd.f32 v23, v18  }
0x19e: {  	v31 =	vsel vm0, $0xFFFFFF82, v2;
	v23 =	vmul.f32 v12, v12;
	v15 =	vmul.f32 v15, v12  }
0x19f: {  	v13 =	vmul.f32 v33, v33;
	v10 =	vadd.f32 v11, v10;
	v18 =	vadd.f32 v24, v18;
	v11 =	vld.idx.msk [tilespmem:v28+s20+$0x0], $0xffff  }
0x1a0: {  	v14 =	vadd.f32 v14, v47;
	v24 =	vmul.f32 v23, v12;
	v15 =	vadd.f32 $3.333333130e-01, v15;
	v27 =	vld.idx.msk [tilespmem:v27+s20+$0x0], $0xffff  }
0x1a1: {  	v47 =	vmov s6;
	v23 =	vmul.f32 $5.000000000e-01, v23;
	v13 =	vadd.f32 v13, v18  }
0x1a2: {  	v15 =	vmul.f32 v15, v24;
	v24 =	vshll.u32 v47, $0x3;
	v26 =	vshll.u32 v26, $0x3  }
0x1a3: {  	v24 =	vor.u32 v3, v24;
	v25 =	vshll.u32 v25, $0x3;
	v26 =	vand.u32 $0x18, v26  }
0x1a4: {  	v25 =	vand.u32 $0x18, v25;
	v28 =	vshra.s32 v49, $0x17;
	v11 =	vshra.s32 v11, v26  }
0x1a5: {  	v26 =	vor.u32 $0x7, v24;
	v25 =	vshra.s32 v27, v25;
	v27 =	vand.u32 $0x7, v11  }
0x1a6: {  	v28 =	vadd.s32 v28, v31;
	v31 =	vand.u32 $0x7, v25;
	v48 =	vor.u32 v24, v27  }
0x1a7: {  	v15 =	vsub.f32 v15, v23;
	v23 =	vcvt.s32.f32 v28;
	v28 =	vor.u32 v24, v31  }
0x1a8: {  	v7 =	vor.u32 v16, v7;
	v16 =	vsub.f32 v19, v20;
	v13 =	vadd.f32 v30, v13  }
0x1a9: {  	v12 =	vadd.f32 v15, v12;
	v22 =	vld.idx.msk [tilespmem:v24+s5+$0x0], $0xffff;
	v15 =	vmul.f32 $6.931471820e-01, v23;
	v23 =	vor.u32 $0x2, v24  }
0x1aa: {  	v19 =	vmul.f32 v21, v21;
	v6 =	vadd.f32 v10, v6;
	v18 =	vor.u32 $0x1, v24;
	v10 =	vld.idx.msk [tilespmem:v26+s31+$0x0], $0xffff  }
0x1ab: {  	v30 =	vadd.s32 v8, v7;
	v7 =	vadd.f32 v29, v13;
	v12 =	vadd.f32 v12, v15;
	v15 =	vld.idx.msk [tilespmem:v48+s31+$0x0], $0xffff  }
0x1ac: {  	s16 =	simm.s32 $0x970;
	v13 =	vld.idx.msk [tilespmem:v28+s31+$0x0], $0xffff  }
0x1ad: {  	v16 =	vmul.f32 v16, v16;
	v7 =	vadd.f32 v19, v7;
	v29 =	vld [tilespmem:s16+$0x0];
	v11 =	vshrl.u32 v11, $0x3  }
0x1ae: {  	v20 =	vshrl.u32 v25, $0x3;
	vm0 =	veq.s32 v31, v27;
	v11 =	vand.u32 $0x1, v11;
	v19 =	vld.idx.msk [tilespmem:v23+s0+$0x0], $0xffff  }
0x1af: {  	v8 =	vadd.f32 v12, v14;
	v12 =	vor.u32 $0x3, v24;
	v28 =	vadd.f32 v17, v9;
	v9 =	vld.idx.msk [tilespmem:v18+s0+$0x0], $0xffff  }
0x1b0: {  	v25 =	vand.u32 $0x1, v20;
	v14 =	vor.u32 $0x4, v24;
	v17 =	vld.idx.msk [tilespmem:v18+s5+$0x0], $0xffff;
	v15 =	vadd.f32 v15, v10  }
0x1b1: {  	s13 =	simm.s32 $0x650;
	vm1 =	veq.s32 v11, $0x0;
	v21 =	vld.idx.msk [tilespmem:v23+s5+$0x0], $0xffff;
	v18 =	vor.u32 $0x5, v24;
	v27 =	vadd.f32 v13, v10  }
0x1b2: {  	v20 =	vand.u32 v20, v11;
	vm2 =	veq.s32 v25, $0x0;
	v23 =	vld [tilespmem:s13+$0x0];
	v15 =	vsel vm1, $0x3F800000, v15  }
0x1b3: {  	v49 =	vld.idx.msk [tilespmem:v24+s0+$0x0], $0xffff;
	v13 =	vsel vm0, v13, v10;
	vm1 =	veq.s32 v20, $0x0;
	v15 =	vsel vm2, v15, v27  }
0x1b4: {  	v7 =	vadd.f32 v16, v7;
	v16 =	vor.u32 $0x6, v24;
	v31 =	vld.idx.msk [tilespmem:v12+s0+$0x0], $0xffff;
	v24 =	vsel vm1, v15, v13  }
0x1b5: {  	v51 =	vshra.s32 v29, $0x2;
	v12 =	vld.idx.msk [tilespmem:v12+s5+$0x0], $0xffff;
	v9 =	vsub.f32 v9, v17;
	v17 =	vand.u32 $0x7FFFFF, v24  }
0x1b6: {  	v7 =	vadd.f32 v7, v6;
	v33 =	vand.u32 $0xFFFFFFF0, v51;
	v27 =	vld.idx.msk [tilespmem:v18+s0+$0x0], $0xffff;
	v17 =	vor.u32 $0x3F800000, v17  }
0x1b7: {  	v19 =	vsub.f32 v19, v21;
	v21 =	vshra.s32 v23, $0x2;
	v18 =	vld.idx.msk [tilespmem:v18+s5+$0x0], $0xffff;
	v50 =	vmul.f32 $5.000000000e-01, v17  }
0x1b8: {  	v21 =	vand.u32 $0xFFFFFFF0, v21;
	v20 =	vshrl.u32 v23, $0x2;
	v15 =	vld.idx.msk [tilespmem:v14+s0+$0x0], $0xffff;
	vm0 =	vgt.f32 v17, $1.414213540e+00  }
0x1b9: {  	v13 =	vsub.f32 v49, v22;
	v14 =	vld.idx.msk [tilespmem:v14+s5+$0x0], $0xffff;
	v22 =	vshrl.u32 v29, $0x2;
	v17 =	vsel vm0, v50, v17  }
0x1ba: {  	v9 =	vmul.f32 v9, v9;
	v22 =	vand.u32 $0xF, v22;
	v32 =	vadd.f32 $-1.000000000e+00, v17  }
0x1bb: {  	v52 =	vld.idx.msk [tilespmem:v16+s0+$0x0], $0xffff;
	v20 =	vand.u32 $0xF, v20;
	v22 =	vor.u32 v22, v33;
	v13 =	vmul.f32 v13, v13  }
0x1bc: {  	v16 =	vld.idx.msk [tilespmem:v16+s5+$0x0], $0xffff;
	v6 =	vsub.f32 v31, v12;
	v17 =	vor.u32 v20, v21;
	v12 =	vmul.f32 $1.424932330e-01, v32  }
0x1bd: {  	v19 =	vmul.f32 v19, v19;
	v9 =	vadd.f32 v9, v13;
	v13 =	vsub.f32 v27, v18  }
0x1be: {  	v11 =	vor.u32 v25, v11;
	v14 =	vsub.f32 v15, v14;
	v12 =	vadd.f32 $-1.666805740e-01, v12  }
0x1bf: {  	s17 =	simm.s32 $0x10;
	v6 =	vmul.f32 v6, v6;
	v9 =	vadd.f32 v19, v9;
	v27 =	vmul.f32 v13, v13  }
0x1c0: {  	v13 =	vmov s17;
	v15 =	vld.idx.msk [tilespmem:v22+s20+$0x0], $0xffff;
	v18 =	vmul.f32 v14, v14;
	v12 =	vmul.f32 v12, v32  }
0x1c1: {  	v14 =	vsub.f32 v52, v16;
	v6 =	vadd.f32 v6, v9;
	v9 =	vshll.u32 v13, $0x3;
	v16 =	vld.idx.msk [tilespmem:v17+s20+$0x0], $0xffff  }
0x1c2: {  	v13 =	vshll.u32 v29, $0x3;
	v9 =	vor.u32 v3, v9;
	v12 =	vadd.f32 $2.000071410e-01, v12  }
0x1c3: {  	v57 =	vmul.f32 v32, v32;
	v13 =	vand.u32 $0x18, v13;
	v54 =	vor.u32 $0x1, v9  }
0x1c4: {  	v55 =	vor.u32 $0x2, v9;
	v17 =	vshll.u32 v23, $0x3;
	v12 =	vmul.f32 v12, v32  }
0x1c5: {  	v17 =	vand.u32 $0x18, v17;
	v23 =	vshra.s32 v15, v13;
	v13 =	vor.u32 $0x7, v9  }
0x1c6: {  	v25 =	vld.idx.msk [tilespmem:v26+s0+$0x0], $0xffff;
	v31 =	vand.u32 $0x7, v23;
	v29 =	vshra.s32 v16, v17;
	v12 =	vadd.f32 $-2.499999400e-01, v12  }
0x1c7: {  	v22 =	vor.u32 $0x3, v9;
	v16 =	vld.idx.msk [tilespmem:v26+s5+$0x0], $0xffff;
	v26 =	vor.u32 v9, v31;
	v53 =	vand.u32 $0x7, v29  }
0x1c8: {  	v18 =	vadd.f32 v18, v6;
	v19 =	vld.idx.msk [tilespmem:v9+s0+$0x0], $0xffff;
	v56 =	vor.u32 v9, v53;
	v12 =	vmul.f32 v12, v32  }
0x1c9: {  	v20 =	vor.u32 $0x4, v9;
	v58 =	vmul.f32 v57, v32;
	v6 =	vadd.s32 v30, v11;
	v21 =	vld.idx.msk [tilespmem:v9+s5+$0x0], $0xffff  }
0x1ca: {  	v11 =	vsel vm0, $0xFFFFFF82, v2;
	v18 =	vadd.f32 v27, v18;
	v27 =	vld.idx.msk [tilespmem:v55+s0+$0x0], $0xffff;
	v12 =	vadd.f32 $3.333333130e-01, v12  }
0x1cb: {  	v60 =	vmul.f32 $5.000000000e-01, v57;
	v15 =	vor.u32 $0x6, v9;
	v17 =	vor.u32 $0x5, v9;
	v9 =	vld.idx.msk [tilespmem:v13+s31+$0x0], $0xffff  }
0x1cc: {  	v59 =	vld.idx.msk [tilespmem:v26+s31+$0x0], $0xffff;
	v16 =	vsub.f32 v25, v16;
	v25 =	vshra.s32 v24, $0x17;
	v12 =	vmul.f32 v12, v58  }
0x1cd: {  	v10 =	vadd.f32 v10, v28;
	v14 =	vmul.f32 v14, v14;
	v11 =	vadd.s32 v25, v11;
	v30 =	vld.idx.msk [tilespmem:v56+s31+$0x0], $0xffff  }
0x1ce: {  	v28 =	vshrl.u32 v29, $0x3;
	v29 =	vld.idx.msk [tilespmem:v55+s5+$0x0], $0xffff;
	v25 =	vcvt.s32.f32 v11;
	v12 =	vsub.f32 v12, v60  }
0x1cf: {  	vm0 =	veq.s32 v53, v31;
	v24 =	vld.idx.msk [tilespmem:v54+s0+$0x0], $0xffff;
	v16 =	vmul.f32 v16, v16;
	v11 =	vshrl.u32 v23, $0x3  }
0x1d0: {  	s16 =	simm.s32 $0x660;
	v26 =	vld.idx.msk [tilespmem:v54+s5+$0x0], $0xffff;
	v11 =	vand.u32 $0x1, v11;
	v61 =	vmul.f32 $6.931471820e-01, v25;
	v31 =	vadd.f32 v12, v32  }
0x1d1: {  	s17 =	simm.s32 $0x980;
	v23 =	vld [tilespmem:s16+$0x0];
	v62 =	vand.u32 v28, v11;
	vm3 =	veq.s32 v11, $0x0;
	v63 =	vadd.f32 v59, v9  }
0x1d2: {  	v25 =	vld [tilespmem:s17+$0x0];
	v12 =	vand.u32 $0x1, v28;
	v32 =	vadd.f32 v30, v9;
	v31 =	vadd.f32 v31, v61  }
0x1d3: {  	s6 =	simm.s32 $0x30;
	s13 =	simm.s32 $0x20;
	vm1 =	veq.s32 v62, $0x0;
	v28 =	vld.idx.msk [tilespmem:v22+s0+$0x0], $0xffff;
	v33 =	vsel vm3, $0x3F800000, v63;
	vm2 =	veq.s32 v12, $0x0  }
.LBB2_7:
0x1d4: {  	p0 =	sne.s32 s6, $0x310;
	v22 =	vld.idx.msk [tilespmem:v22+s5+$0x0], $0xffff;
	v30 =	vsel vm0, v30, v9;
	v32 =	vsel vm2, v33, v32;
	v8 =	vadd.f32 v31, v8  }
0x1d5: {  	v19 =	vsub.f32 v19, v21;
	v21 =	vsub.f32 v24, v26;
	v24 =	vld.idx.msk [tilespmem:v20+s0+$0x0], $0xffff;
	v26 =	vsel vm1, v32, v30  }
0x1d6: {  	v27 =	vsub.f32 v27, v29;
	v30 =	vshrl.u32 v23, $0x2;
	v20 =	vld.idx.msk [tilespmem:v20+s5+$0x0], $0xffff;
	v29 =	vand.u32 $0x7FFFFF, v26  }
0x1d7: {  	v31 =	vshra.s32 v23, $0x2;
	v32 =	vshrl.u32 v25, $0x2;
	v33 =	vld.idx.msk [tilespmem:v17+s0+$0x0], $0xffff;
	v29 =	vor.u32 $0x3F800000, v29  }
0x1d8: {  	v31 =	vand.u32 $0xFFFFFFF0, v31;
	v34 =	vshra.s32 v25, $0x2;
	v17 =	vld.idx.msk [tilespmem:v17+s5+$0x0], $0xffff;
	v35 =	vmul.f32 $5.000000000e-01, v29  }
0x1d9: {  	v34 =	vand.u32 $0xFFFFFFF0, v34;
	v32 =	vand.u32 $0xF, v32;
	vm0 =	vgt.f32 v29, $1.414213540e+00;
	v36 =	vld.idx.msk [tilespmem:v15+s0+$0x0], $0xffff  }
0x1da: {  	v30 =	vand.u32 $0xF, v30;
	v32 =	vor.u32 v32, v34;
	v15 =	vld.idx.msk [tilespmem:v15+s5+$0x0], $0xffff;
	v29 =	vsel vm0, v35, v29  }
0x1db: {  	v21 =	vmul.f32 v21, v21;
	v30 =	vor.u32 v30, v31;
	v31 =	vld.idx.msk [tilespmem:v13+s0+$0x0], $0xffff;
	v34 =	vadd.f32 $-1.000000000e+00, v29  }
0x1dc: {  	v19 =	vmul.f32 v19, v19;
	v27 =	vmul.f32 v27, v27;
	v22 =	vsub.f32 v28, v22;
	v28 =	vld.idx.msk [tilespmem:v13+s5+$0x0], $0xffff  }
0x1dd: {  	v14 =	vadd.f32 v14, v18;
	v13 =	vsub.f32 v24, v20;
	v20 =	vmul.f32 $1.424932330e-01, v34  }
0x1de: {  	v18 =	vadd.f32 v21, v19;
	v19 =	vmul.f32 v22, v22;
	v17 =	vsub.f32 v33, v17  }
0x1df: {  	v14 =	vadd.f32 v16, v14;
	v24 =	vmul.f32 v13, v13;
	v21 =	vld.idx.msk [tilespmem:v32+s20+$0x0], $0xffff;
	v13 =	vadd.f32 $-1.666805740e-01, v20  }
0x1e0: {  	v18 =	vadd.f32 v27, v18;
	v27 =	vmul.f32 v17, v17;
	v15 =	vsub.f32 v36, v15;
	v16 =	vld.idx.msk [tilespmem:v30+s20+$0x0], $0xffff  }
0x1e1: {  	v11 =	vor.u32 v12, v11;
	v7 =	vadd.f32 v14, v7;
	v12 =	vmul.f32 v13, v34  }
0x1e2: {  	v18 =	vadd.f32 v19, v18;
	v13 =	vmov s13;
	v14 =	vmul.f32 v15, v15;
	s13 =	smov.u32 s6  }
0x1e3: {  	v15 =	vshll.u32 v25, $0x3;
	v13 =	vshll.u32 v13, $0x3;
	v12 =	vadd.f32 $2.000071410e-01, v12  }
0x1e4: {  	v15 =	vand.u32 $0x18, v15;
	v25 =	vor.u32 v3, v13;
	v13 =	vshll.u32 v23, $0x3  }
0x1e5: {  	v17 =	vand.u32 $0x18, v13;
	v23 =	vshra.s32 v21, v15;
	v12 =	vmul.f32 v12, v34  }
0x1e6: {  	v13 =	vor.u32 $0x7, v25;
	v29 =	vshra.s32 v16, v17;
	v32 =	vand.u32 $0x7, v23  }
0x1e7: {  	v33 =	vand.u32 $0x7, v29;
	v16 =	vor.u32 v25, v32;
	v12 =	vadd.f32 $-2.499999400e-01, v12  }
0x1e8: {  	v35 =	vor.u32 $0x1, v25;
	v36 =	vor.u32 $0x2, v25;
	v30 =	vor.u32 v25, v33  }
0x1e9: {  	v37 =	vmul.f32 v34, v34;
	v22 =	vor.u32 $0x3, v25;
	v19 =	vld.idx.msk [tilespmem:v25+s0+$0x0], $0xffff;
	v12 =	vmul.f32 v12, v34  }
0x1ea: {  	v20 =	vor.u32 $0x4, v25;
	v15 =	vor.u32 $0x6, v25;
	v17 =	vor.u32 $0x5, v25;
	v21 =	vld.idx.msk [tilespmem:v25+s5+$0x0], $0xffff  }
0x1eb: {  	v18 =	vadd.f32 v24, v18;
	v24 =	vmul.f32 v37, v34;
	v25 =	vld.idx.msk [tilespmem:v13+s31+$0x0], $0xffff;
	v12 =	vadd.f32 $3.333333130e-01, v12  }
0x1ec: {  	v6 =	vadd.s32 v6, v11;
	v26 =	vshra.s32 v26, $0x17;
	v38 =	vld.idx.msk [tilespmem:v16+s31+$0x0], $0xffff;
	v16 =	vsub.f32 v31, v28  }
0x1ed: {  	v11 =	vsel vm0, $0xFFFFFF82, v2;
	v28 =	vmul.f32 $5.000000000e-01, v37;
	v30 =	vld.idx.msk [tilespmem:v30+s31+$0x0], $0xffff;
	v12 =	vmul.f32 v12, v24  }
0x1ee: {  	v11 =	vadd.s32 v26, v11;
	v18 =	vadd.f32 v27, v18;
	v24 =	vld.idx.msk [tilespmem:v35+s0+$0x0], $0xffff;
	v16 =	vmul.f32 v16, v16  }
0x1ef: {  	v10 =	vadd.f32 v9, v10;
	v26 =	vld.idx.msk [tilespmem:v35+s5+$0x0], $0xffff;
	v12 =	vsub.f32 v12, v28;
	v28 =	vcvt.s32.f32 v11  }
.Ltmp2:
0x1f0: {  	v23 =	vshrl.u32 v23, $0x3;
	vm0 =	veq.s32 v33, v32;
	v31 =	vshrl.u32 v29, $0x3;
	v27 =	vld.idx.msk [tilespmem:v36+s0+$0x0], $0xffff;
	(pc) =	sbr.rel @p0 .LBB2_7-.Ltmp2, $4  }
0x1f1: {  	s16 =	sadd.s32 $0x10, s16;
	v11 =	vand.u32 $0x1, v23;
	v9 =	vmovc v25;
	v29 =	vld.idx.msk [tilespmem:v36+s5+$0x0], $0xffff;
	v33 =	vadd.f32 v12, v34;
	v28 =	vmul.f32 $6.931471820e-01, v28  }
0x1f2: {  	s17 =	sadd.s32 $0x10, s17;
	v12 =	vand.u32 $0x1, v31;
	v34 =	vand.u32 v31, v11;
	v35 =	vadd.f32 v38, v9;
	v23 =	vld [tilespmem:s16+$0x0]  }
0x1f3: {  	vm3 =	veq.s32 v11, $0x0;
	v32 =	vadd.f32 v30, v9;
	v25 =	vld [tilespmem:s17+$0x0];
	v31 =	vadd.f32 v33, v28  }
0x1f4: {  	s6 =	sadd.s32 $0x10, s6;
	vm2 =	veq.s32 v12, $0x0;
	vm1 =	veq.s32 v34, $0x0;
	v33 =	vsel vm3, $0x3F800000, v35;
	v28 =	vld.idx.msk [tilespmem:v22+s0+$0x0], $0xffff  }
0x1f5: {  	_ =	sdelay $0x2  }
0x1f6: {  	v34 =	vshrl.u32 v23, $0x2;
	v35 =	vshrl.u32 v25, $0x2;
	v36 =	vshra.s32 v25, $0x2  }
0x1f7: {  	v37 =	vshra.s32 v23, $0x2;
	v36 =	vand.u32 $0xFFFFFFF0, v36;
	v35 =	vand.u32 $0xF, v35  }
0x1f8: {  	v37 =	vand.u32 $0xFFFFFFF0, v37;
	v34 =	vand.u32 $0xF, v34;
	v35 =	vor.u32 v35, v36  }
0x1f9: {  	v34 =	vor.u32 v34, v37;
	_ =	sdelay $0x3  }
0x1fa: {  	v49 =	vld.idx.msk [tilespmem:v35+s20+$0x0], $0xffff  }
0x1fb: {  	v50 =	vld.idx.msk [tilespmem:v34+s20+$0x0], $0xffff  }
0x1fc: {  	v30 =	vsel vm0, v30, v9;
	v32 =	vsel vm2, v33, v32  }
0x1fd: {  	v52 =	vmov s13;
	v30 =	vsel vm1, v32, v30;
	v53 =	vshll.u32 v25, $0x3  }
0x1fe: {  	v54 =	vshll.u32 v23, $0x3;
	v25 =	vand.u32 $0x18, v53;
	v35 =	vshll.u32 v52, $0x3  }
0x1ff: {  	v23 =	vand.u32 $0x18, v54;
	v35 =	vor.u32 v3, v35;
	v25 =	vshra.s32 v49, v25  }
0x200: {  	v33 =	vor.u32 $0x7, v35;
	v23 =	vshra.s32 v50, v23;
	v55 =	vand.u32 $0x7, v25  }
0x201: {  	v51 =	vand.u32 $0x7FFFFF, v30;
	v57 =	vand.u32 $0x7, v23;
	v38 =	vor.u32 v35, v55  }
0x202: {  	v39 =	vld.idx.msk [tilespmem:v20+s0+$0x0], $0xffff;
	v34 =	vor.u32 $0x3F800000, v51;
	v40 =	vor.u32 v35, v57  }
0x203: {  	v58 =	vld.idx.msk [tilespmem:v20+s5+$0x0], $0xffff;
	v56 =	vmul.f32 $5.000000000e-01, v34  }
0x204: {  	vm11 =	vgt.f32 v34, $1.414213540e+00  }
0x205: {  	v21 =	vsub.f32 v19, v21;
	v24 =	vsub.f32 v24, v26;
	v34 =	vsel vm11, v56, v34;
	v19 =	vld.idx.msk [tilespmem:v33+s31+$0x0], $0xffff  }
0x206: {  	v8 =	vadd.f32 v31, v8;
	v34 =	vadd.f32 $-1.000000000e+00, v34;
	v61 =	vld.idx.msk [tilespmem:v38+s31+$0x0], $0xffff  }
0x207: {  	v14 =	vadd.f32 v14, v18;
	v24 =	vmul.f32 v24, v24;
	v21 =	vmul.f32 v21, v21;
	v62 =	vld.idx.msk [tilespmem:v40+s31+$0x0], $0xffff  }
0x208: {  	v59 =	vsub.f32 v27, v29;
	v20 =	vsub.f32 v39, v58;
	v60 =	vmul.f32 $1.424932330e-01, v34  }
0x209: {  	v36 =	vadd.f32 v24, v21;
	v47 =	vor.u32 $0x1, v35;
	v41 =	vshrl.u32 v25, $0x3  }
0x20a: {  	v22 =	vld.idx.msk [tilespmem:v22+s5+$0x0], $0xffff;
	v23 =	vshrl.u32 v23, $0x3;
	v27 =	vadd.f32 $-1.666805740e-01, v60;
	v24 =	vand.u32 $0x1, v41  }
0x20b: {  	v63 =	vld.idx.msk [tilespmem:v17+s0+$0x0], $0xffff;
	vm12 =	veq.s32 v57, v55;
	vm13 =	veq.s32 v24, $0x0;
	v42 =	vadd.f32 v61, v19  }
0x20c: {  	v45 =	vld.idx.msk [tilespmem:v15+s0+$0x0], $0xffff;
	v40 =	vmul.f32 v27, v34;
	v27 =	vand.u32 $0x1, v23;
	v43 =	vadd.f32 v62, v19  }
0x20d: {  	v46 =	vld.idx.msk [tilespmem:v15+s5+$0x0], $0xffff;
	v23 =	vand.u32 v23, v24;
	vm3 =	veq.s32 v27, $0x0;
	v25 =	vsel vm13, $0x3F800000, v42  }
0x20e: {  	v39 =	vld.idx.msk [tilespmem:v17+s5+$0x0], $0xffff;
	vm14 =	veq.s32 v23, $0x0;
	v44 =	vsel vm12, v62, v19;
	v25 =	vsel vm3, v25, v43  }
0x20f: {  	v9 =	vadd.f32 v9, v10;
	v26 =	vmul.f32 v59, v59;
	v52 =	vld.idx.msk [tilespmem:v13+s5+$0x0], $0xffff;
	v23 =	vsel vm14, v25, v44  }
0x210: {  	v22 =	vsub.f32 v28, v22;
	v59 =	vor.u32 $0x4, v35;
	v49 =	vld.idx.msk [tilespmem:v13+s0+$0x0], $0xffff;
	v48 =	vand.u32 $0x7FFFFF, v23  }
0x211: {  	v14 =	vadd.f32 v16, v14;
	v30 =	vshra.s32 v30, $0x17;
	v54 =	vld.idx.msk [tilespmem:v35+s0+$0x0], $0xffff;
	v51 =	vor.u32 $0x3F800000, v48  }
0x212: {  	v56 =	vld.idx.msk [tilespmem:v35+s5+$0x0], $0xffff;
	v38 =	vmul.f32 v22, v22;
	v22 =	vadd.f32 $2.000071410e-01, v40;
	v29 =	vmul.f32 $5.000000000e-01, v51  }
0x213: {  	v15 =	vsub.f32 v45, v46;
	v17 =	vsub.f32 v63, v39;
	v58 =	vld.idx.msk [tilespmem:v47+s0+$0x0], $0xffff;
	vm15 =	vgt.f32 v51, $1.414213540e+00  }
0x214: {  	v53 =	vor.u32 $0x2, v35;
	v60 =	vld.idx.msk [tilespmem:v47+s5+$0x0], $0xffff;
	v50 =	vmul.f32 v22, v34;
	v22 =	vsel vm15, v29, v51  }
0x215: {  	v7 =	vadd.f32 v14, v7;
	v20 =	vmul.f32 v20, v20;
	v47 =	vld.idx.msk [tilespmem:v59+s0+$0x0], $0xffff;
	v22 =	vadd.f32 $-1.000000000e+00, v22  }
0x216: {  	v18 =	vadd.f32 v26, v36;
	v15 =	vmul.f32 v15, v15;
	v17 =	vmul.f32 v17, v17;
	v28 =	vld.idx.msk [tilespmem:v59+s5+$0x0], $0xffff  }
0x217: {  	v46 =	vor.u32 $0x6, v35;
	v55 =	vor.u32 $0x3, v35;
	v63 =	vmul.f32 $1.424932330e-01, v22  }
0x218: {  	v57 =	vmul.f32 v34, v34;
	v13 =	vsub.f32 v49, v52;
	v18 =	vadd.f32 v38, v18  }
0x219: {  	v26 =	vld.idx.msk [tilespmem:v53+s5+$0x0], $0xffff;
	v45 =	vsub.f32 v54, v56;
	v42 =	vor.u32 $0x5, v35;
	v44 =	vadd.f32 $-1.666805740e-01, v63  }
0x21a: {  	v13 =	vmul.f32 v13, v13;
	v18 =	vadd.f32 v20, v18;
	v62 =	vld.idx.msk [tilespmem:v53+s0+$0x0], $0xffff;
	v20 =	vsub.f32 v58, v60  }
0x21b: {  	v28 =	vsub.f32 v47, v28;
	v16 =	vadd.f32 $-2.499999400e-01, v50;
	v25 =	vmul.f32 v44, v22  }
0x21c: {  	v21 =	vld.idx.msk [tilespmem:v55+s5+$0x0], $0xffff;
	v31 =	vmul.f32 v45, v45;
	v17 =	vadd.f32 v17, v18;
	v20 =	vmul.f32 v20, v20  }
0x21d: {  	v56 =	vmul.f32 v28, v28;
	v16 =	vmul.f32 v16, v34;
	v43 =	vld.idx.msk [tilespmem:v55+s0+$0x0], $0xffff;
	v25 =	vadd.f32 $2.000071410e-01, v25  }
0x21e: {  	v61 =	vmul.f32 v57, v34;
	v20 =	vadd.f32 v20, v31;
	v15 =	vadd.f32 v15, v17;
	v49 =	vld.idx.msk [tilespmem:v42+s0+$0x0], $0xffff  }
0x21f: {  	v16 =	vadd.f32 $3.333333130e-01, v16;
	v26 =	vsub.f32 v62, v26;
	v14 =	vld.idx.msk [tilespmem:v42+s5+$0x0], $0xffff;
	v10 =	vmul.f32 v25, v22  }
0x220: {  	v58 =	vshra.s32 v23, $0x17;
	v13 =	vadd.f32 v13, v15;
	v48 =	vsel vm11, $0xFFFFFF82, v2  }
0x221: {  	v26 =	vmul.f32 v26, v26;
	v30 =	vadd.s32 v30, v48;
	v10 =	vadd.f32 $-2.499999400e-01, v10  }
0x222: {  	v52 =	vld.idx.msk [tilespmem:v46+s5+$0x0], $0xffff;
	v16 =	vmul.f32 v16, v61;
	v30 =	vcvt.s32.f32 v30;
	v18 =	vsub.f32 v43, v21  }
0x223: {  	v50 =	vld.idx.msk [tilespmem:v46+s0+$0x0], $0xffff;
	v20 =	vadd.f32 v26, v20;
	v55 =	vmul.f32 v22, v22;
	v10 =	vmul.f32 v10, v22  }
0x224: {  	v54 =	vld.idx.msk [tilespmem:v33+s5+$0x0], $0xffff;
	v59 =	vsel vm15, $0xFFFFFF82, v2;
	v18 =	vmul.f32 v18, v18;
	v14 =	vsub.f32 v49, v14  }
0x225: {  	v53 =	vld.idx.msk [tilespmem:v33+s0+$0x0], $0xffff;
	v29 =	vmul.f32 $5.000000000e-01, v57;
	v57 =	vmul.f32 v55, v22;
	v10 =	vadd.f32 $3.333333130e-01, v10  }
0x226: {  	v51 =	vmul.f32 $6.931471820e-01, v30;
	v18 =	vadd.f32 v18, v20;
	v14 =	vmul.f32 v14, v14  }
0x227: {  	v16 =	vsub.f32 v16, v29;
	v60 =	vmul.f32 $5.000000000e-01, v55;
	v10 =	vmul.f32 v10, v57  }
0x228: {  	v17 =	vadd.f32 v56, v18;
	v18 =	vadd.s32 v58, v59;
	v25 =	vsub.f32 v50, v52  }
0x229: {  	v16 =	vadd.f32 v16, v34;
	v61 =	vcvt.s32.f32 v18;
	v10 =	vsub.f32 v10, v60  }
0x22a: {  	v26 =	vsub.f32 v53, v54;
	v14 =	vadd.f32 v14, v17;
	v25 =	vmul.f32 v25, v25  }
0x22b: {  	p0 =	seq.s32 s11, $0x3D;
	v16 =	vadd.f32 v16, v51;
	v17 =	vmul.f32 $6.931471820e-01, v61;
	v10 =	vadd.f32 v10, v22  }
.Ltmp3:
0x22c: {  	v13 =	vadd.f32 v13, v7;
	v62 =	vmul.f32 v26, v26;
	v14 =	vadd.f32 v25, v14;
	(pc) =	sbr.rel @p0 .LBB2_10-.Ltmp3, $4  }
0x22d: {  	v7 =	vor.u32 v12, v11;
	v16 =	vadd.f32 v16, v8;
	v11 =	vadd.f32 v10, v17  }
0x22e: {  	v6 =	vadd.s32 v6, v7;
	v7 =	vor.u32 v27, v24;
	v63 =	vadd.f32 v62, v14  }
0x22f: {  	v8 =	vadd.s32 v6, v7;
	v7 =	vadd.f32 v11, v16  }
0x230: {  	v6 =	vadd.f32 v63, v13;
	v10 =	vadd.f32 v19, v9  }
0x231: {  	s6 =	sadd.s32 s12, s15  }
0x232: {  	s12 =	sshrl.u32 s6, $0x3  }
0x233: {  	s12 =	sadd.s32 s4, s12  }
0x234: {  	[tilespmem:s29], [sflag:$0x2] =	stream.linear.gather [hbm4b:s12+s2], $0x320, $0x38;
	[tilespmem:$0x166E0] =	vst v63  }
.Ltmp4:
0x235: {  	_ = 	snop;
	(pc) =	sbr.rel .LBB2_4-.Ltmp4, $4  }
0x236: {  	s12 =	sadd.s32 $0x61A80, s12  }
0x237: {  	[tilespmem:s30], [sflag:$0x2] =	stream.linear.gather [hbm4b:s12+s2], $0x320, $0x38;
	[tilespmem:$0x166E0] =	vst v63  }
0x238: {  	s11 =	sadd.s32 $0x1, s11;
	s6 =	sadd.s32 s3, s6  }
0x239: {  	[tilespmem:s31], [sflag:$0x2] =	stream.linear.gather [hbm4b:s6+s2], $0x1900, $0x38;
	[tilespmem:$0x166E0] =	vst v63  }
.LBB2_10:
0x23a: {  	_ =	swait.ge [sflag:s8], $0x1900  }
0x23b: {  	[sflag:s8] =	ssyncset.done $0x0  }
0x23c: {  	[sflag:s8] =	ssyncadd.s32 $0xFFFFE700  }
0x23d: {  	_ =	swait.ge [sflag:s8], $0x1900  }
0x23e: {  	[sflag:s8] =	ssyncset.done $0x0  }
0x23f: {  	s6 =	simm.s32 $0x0;
	[sflag:s8] =	ssyncadd.s32 $0xFFFFE700  }
0x240: {  	s10 =	simm.s32 $0x320;
	v9 =	vld [tilespmem:s6+$0x0]  }
0x241: {  	v11 =	vld [tilespmem:s10+$0x0];
	_ =	sdelay $0x4  }
0x242: {  	v12 =	vshrl.u32 v9, $0x2;
	v13 =	vshrl.u32 v11, $0x2;
	v14 =	vshra.s32 v11, $0x2  }
0x243: {  	v15 =	vshra.s32 v9, $0x2;
	v14 =	vand.u32 $0xFFFFFFF0, v14;
	v13 =	vand.u32 $0xF, v13  }
0x244: {  	v15 =	vand.u32 $0xFFFFFFF0, v15;
	v12 =	vand.u32 $0xF, v12;
	v13 =	vor.u32 v13, v14  }
0x245: {  	v12 =	vor.u32 v12, v15;
	_ =	sdelay $0x3  }
0x246: {  	v13 =	vld.idx.msk [tilespmem:v13+s20+$0x0], $0xffff  }
0x247: {  	v12 =	vld.idx.msk [tilespmem:v12+s20+$0x0], $0xffff;
	_ =	sdelay $0x1  }
0x248: {  	v11 =	vshll.u32 v11, $0x3;
	v14 =	vmov s6  }
0x249: {  	v9 =	vshll.u32 v9, $0x3;
	v11 =	vand.u32 $0x18, v11;
	v14 =	vshll.u32 v14, $0x3  }
0x24a: {  	v9 =	vand.u32 $0x18, v9;
	v14 =	vor.u32 v3, v14;
	v11 =	vshra.s32 v13, v11  }
0x24b: {  	v15 =	vor.u32 $0x7, v14;
	v9 =	vshra.s32 v12, v9;
	v12 =	vand.u32 $0x7, v11  }
0x24c: {  	v13 =	vand.u32 $0x7, v9;
	v16 =	vor.u32 v14, v12  }
0x24d: {  	s17 =	simm.s32 $0x330;
	v17 =	vor.u32 v14, v13  }
0x24e: {  	v29 =	vld [tilespmem:s17+$0x0]  }
0x24f: {  	v18 =	vor.u32 $0x1, v14;
	v19 =	vld.idx.msk [tilespmem:v14+s25+$0x0], $0xffff  }
0x250: {  	v21 =	vor.u32 $0x2, v14;
	v23 =	vld.idx.msk [tilespmem:v15+s19+$0x0], $0xffff  }
0x251: {  	v16 =	vld.idx.msk [tilespmem:v16+s19+$0x0], $0xffff  }
0x252: {  	v17 =	vld.idx.msk [tilespmem:v17+s19+$0x0], $0xffff  }
0x253: {  	v24 =	vor.u32 $0x3, v14;
	v20 =	vld.idx.msk [tilespmem:v14+s26+$0x0], $0xffff  }
0x254: {  	v25 =	vor.u32 $0x4, v14;
	v26 =	vor.u32 $0x5, v14;
	v22 =	vld.idx.msk [tilespmem:v18+s25+$0x0], $0xffff  }
0x255: {  	v27 =	vld.idx.msk [tilespmem:v21+s25+$0x0], $0xffff;
	v9 =	vshrl.u32 v9, $0x3;
	v11 =	vshrl.u32 v11, $0x3;
	vm0 =	veq.s32 v13, v12  }
0x256: {  	v12 =	vld.idx.msk [tilespmem:v21+s26+$0x0], $0xffff;
	v11 =	vand.u32 $0x1, v11;
	v21 =	vand.u32 $0x1, v9;
	v13 =	vadd.f32 v16, v23  }
0x257: {  	v18 =	vld.idx.msk [tilespmem:v18+s26+$0x0], $0xffff;
	v14 =	vor.u32 $0x6, v14;
	vm1 =	veq.s32 v11, $0x0;
	v28 =	vadd.f32 v17, v23  }
0x258: {  	s16 =	simm.s32 $0x10;
	v30 =	vld.idx.msk [tilespmem:v24+s25+$0x0], $0xffff;
	v9 =	vand.u32 v9, v11;
	vm2 =	veq.s32 v21, $0x0;
	v13 =	vsel vm1, $0x3F800000, v13  }
0x259: {  	v16 =	vld [tilespmem:s16+$0x0];
	vm1 =	veq.s32 v9, $0x0;
	v9 =	vsel vm0, v17, v23;
	v13 =	vsel vm2, v13, v28  }
0x25a: {  	v32 =	vshra.s32 v29, $0x2;
	v17 =	vld.idx.msk [tilespmem:v24+s26+$0x0], $0xffff;
	v24 =	vsel vm1, v13, v9  }
0x25b: {  	v32 =	vand.u32 $0xFFFFFFF0, v32;
	v9 =	vsub.f32 v19, v20;
	v19 =	vand.u32 $0x7FFFFF, v24  }
0x25c: {  	v11 =	vor.u32 v21, v11;
	v10 =	vadd.f32 v23, v10;
	v33 =	vld.idx.msk [tilespmem:v14+s25+$0x0], $0xffff;
	v19 =	vor.u32 $0x3F800000, v19  }
0x25d: {  	v12 =	vsub.f32 v27, v12;
	v27 =	vshrl.u32 v29, $0x2;
	v28 =	vld.idx.msk [tilespmem:v26+s25+$0x0], $0xffff;
	v31 =	vmul.f32 $5.000000000e-01, v19  }
0x25e: {  	v27 =	vand.u32 $0xF, v27;
	v13 =	vsub.f32 v22, v18;
	v18 =	vld.idx.msk [tilespmem:v25+s25+$0x0], $0xffff;
	vm0 =	vgt.f32 v19, $1.414213540e+00  }
0x25f: {  	v27 =	vor.u32 v27, v32;
	v22 =	vld.idx.msk [tilespmem:v25+s26+$0x0], $0xffff;
	v25 =	vshra.s32 v16, $0x2;
	v19 =	vsel vm0, v31, v19  }
0x260: {  	v26 =	vld.idx.msk [tilespmem:v26+s26+$0x0], $0xffff;
	v20 =	vshrl.u32 v16, $0x2;
	v25 =	vand.u32 $0xFFFFFFF0, v25;
	v31 =	vadd.f32 $-1.000000000e+00, v19  }
0x261: {  	v14 =	vld.idx.msk [tilespmem:v14+s26+$0x0], $0xffff;
	v20 =	vand.u32 $0xF, v20;
	v13 =	vmul.f32 v13, v13;
	v9 =	vmul.f32 v9, v9  }
0x262: {  	v8 =	vadd.s32 v8, v11;
	v19 =	vor.u32 v20, v25;
	v20 =	vmul.f32 $1.424932330e-01, v31  }
0x263: {  	v12 =	vmul.f32 v12, v12;
	v17 =	vsub.f32 v30, v17;
	v9 =	vadd.f32 v13, v9  }
0x264: {  	v16 =	vshll.u32 v16, $0x3;
	v18 =	vsub.f32 v18, v22;
	v20 =	vadd.f32 $-1.666805740e-01, v20  }
0x265: {  	v13 =	vmul.f32 v17, v17;
	v17 =	vsub.f32 v28, v26;
	v22 =	vld.idx.msk [tilespmem:v27+s20+$0x0], $0xffff;
	v9 =	vadd.f32 v12, v9  }
0x266: {  	v16 =	vand.u32 $0x18, v16;
	v12 =	vsub.f32 v33, v14;
	v14 =	vmul.f32 v20, v31  }
0x267: {  	v25 =	vmul.f32 v17, v17;
	v17 =	vmov s16;
	v26 =	vadd.f32 v13, v9;
	v19 =	vld.idx.msk [tilespmem:v19+s20+$0x0], $0xffff  }
0x268: {  	v13 =	vmul.f32 v12, v12;
	v12 =	vshll.u32 v29, $0x3;
	v14 =	vadd.f32 $2.000071410e-01, v14  }
0x269: {  	v11 =	vsel vm0, $0xFFFFFF82, v2;
	v9 =	vshll.u32 v17, $0x3;
	v12 =	vand.u32 $0x18, v12  }
0x26a: {  	v27 =	vld.idx.msk [tilespmem:v15+s25+$0x0], $0xffff;
	v9 =	vor.u32 v3, v9;
	v12 =	vshra.s32 v22, v12;
	v17 =	vmul.f32 v14, v31  }
0x26b: {  	v15 =	vld.idx.msk [tilespmem:v15+s26+$0x0], $0xffff;
	v18 =	vmul.f32 v18, v18;
	v36 =	vmul.f32 v31, v31;
	v29 =	vand.u32 $0x7, v12  }
0x26c: {  	v30 =	vor.u32 v9, v29;
	v28 =	vshra.s32 v19, v16;
	v16 =	vadd.f32 $-2.499999400e-01, v17  }
0x26d: {  	s10 =	simm.s32 $0x20;
	v58 =	vor.u32 $0x1, v9;
	v14 =	vor.u32 $0x7, v9;
	v57 =	vand.u32 $0x7, v28  }
0x26e: {  	v23 =	vld [tilespmem:s10+$0x0];
	v34 =	vor.u32 $0x2, v9;
	v35 =	vor.u32 v9, v57;
	v37 =	vmul.f32 v16, v31  }
0x26f: {  	v22 =	vor.u32 $0x3, v9;
	v18 =	vadd.f32 v18, v26;
	v59 =	vmul.f32 v36, v31;
	v21 =	vld.idx.msk [tilespmem:v9+s26+$0x0], $0xffff  }
0x270: {  	v15 =	vsub.f32 v27, v15;
	v27 =	vshra.s32 v24, $0x17;
	v19 =	vld.idx.msk [tilespmem:v9+s25+$0x0], $0xffff;
	v26 =	vadd.f32 $3.333333130e-01, v37  }
0x271: {  	v60 =	vmul.f32 $5.000000000e-01, v36;
	v11 =	vadd.s32 v27, v11;
	v20 =	vor.u32 $0x4, v9;
	v38 =	vld.idx.msk [tilespmem:v30+s19+$0x0], $0xffff  }
0x272: {  	v17 =	vor.u32 $0x5, v9;
	v16 =	vor.u32 $0x6, v9;
	v9 =	vld.idx.msk [tilespmem:v14+s19+$0x0], $0xffff;
	v26 =	vmul.f32 v26, v59  }
0x273: {  	v61 =	vcvt.s32.f32 v11;
	v30 =	vld.idx.msk [tilespmem:v35+s19+$0x0], $0xffff  }
0x274: {  	v18 =	vadd.f32 v25, v18;
	v11 =	vshrl.u32 v12, $0x3;
	v24 =	vld.idx.msk [tilespmem:v58+s25+$0x0], $0xffff;
	v25 =	vsub.f32 v26, v60  }
0x275: {  	v15 =	vmul.f32 v15, v15;
	v11 =	vand.u32 $0x1, v11;
	v33 =	vmul.f32 $6.931471820e-01, v61;
	v27 =	vld.idx.msk [tilespmem:v58+s26+$0x0], $0xffff  }
0x276: {  	v28 =	vshrl.u32 v28, $0x3;
	vm0 =	veq.s32 v57, v29;
	v29 =	vld.idx.msk [tilespmem:v34+s26+$0x0], $0xffff;
	v31 =	vadd.f32 v25, v31  }
0x277: {  	s11 =	simm.s32 $0x340;
	vm3 =	veq.s32 v11, $0x0;
	v12 =	vand.u32 $0x1, v28;
	v26 =	vld.idx.msk [tilespmem:v34+s25+$0x0], $0xffff;
	v63 =	vadd.f32 v38, v9  }
0x278: {  	v62 =	vand.u32 v28, v11;
	v25 =	vld [tilespmem:s11+$0x0];
	v32 =	vadd.f32 v30, v9;
	v31 =	vadd.f32 v31, v33  }
0x279: {  	s12 =	simm.s32 $0x30;
	s6 =	simm.s32 $0x20;
	v28 =	vld.idx.msk [tilespmem:v22+s25+$0x0], $0xffff;
	vm2 =	veq.s32 v12, $0x0;
	vm1 =	veq.s32 v62, $0x0;
	v33 =	vsel vm3, $0x3F800000, v63  }
.LBB2_11:
0x27a: {  	p0 =	sne.s32 s12, $0x310;
	v22 =	vld.idx.msk [tilespmem:v22+s26+$0x0], $0xffff;
	v30 =	vsel vm0, v30, v9;
	v32 =	vsel vm2, v33, v32;
	v7 =	vadd.f32 v31, v7  }
0x27b: {  	v19 =	vsub.f32 v19, v21;
	v21 =	vsub.f32 v24, v27;
	v24 =	vld.idx.msk [tilespmem:v20+s25+$0x0], $0xffff;
	v27 =	vsel vm1, v32, v30  }
0x27c: {  	v26 =	vsub.f32 v26, v29;
	v30 =	vshrl.u32 v23, $0x2;
	v20 =	vld.idx.msk [tilespmem:v20+s26+$0x0], $0xffff;
	v29 =	vand.u32 $0x7FFFFF, v27  }
0x27d: {  	v31 =	vshra.s32 v23, $0x2;
	v32 =	vshrl.u32 v25, $0x2;
	v33 =	vld.idx.msk [tilespmem:v17+s25+$0x0], $0xffff;
	v29 =	vor.u32 $0x3F800000, v29  }
0x27e: {  	v31 =	vand.u32 $0xFFFFFFF0, v31;
	v34 =	vshra.s32 v25, $0x2;
	v17 =	vld.idx.msk [tilespmem:v17+s26+$0x0], $0xffff;
	v35 =	vmul.f32 $5.000000000e-01, v29  }
0x27f: {  	v34 =	vand.u32 $0xFFFFFFF0, v34;
	v32 =	vand.u32 $0xF, v32;
	vm0 =	vgt.f32 v29, $1.414213540e+00;
	v36 =	vld.idx.msk [tilespmem:v16+s25+$0x0], $0xffff  }
0x280: {  	v30 =	vand.u32 $0xF, v30;
	v32 =	vor.u32 v32, v34;
	v16 =	vld.idx.msk [tilespmem:v16+s26+$0x0], $0xffff;
	v29 =	vsel vm0, v35, v29  }
0x281: {  	v21 =	vmul.f32 v21, v21;
	v30 =	vor.u32 v30, v31;
	v31 =	vld.idx.msk [tilespmem:v14+s25+$0x0], $0xffff;
	v34 =	vadd.f32 $-1.000000000e+00, v29  }
0x282: {  	v19 =	vmul.f32 v19, v19;
	v26 =	vmul.f32 v26, v26;
	v22 =	vsub.f32 v28, v22;
	v28 =	vld.idx.msk [tilespmem:v14+s26+$0x0], $0xffff  }
0x283: {  	v13 =	vadd.f32 v13, v18;
	v14 =	vsub.f32 v24, v20;
	v20 =	vmul.f32 $1.424932330e-01, v34  }
0x284: {  	v18 =	vadd.f32 v21, v19;
	v19 =	vmul.f32 v22, v22;
	v17 =	vsub.f32 v33, v17  }
0x285: {  	v13 =	vadd.f32 v15, v13;
	v24 =	vmul.f32 v14, v14;
	v21 =	vld.idx.msk [tilespmem:v32+s20+$0x0], $0xffff;
	v14 =	vadd.f32 $-1.666805740e-01, v20  }
0x286: {  	v18 =	vadd.f32 v26, v18;
	v26 =	vmul.f32 v17, v17;
	v16 =	vsub.f32 v36, v16;
	v15 =	vld.idx.msk [tilespmem:v30+s20+$0x0], $0xffff  }
0x287: {  	v11 =	vor.u32 v12, v11;
	v6 =	vadd.f32 v13, v6;
	v12 =	vmul.f32 v14, v34  }
0x288: {  	v18 =	vadd.f32 v19, v18;
	v14 =	vmov s10;
	v13 =	vmul.f32 v16, v16;
	s10 =	smov.u32 s12  }
0x289: {  	v16 =	vshll.u32 v25, $0x3;
	v14 =	vshll.u32 v14, $0x3;
	v12 =	vadd.f32 $2.000071410e-01, v12  }
0x28a: {  	v16 =	vand.u32 $0x18, v16;
	v25 =	vor.u32 v3, v14;
	v14 =	vshll.u32 v23, $0x3  }
0x28b: {  	v17 =	vand.u32 $0x18, v14;
	v23 =	vshra.s32 v21, v16;
	v12 =	vmul.f32 v12, v34  }
0x28c: {  	v14 =	vor.u32 $0x7, v25;
	v29 =	vshra.s32 v15, v17;
	v32 =	vand.u32 $0x7, v23  }
0x28d: {  	v33 =	vand.u32 $0x7, v29;
	v15 =	vor.u32 v25, v32;
	v12 =	vadd.f32 $-2.499999400e-01, v12  }
0x28e: {  	v35 =	vor.u32 $0x1, v25;
	v36 =	vor.u32 $0x2, v25;
	v30 =	vor.u32 v25, v33  }
0x28f: {  	v37 =	vmul.f32 v34, v34;
	v22 =	vor.u32 $0x3, v25;
	v19 =	vld.idx.msk [tilespmem:v25+s25+$0x0], $0xffff;
	v12 =	vmul.f32 v12, v34  }
0x290: {  	v20 =	vor.u32 $0x4, v25;
	v16 =	vor.u32 $0x6, v25;
	v17 =	vor.u32 $0x5, v25;
	v21 =	vld.idx.msk [tilespmem:v25+s26+$0x0], $0xffff  }
0x291: {  	v18 =	vadd.f32 v24, v18;
	v24 =	vmul.f32 v37, v34;
	v25 =	vld.idx.msk [tilespmem:v14+s19+$0x0], $0xffff;
	v12 =	vadd.f32 $3.333333130e-01, v12  }
0x292: {  	v8 =	vadd.s32 v8, v11;
	v27 =	vshra.s32 v27, $0x17;
	v38 =	vld.idx.msk [tilespmem:v15+s19+$0x0], $0xffff;
	v15 =	vsub.f32 v31, v28  }
0x293: {  	v11 =	vsel vm0, $0xFFFFFF82, v2;
	v28 =	vmul.f32 $5.000000000e-01, v37;
	v30 =	vld.idx.msk [tilespmem:v30+s19+$0x0], $0xffff;
	v12 =	vmul.f32 v12, v24  }
0x294: {  	v11 =	vadd.s32 v27, v11;
	v18 =	vadd.f32 v26, v18;
	v24 =	vld.idx.msk [tilespmem:v35+s25+$0x0], $0xffff;
	v15 =	vmul.f32 v15, v15  }
0x295: {  	v10 =	vadd.f32 v9, v10;
	v27 =	vld.idx.msk [tilespmem:v35+s26+$0x0], $0xffff;
	v12 =	vsub.f32 v12, v28;
	v28 =	vcvt.s32.f32 v11  }
.Ltmp5:
0x296: {  	v23 =	vshrl.u32 v23, $0x3;
	vm0 =	veq.s32 v33, v32;
	v31 =	vshrl.u32 v29, $0x3;
	v26 =	vld.idx.msk [tilespmem:v36+s25+$0x0], $0xffff;
	(pc) =	sbr.rel @p0 .LBB2_11-.Ltmp5, $4  }
0x297: {  	s6 =	sadd.s32 $0x10, s6;
	v11 =	vand.u32 $0x1, v23;
	v9 =	vmovc v25;
	v29 =	vld.idx.msk [tilespmem:v36+s26+$0x0], $0xffff;
	v33 =	vadd.f32 v12, v34;
	v28 =	vmul.f32 $6.931471820e-01, v28  }
0x298: {  	s11 =	sadd.s32 $0x10, s11;
	v12 =	vand.u32 $0x1, v31;
	v34 =	vand.u32 v31, v11;
	v35 =	vadd.f32 v38, v9;
	v23 =	vld [tilespmem:s6+$0x0]  }
0x299: {  	vm3 =	veq.s32 v11, $0x0;
	v32 =	vadd.f32 v30, v9;
	v25 =	vld [tilespmem:s11+$0x0];
	v31 =	vadd.f32 v33, v28  }
0x29a: {  	s12 =	sadd.s32 $0x10, s12;
	vm2 =	veq.s32 v12, $0x0;
	vm1 =	veq.s32 v34, $0x0;
	v33 =	vsel vm3, $0x3F800000, v35;
	v28 =	vld.idx.msk [tilespmem:v22+s25+$0x0], $0xffff  }
0x29b: {  	_ =	sdelay $0x2  }
0x29c: {  	v34 =	vshrl.u32 v23, $0x2;
	v35 =	vshrl.u32 v25, $0x2;
	v36 =	vshra.s32 v25, $0x2  }
0x29d: {  	v37 =	vshra.s32 v23, $0x2;
	v36 =	vand.u32 $0xFFFFFFF0, v36;
	v35 =	vand.u32 $0xF, v35  }
0x29e: {  	v37 =	vand.u32 $0xFFFFFFF0, v37;
	v34 =	vand.u32 $0xF, v34;
	v35 =	vor.u32 v35, v36  }
0x29f: {  	v34 =	vor.u32 v34, v37;
	_ =	sdelay $0x3  }
0x2a0: {  	v30 =	vsel vm0, v30, v9;
	v32 =	vsel vm2, v33, v32;
	v58 =	vld.idx.msk [tilespmem:v35+s20+$0x0], $0xffff  }
0x2a1: {  	v30 =	vsel vm1, v32, v30;
	v34 =	vld.idx.msk [tilespmem:v34+s20+$0x0], $0xffff  }
0x2a2: {  	v60 =	vmov s10;
	v32 =	vand.u32 $0x7FFFFF, v30;
	v62 =	vshll.u32 v23, $0x3  }
0x2a3: {  	v32 =	vor.u32 $0x3F800000, v32;
	v61 =	vshll.u32 v25, $0x3;
	v23 =	vand.u32 $0x18, v62  }
0x2a4: {  	v59 =	vmul.f32 $5.000000000e-01, v32;
	v25 =	vand.u32 $0x18, v61;
	v36 =	vshll.u32 v60, $0x3  }
0x2a5: {  	vm11 =	vgt.f32 v32, $1.414213540e+00;
	v36 =	vor.u32 v3, v36;
	v25 =	vshra.s32 v58, v25  }
0x2a6: {  	v33 =	vor.u32 $0x7, v36;
	v23 =	vshra.s32 v34, v23;
	v63 =	vand.u32 $0x7, v25  }
0x2a7: {  	v32 =	vsel vm11, v59, v32;
	v44 =	vand.u32 $0x7, v23;
	v45 =	vor.u32 v36, v63  }
0x2a8: {  	v32 =	vadd.f32 $-1.000000000e+00, v32;
	v39 =	vor.u32 v36, v44;
	_ =	sdelay $0x1  }
0x2a9: {  	v22 =	vld.idx.msk [tilespmem:v22+s26+$0x0], $0xffff;
	v21 =	vsub.f32 v19, v21;
	v24 =	vsub.f32 v24, v27;
	v40 =	vmul.f32 $1.424932330e-01, v32  }
0x2aa: {  	v13 =	vadd.f32 v13, v18;
	v11 =	vor.u32 v12, v11;
	v26 =	vsub.f32 v26, v29;
	v19 =	vld.idx.msk [tilespmem:v33+s19+$0x0], $0xffff  }
0x2ab: {  	v24 =	vmul.f32 v24, v24;
	v21 =	vmul.f32 v21, v21;
	v47 =	vadd.f32 $-1.666805740e-01, v40;
	v48 =	vld.idx.msk [tilespmem:v45+s19+$0x0], $0xffff  }
0x2ac: {  	v7 =	vadd.f32 v31, v7;
	v8 =	vadd.s32 v8, v11;
	v13 =	vadd.f32 v15, v13;
	v49 =	vld.idx.msk [tilespmem:v39+s19+$0x0], $0xffff  }
0x2ad: {  	v26 =	vmul.f32 v26, v26;
	v50 =	vadd.f32 v24, v21;
	v27 =	vmul.f32 v47, v32  }
0x2ae: {  	v38 =	vld.idx.msk [tilespmem:v20+s25+$0x0], $0xffff;
	v22 =	vsub.f32 v28, v22;
	v59 =	vor.u32 $0x1, v36;
	v43 =	vor.u32 $0x2, v36  }
0x2af: {  	v46 =	vld.idx.msk [tilespmem:v20+s26+$0x0], $0xffff;
	v52 =	vadd.f32 $2.000071410e-01, v27;
	v23 =	vshrl.u32 v23, $0x3;
	v25 =	vshrl.u32 v25, $0x3  }
0x2b0: {  	v51 =	vld.idx.msk [tilespmem:v17+s25+$0x0], $0xffff;
	v28 =	vand.u32 $0x1, v23;
	v25 =	vand.u32 $0x1, v25;
	v54 =	vadd.f32 v48, v19  }
0x2b1: {  	v53 =	vld.idx.msk [tilespmem:v17+s26+$0x0], $0xffff;
	vm12 =	veq.s32 v44, v63;
	vm13 =	veq.s32 v25, $0x0;
	v55 =	vadd.f32 v49, v19  }
0x2b2: {  	v56 =	vld.idx.msk [tilespmem:v16+s25+$0x0], $0xffff;
	vm3 =	veq.s32 v28, $0x0;
	v23 =	vand.u32 v23, v25;
	v27 =	vsel vm13, $0x3F800000, v54  }
0x2b3: {  	v60 =	vld.idx.msk [tilespmem:v14+s25+$0x0], $0xffff;
	vm14 =	veq.s32 v23, $0x0;
	v57 =	vsel vm12, v49, v19;
	v27 =	vsel vm3, v27, v55  }
0x2b4: {  	v20 =	vsub.f32 v38, v46;
	v18 =	vadd.f32 v26, v50;
	v50 =	vld.idx.msk [tilespmem:v59+s25+$0x0], $0xffff;
	v23 =	vsel vm14, v27, v57  }
0x2b5: {  	v22 =	vmul.f32 v22, v22;
	v29 =	vld.idx.msk [tilespmem:v59+s26+$0x0], $0xffff;
	v47 =	vor.u32 $0x3, v36;
	v62 =	vand.u32 $0x7FFFFF, v23  }
0x2b6: {  	v30 =	vshra.s32 v30, $0x17;
	v17 =	vsub.f32 v51, v53;
	v53 =	vld.idx.msk [tilespmem:v43+s25+$0x0], $0xffff;
	v24 =	vor.u32 $0x3F800000, v62  }
0x2b7: {  	v20 =	vmul.f32 v20, v20;
	v18 =	vadd.f32 v22, v18;
	v31 =	vld.idx.msk [tilespmem:v43+s26+$0x0], $0xffff;
	v46 =	vmul.f32 $5.000000000e-01, v24  }
0x2b8: {  	v6 =	vadd.f32 v13, v6;
	v51 =	vor.u32 $0x4, v36;
	v58 =	vld.idx.msk [tilespmem:v16+s26+$0x0], $0xffff;
	vm15 =	vgt.f32 v24, $1.414213540e+00  }
0x2b9: {  	v17 =	vmul.f32 v17, v17;
	v18 =	vadd.f32 v20, v18;
	v63 =	vld.idx.msk [tilespmem:v14+s26+$0x0], $0xffff;
	v24 =	vsel vm15, v46, v24  }
0x2ba: {  	v40 =	vsel vm11, $0xFFFFFF82, v2;
	v61 =	vmul.f32 v52, v32;
	v26 =	vld.idx.msk [tilespmem:v47+s26+$0x0], $0xffff;
	v24 =	vadd.f32 $-1.000000000e+00, v24  }
0x2bb: {  	v30 =	vadd.s32 v30, v40;
	v17 =	vadd.f32 v17, v18;
	v29 =	vsub.f32 v50, v29;
	v45 =	vld.idx.msk [tilespmem:v36+s25+$0x0], $0xffff  }
0x2bc: {  	v43 =	vcvt.s32.f32 v30;
	v44 =	vadd.f32 $-2.499999400e-01, v61;
	v48 =	vld.idx.msk [tilespmem:v36+s26+$0x0], $0xffff;
	v55 =	vmul.f32 $1.424932330e-01, v24  }
0x2bd: {  	v31 =	vsub.f32 v53, v31;
	v29 =	vmul.f32 v29, v29;
	v16 =	vsub.f32 v56, v58;
	v56 =	vld.idx.msk [tilespmem:v47+s25+$0x0], $0xffff  }
0x2be: {  	v61 =	vld.idx.msk [tilespmem:v51+s26+$0x0], $0xffff;
	v15 =	vmul.f32 v44, v32;
	v54 =	vor.u32 $0x5, v36;
	v59 =	vadd.f32 $-1.666805740e-01, v55  }
0x2bf: {  	v31 =	vmul.f32 v31, v31;
	v14 =	vsub.f32 v60, v63;
	v60 =	vld.idx.msk [tilespmem:v51+s25+$0x0], $0xffff;
	v16 =	vmul.f32 v16, v16  }
0x2c0: {  	v15 =	vadd.f32 $3.333333130e-01, v15;
	v57 =	vor.u32 $0x6, v36;
	v62 =	vmul.f32 v59, v24  }
0x2c1: {  	v14 =	vmul.f32 v14, v14;
	v16 =	vadd.f32 v16, v17;
	v21 =	vsub.f32 v45, v48  }
0x2c2: {  	v20 =	vsub.f32 v56, v26;
	v49 =	vmul.f32 v32, v32;
	v45 =	vld.idx.msk [tilespmem:v33+s25+$0x0], $0xffff;
	v34 =	vadd.f32 $2.000071410e-01, v62  }
0x2c3: {  	v56 =	vmul.f32 $6.931471820e-01, v43;
	v14 =	vadd.f32 v14, v16;
	v63 =	vld.idx.msk [tilespmem:v54+s25+$0x0], $0xffff;
	v21 =	vmul.f32 v21, v21  }
0x2c4: {  	v18 =	vsub.f32 v60, v61;
	v52 =	vmul.f32 v49, v32;
	v13 =	vld.idx.msk [tilespmem:v54+s26+$0x0], $0xffff;
	v42 =	vmul.f32 v34, v24  }
0x2c5: {  	v60 =	vor.u32 v28, v25;
	v61 =	vadd.f32 v9, v10;
	v41 =	vld.idx.msk [tilespmem:v57+s25+$0x0], $0xffff;
	v21 =	vadd.f32 v29, v21  }
0x2c6: {  	v58 =	vmul.f32 $5.000000000e-01, v49;
	v15 =	vmul.f32 v15, v52;
	v22 =	vld.idx.msk [tilespmem:v57+s26+$0x0], $0xffff;
	v44 =	vadd.f32 $-2.499999400e-01, v42  }
0x2c7: {  	v18 =	vmul.f32 v18, v18;
	v48 =	vld.idx.msk [tilespmem:v33+s26+$0x0], $0xffff;
	v46 =	vmul.f32 v20, v20;
	v47 =	vadd.f32 v31, v21  }
0x2c8: {  	v15 =	vsub.f32 v15, v58;
	v49 =	vmul.f32 v24, v24;
	v27 =	vmul.f32 v44, v24  }
0x2c9: {  	v52 =	vshra.s32 v23, $0x17;
	v13 =	vsub.f32 v63, v13;
	v17 =	vadd.f32 v46, v47  }
0x2ca: {  	v53 =	vsel vm15, $0xFFFFFF82, v2;
	v51 =	vmul.f32 v49, v24;
	v50 =	vadd.f32 $3.333333130e-01, v27  }
0x2cb: {  	v22 =	vsub.f32 v41, v22;
	v13 =	vmul.f32 v13, v13;
	v17 =	vadd.f32 v18, v17  }
0x2cc: {  	v21 =	vsub.f32 v45, v48;
	v54 =	vmul.f32 $5.000000000e-01, v49;
	v20 =	vmul.f32 v50, v51  }
0x2cd: {  	v55 =	vadd.s32 v52, v53;
	v22 =	vmul.f32 v22, v22;
	v13 =	vadd.f32 v13, v17  }
0x2ce: {  	v15 =	vadd.f32 v15, v32;
	v17 =	vcvt.s32.f32 v55;
	v20 =	vsub.f32 v20, v54  }
0x2cf: {  	v6 =	vadd.f32 v14, v6;
	v57 =	vmul.f32 v21, v21;
	v13 =	vadd.f32 v22, v13  }
0x2d0: {  	v15 =	vadd.f32 v15, v56;
	v17 =	vmul.f32 $6.931471820e-01, v17;
	v58 =	vadd.f32 v20, v24  }
0x2d1: {  	v8 =	vadd.s32 v8, v60;
	[tilespmem:$0x166C0] =	vst v5;
	v63 =	vadd.f32 v19, v61;
	v13 =	vadd.f32 v57, v13  }
0x2d2: {  	[tilespmem:$0x166D0] =	vst v4;
	v7 =	vadd.f32 v15, v7;
	v62 =	vcvt.s32.f32 v8;
	v59 =	vadd.f32 v58, v17  }
0x2d3: {  	[tilespmem:$0x166B0] =	vst v63;
	v6 =	vadd.f32 v13, v6  }
0x2d4: {  	[tilespmem:$0x166A0] =	vst v62;
	v7 =	vadd.f32 v59, v7  }
0x2d5: {  	[tilespmem:$0x16680] =	vst v6  }
0x2d6: {  	s6 =	rddreg [dreg:$0xa];
	s16 =	simm.s32 $0x16680;
	s10 =	simm.s32 $0x5;
	[tilespmem:$0x16690] =	vst v7  }
0x2d7: {  	[hbm4b:s6+s2] =	stream.linear.scatter [tilespmem:s16], [sflag:$0x5], $0x60, $0x38;
	[tilespmem:$0x166E0] =	vst v63  }
0x2d8: {  	_ =	swait.ge [sflag:s10], $0x60  }
0x2d9: {  	s11 =	rddreg [dreg:$0xc]  }
0x2da: {  	s17 =	rddreg [dreg:$0xb];
	s11 =	sadd.s32 $0x1, s11  }
0x2db: {  	p0 =	sne.s32 s11, s17  }
.Ltmp6:
0x2dc: {  	_ = 	snop;
	(pc) =	sbr.rel @p0 .LBB2_1-.Ltmp6, $3  }
0x2dd: {  	_ =	sdelay $0x1  }
0x2de: {  	[sflag:s10] =	ssyncset.done $0x0  }
0x2df: {  	[sflag:s10] =	ssyncadd.s32 $0xFFFFFFA0  }
0x2e0: {  	_ =	sfence.sel $0x180000  }
0x2e1: {  	[bflag:$0x0] =	sbarrier.arrive $0xFFFF  }
0x2e2: {  	_ =	strace $0x90000047  }
0x2e3: {  	s0 =	stileid.u32;
	[bflag:$0x2] =	sbarrier.arrive $0xFFFF  }
0x2e4: {  	p0 =	sne.s32 s0, $0x0;
	s0 =	rddreg [dreg:$0x1]  }
0x2e5: {  	s0 =	sadd.s32 @!p0 $0x100000, s0  }
0x2e6: {  	[sflag:s0] =	ssyncadd.tile.s32 @!p0 $0x1;
	_ =	shalt  }
.Lfunc_end2:
_tile_overlayer_lowered:
.L_overlay_start_2:
0x2e7: {  	(tag) =	ssettag $0x2  }
0x2e8: {  	s0 =	rddreg [dreg:$0x0];
	s2 =	stileid.u32  }
0x2e9: {  	s1 =	rddreg [dreg:$0x1];
	p0 =	sne.s32 s2, $0x0  }
0x2ea: {  	s3 =	rddreg [dreg:$0x2];
	[bflag:$0x3] =	sbarrier.arrive $0xFFFF;
	s2 =	simm.s32 @!p0 $0x1C05  }
0x2eb: {  	[timem:s3], [sflag:s2] =	dma.local @!p0 [hbm:s0], s1  }
0x2ec: {  	s0 =	simm.s32 @!p0 $0x5  }
0x2ed: {  	_ =	swait.ge @!p0 [sflag:s0], s1  }
0x2ee: {  	s1 =	ssub.s32 @!p0 $0x0, s1;
	[sflag:s0] =	ssyncset.done @!p0 $0x0  }
0x2ef: {  	[sflag:s0] =	ssyncadd.s32 @!p0 s1  }
0x2f0: {  	[bflag:$0x3] =	sbarrier.arrive $0xFFFF  }
0x2f1: {  	_ =	shalt  }

</sc_bundles>
